<compile_context>
chip_gen: v7x
topology: tpu7x:2x2x1
jax: 0.10.2.dev20260603
libtpu: 0.0.44.dev20260713+nightly
codegen_flags: <defaults>
</compile_context>

<pallas_src>
import functools

import jax
import jax.numpy as jnp
from jax import lax
from jax.experimental import pallas as pl
from jax.experimental.pallas import tpu as pltpu
from jax.experimental.pallas import tpu_sc as plsc

N = 10000
E = 320000
D_IN = 128
H = 8
D = 16
HD = H * D

NC = 2
NS = 16
NW = NC * NS
EPT = E // NW
CH = 200
CHH = 100
NCHUNK = EPT // CH
NP = 10240
RT = NP // NS
ZR = 128

_mesh = plsc.VectorSubcoreMesh(core_axis_name="c", subcore_axis_name="s")


def _tc1_body(fsrc_ref, fdst_ref, w_ref, wes_ref, wed_ref,
              fs_ref, es_ref, ed_ref, mes_ref, med_ref):
    i = pl.program_id(0)
    fs_ref[...] = jnp.dot(fsrc_ref[...], w_ref[...],
                          preferred_element_type=jnp.float32)
    es = jnp.dot(fsrc_ref[...], wes_ref[...],
                 preferred_element_type=jnp.float32)
    ed = jnp.dot(fdst_ref[...], wed_ref[...],
                 preferred_element_type=jnp.float32)
    es_ref[...] = es
    ed_ref[...] = ed
    mes = jnp.max(es, axis=0, keepdims=True)
    med = jnp.max(ed, axis=0, keepdims=True)

    @pl.when(i == 0)
    def _():
        mes_ref[...] = mes
        med_ref[...] = med

    @pl.when(i > 0)
    def _():
        mes_ref[...] = jnp.maximum(mes_ref[...], mes)
        med_ref[...] = jnp.maximum(med_ref[...], med)


def _tc1(feat_src, feat_dst, w_src, w_es16, w_ed16):
    blk = 1000
    grid = N // blk
    return pl.pallas_call(
        _tc1_body,
        grid=(grid,),
        in_specs=[
            pl.BlockSpec((blk, D_IN), lambda i: (i, 0)),
            pl.BlockSpec((blk, D_IN), lambda i: (i, 0)),
            pl.BlockSpec((D_IN, HD), lambda i: (0, 0)),
            pl.BlockSpec((D_IN, 16), lambda i: (0, 0)),
            pl.BlockSpec((D_IN, 16), lambda i: (0, 0)),
        ],
        out_specs=[
            pl.BlockSpec((blk, HD), lambda i: (i, 0)),
            pl.BlockSpec((blk, 16), lambda i: (i, 0)),
            pl.BlockSpec((blk, 16), lambda i: (i, 0)),
            pl.BlockSpec((1, 16), lambda i: (0, 0)),
            pl.BlockSpec((1, 16), lambda i: (0, 0)),
        ],
        out_shape=[
            jax.ShapeDtypeStruct((N, HD), jnp.float32),
            jax.ShapeDtypeStruct((N, 16), jnp.float32),
            jax.ShapeDtypeStruct((N, 16), jnp.float32),
            jax.ShapeDtypeStruct((1, 16), jnp.float32),
            jax.ShapeDtypeStruct((1, 16), jnp.float32),
        ],
    )(feat_src, feat_dst, w_src, w_es16, w_ed16)


@functools.partial(
    pl.kernel,
    out_type=[
        jax.ShapeDtypeStruct((E, 16), jnp.float32),
        jax.ShapeDtypeStruct((NC * NP, 16), jnp.float32),
    ],
    mesh=_mesh,
    compiler_params=pltpu.CompilerParams(use_tc_tiling_on_sc=False),
    scratch_types=[
        pltpu.VMEM((4 * NCHUNK, CHH), jnp.int32),
        pltpu.VMEM((CH, 16), jnp.float32),
        pltpu.VMEM((CH, 16), jnp.float32),
        pltpu.VMEM((CH, 16), jnp.float32),
        pltpu.VMEM((16,), jnp.float32),
        pltpu.VMEM((RT, 16), jnp.float32),
        pltpu.VMEM_SHARED((NP, 16), jnp.float32),
        pltpu.SemaphoreType.DMA,
        pltpu.SemaphoreType.DMA,
        pltpu.SemaphoreType.DMA,
        pltpu.SemaphoreType.DMA,
    ],
)
def _sc_a(ei2_h, es_h, ed_h, c_h, p_h, sp_h,
          sdb, esb, edb, pb, cb, zb, s_sh, sem1, sem2, sem3, sem4):
    cid = lax.axis_index("c")
    sid = lax.axis_index("s")
    wid = cid * NS + sid

    def _zrow(i, carry):
        zb[i] = jnp.zeros((16,), jnp.float32)
        return carry
    lax.fori_loop(0, RT, _zrow, 0)
    pltpu.sync_copy(zb, s_sh.at[pl.ds(sid * RT, RT)])
    plsc.subcore_barrier()

    pltpu.sync_copy(c_h, cb)
    cv = cb[...]

    base0 = wid * EPT
    pltpu.sync_copy(ei2_h.at[pl.ds(4 * wid * NCHUNK, 4 * NCHUNK)], sdb)

    def _chunk(j, carry):
        base = base0 + j * CH
        d1 = pltpu.async_copy(es_h.at[sdb.at[4 * j]], esb.at[pl.ds(0, CHH)],
                              sem1)
        d2 = pltpu.async_copy(es_h.at[sdb.at[4 * j + 1]],
                              esb.at[pl.ds(CHH, CHH)], sem1)
        d3 = pltpu.async_copy(ed_h.at[sdb.at[4 * j + 2]],
                              edb.at[pl.ds(0, CHH)], sem2)
        d4 = pltpu.async_copy(ed_h.at[sdb.at[4 * j + 3]],
                              edb.at[pl.ds(CHH, CHH)], sem2)
        d1.wait()
        d2.wait()
        d3.wait()
        d4.wait()

        U = 8

        def _inner(k, c2):
            for u in range(U):
                kk = k * U + u
                e = esb[kk] + edb[kk]
                e = jnp.where(e > 0, e, e * 0.01)
                pb[kk] = jnp.exp(e - cv)
            return c2
        lax.fori_loop(0, CH // U, _inner, 0)

        d5 = pltpu.async_copy(pb, p_h.at[pl.ds(base, CH)], sem3)
        d6 = pltpu.async_copy(pb.at[pl.ds(0, CHH)], s_sh.at[sdb.at[4 * j + 2]],
                              sem4, add=True)
        d7 = pltpu.async_copy(pb.at[pl.ds(CHH, CHH)],
                              s_sh.at[sdb.at[4 * j + 3]], sem4, add=True)
        d5.wait()
        d6.wait()
        d7.wait()
        return carry
    lax.fori_loop(0, NCHUNK, _chunk, 0)

    plsc.subcore_barrier()
    pltpu.sync_copy(s_sh.at[pl.ds(sid * RT, RT)],
                    sp_h.at[pl.ds(cid * NP + sid * RT, RT)])


def _tc2_body(sp_ref, rinv_ref):
    s = sp_ref[0:NP, :] + sp_ref[NP:2 * NP, :]
    rinv_ref[...] = 1.0 / s


def _tc2(sp):
    return pl.pallas_call(
        _tc2_body,
        out_shape=jax.ShapeDtypeStruct((NP, 16), jnp.float32),
    )(sp)


@functools.partial(
    pl.kernel,
    out_type=jax.ShapeDtypeStruct((NC * NP, HD), jnp.float32),
    mesh=_mesh,
    compiler_params=pltpu.CompilerParams(use_tc_tiling_on_sc=False),
    scratch_types=[
        pltpu.VMEM((4, CHH), jnp.int32),
        pltpu.VMEM((CH, HD), jnp.float32),
        pltpu.VMEM((CH, 16), jnp.float32),
        pltpu.VMEM((CH, 16), jnp.float32),
        pltpu.VMEM((ZR, HD), jnp.float32),
        pltpu.VMEM_SHARED((NP, HD), jnp.float32),
        pltpu.SemaphoreType.DMA,
        pltpu.SemaphoreType.DMA,
        pltpu.SemaphoreType.DMA,
    ],
)
def _sc_c(ei2_h, fs_h, rv_h, p_h, op_h,
          sdb, fsb, rvb, pb, zb, o_sh, sem1, sem2, sem3):
    cid = lax.axis_index("c")
    sid = lax.axis_index("s")
    wid = cid * NS + sid

    def _zrow(i, carry):
        for l in range(HD // 16):
            zb[i, pl.ds(l * 16, 16)] = jnp.zeros((16,), jnp.float32)
        return carry
    lax.fori_loop(0, ZR, _zrow, 0)
    for rep in range(RT // ZR):
        pltpu.sync_copy(zb, o_sh.at[pl.ds(sid * RT + rep * ZR, ZR)])
    plsc.subcore_barrier()

    base0 = wid * EPT

    def _chunk(j, carry):
        base = base0 + j * CH
        g = wid * NCHUNK + j
        pltpu.sync_copy(ei2_h.at[pl.ds(4 * g, 4)], sdb)
        d1 = pltpu.async_copy(fs_h.at[sdb.at[0]], fsb.at[pl.ds(0, CHH)], sem1)
        d2 = pltpu.async_copy(fs_h.at[sdb.at[1]], fsb.at[pl.ds(CHH, CHH)],
                              sem1)
        d3 = pltpu.async_copy(rv_h.at[sdb.at[2]], rvb.at[pl.ds(0, CHH)], sem2)
        d4 = pltpu.async_copy(rv_h.at[sdb.at[3]], rvb.at[pl.ds(CHH, CHH)],
                              sem2)
        d5 = pltpu.async_copy(p_h.at[pl.ds(base, CH)], pb, sem3)
        d3.wait()
        d4.wait()
        d5.wait()

        def _half(k0):
            def _edge(k2, c2):
                for q in range(2):
                    k = k0 + k2 * 2 + q
                    av = pb[k] * rvb[k]
                    for h in range(H):
                        a = av[h]
                        fsb[k, pl.ds(h * D, D)] = fsb[k, pl.ds(h * D, D)] * a
                return c2
            lax.fori_loop(0, CHH // 2, _edge, 0)

        d1.wait()
        _half(0)
        d6 = pltpu.async_copy(fsb.at[pl.ds(0, CHH)], o_sh.at[sdb.at[2]],
                              sem1, add=True)
        d2.wait()
        _half(CHH)
        d7 = pltpu.async_copy(fsb.at[pl.ds(CHH, CHH)], o_sh.at[sdb.at[3]],
                              sem2, add=True)
        d6.wait()
        d7.wait()
        return carry
    lax.fori_loop(0, NCHUNK, _chunk, 0)

    plsc.subcore_barrier()
    for rep in range(RT // ZR):
        pltpu.sync_copy(o_sh.at[pl.ds(sid * RT + rep * ZR, ZR)],
                        op_h.at[pl.ds(cid * NP + sid * RT + rep * ZR, ZR)])


def _tc3_body(o0_ref, o1_ref, out_ref):
    out_ref[...] = jnp.maximum(o0_ref[...] + o1_ref[...], 0.0)


def _tc3(op):
    blk = 1024
    grid = NP // blk
    return pl.pallas_call(
        _tc3_body,
        grid=(grid,),
        in_specs=[
            pl.BlockSpec((blk, HD), lambda i: (i, 0)),
            pl.BlockSpec((blk, HD), lambda i: (NP // blk + i, 0)),
        ],
        out_specs=pl.BlockSpec((blk, HD), lambda i: (i, 0)),
        out_shape=jax.ShapeDtypeStruct((NP, HD), jnp.float32),
    )(op, op)


def kernel(feat_src, feat_dst, edge_index, dst_trans_weight, src_trans_weight,
           rel_emb, rel_trans_weight):
    ei = edge_index.astype(jnp.int32)
    src2 = ei[0].reshape(E // CH, 2, CHH)
    dst2 = ei[1].reshape(E // CH, 2, CHH)
    ei2 = jnp.concatenate([src2, dst2], axis=1).reshape(4 * (E // CH), CHH)

    rel_attn = jnp.matmul(rel_emb[None, :], rel_trans_weight).reshape(H, 2 * D)
    w_es = (src_trans_weight.reshape(D_IN, H, D)
            * rel_attn[:, D:][None]).sum(-1)
    w_ed = (dst_trans_weight.reshape(D_IN, H, D)
            * rel_attn[:, :D][None]).sum(-1)
    pad = jnp.zeros((D_IN, 16 - H), jnp.float32)
    w_es16 = jnp.concatenate([w_es, pad], axis=1)
    w_ed16 = jnp.concatenate([w_ed, pad], axis=1)

    fs, es16, ed16, mes, med = _tc1(feat_src, feat_dst, src_trans_weight,
                                    w_es16, w_ed16)
    c16 = jnp.maximum(mes + med, 0.0).reshape(16)

    p16, sp = _sc_a(ei2, es16, ed16, c16)
    rinv16 = _tc2(sp)
    op = _sc_c(ei2, fs, rinv16, p16)
    return _tc3(op)[:N]

# --- scband reference (transcript-rebuilt; emitter-appended) ---
"""Pipeline reference for scband-relation-graph-conv-77129022701791 (READ-ONLY COPY).

The authoritative reference and input builder live on the scoring server;
editing this copy changes nothing except your own understanding.
"""

import jax, jax.numpy as jnp
import numpy as np

N_NODES = 10000
N_EDGES = 320000
D_IN = 128
H = 8
D = 16
REL_DIM = 64

def setup_inputs(seed: int = 0) -> dict:
    key = jax.random.key(seed)
    ks = jax.random.split(key, 7)
    feat_src = jax.random.normal(ks[0], (N_NODES, D_IN), dtype=jnp.float32)
    feat_dst = jax.random.normal(ks[1], (N_NODES, D_IN), dtype=jnp.float32)
    edge_index = jax.random.randint(ks[2], (2, N_EDGES), 0, N_NODES, dtype=jnp.int64)
    dst_trans_weight = jax.random.normal(ks[3], (D_IN, H * D), dtype=jnp.float32) * 0.05
    src_trans_weight = jax.random.normal(ks[4], (D_IN, H * D), dtype=jnp.float32) * 0.05
    rel_emb = jax.random.normal(ks[5], (REL_DIM,), dtype=jnp.float32)
    rel_trans_weight = jax.random.normal(ks[6], (REL_DIM, H * 2 * D), dtype=jnp.float32) * 0.05
    return {"feat_src": feat_src, "feat_dst": feat_dst, "edge_index": edge_index,
            "dst_trans_weight": dst_trans_weight, "src_trans_weight": src_trans_weight,
            "rel_emb": rel_emb, "rel_trans_weight": rel_trans_weight}

def reference(feat_src, feat_dst, edge_index, dst_trans_weight, src_trans_weight, rel_emb, rel_trans_weight):
    # dropout(p=0.0) is identity
    fs = jnp.matmul(feat_src, src_trans_weight).reshape(-1, H, D)
    fd = jnp.matmul(feat_dst, dst_trans_weight).reshape(-1, H, D)
    rel_attn = jnp.matmul(rel_emb[None, :], rel_trans_weight).reshape(H, 2 * D)
    e_dst = jnp.sum(fd * rel_attn[:, :D], axis=-1, keepdims=True)  # (N, H, 1)
    e_src = jnp.sum(fs * rel_attn[:, D:], axis=-1, keepdims=True)  # (N, H, 1)
    src = edge_index[0]
    dst = edge_index[1]
    e = e_src[src] + e_dst[dst]  # (E, H, 1)
    # torch nn.LeakyReLU() default negative_slope = 0.01 (module ignores its init arg)
    e = jnp.where(e > 0, e, 0.01 * e)
    # edge softmax over incoming edges of each dst node
    m = jax.ops.segment_max(e, dst, num_segments=N_NODES)  # (N, H, 1)
    a = jnp.exp(e - m[dst])
    s = jax.ops.segment_sum(a, dst, num_segments=N_NODES)
    a = a / s[dst]
    msg = fs[src] * a  # (E, H, D)
    out = jax.ops.segment_sum(msg, dst, num_segments=N_NODES)  # (N, H, D)
    out = out.reshape(-1, H * D)
    return jnp.maximum(out, 0.0)

if __name__ == "__main__":
    import jax
    _d = setup_inputs()
    print(jax.jit(kernel)(*tuple(_d.values())))

</pallas_src>

<mosaic_0001>
#map = affine_map<(d0, d1) -> (0, 0)>
#map1 = affine_map<(d0, d1) -> (0)>
module attributes {stable_mosaic.version = 14 : i64} {
  func.func @_sc_a(%arg0: i32, %arg1: i32, %arg2: memref<6400x100xi32, #tpu.memory_space<hbm>>, %arg3: memref<10000x16xf32, #tpu.memory_space<hbm>>, %arg4: memref<10000x16xf32, #tpu.memory_space<hbm>>, %arg5: memref<16xf32, #tpu.memory_space<hbm>>, %arg6: memref<320000x16xf32, #tpu.memory_space<hbm>>, %arg7: memref<20480x16xf32, #tpu.memory_space<hbm>>, %arg8: memref<200x100xi32, #tpu.memory_space<vmem>>, %arg9: memref<200x16xf32, #tpu.memory_space<vmem>>, %arg10: memref<200x16xf32, #tpu.memory_space<vmem>>, %arg11: memref<200x16xf32, #tpu.memory_space<vmem>>, %arg12: memref<16xf32, #tpu.memory_space<vmem>>, %arg13: memref<640x16xf32, #tpu.memory_space<vmem>>, %arg14: memref<10240x16xf32, #tpu.memory_space<vmem_shared>>, %arg15: memref<!tpu.dma_semaphore, #tpu.memory_space<semaphore_mem>>, %arg16: memref<!tpu.dma_semaphore, #tpu.memory_space<semaphore_mem>>, %arg17: memref<!tpu.dma_semaphore, #tpu.memory_space<semaphore_mem>>, %arg18: memref<!tpu.dma_semaphore, #tpu.memory_space<semaphore_mem>>) attributes {dimension_semantics = [#tpu.dimension_semantics<core_parallel>, #tpu.dimension_semantics<subcore_parallel>], iteration_bounds = array<i64: 2, 16>, scalar_prefetch = 0 : i64, scratch_operands = 11 : i64, tpu.core_type = #tpu.core_type<sc_vector_subcore>, window_params = [{transform_indices = #map}, {transform_indices = #map}, {transform_indices = #map}, {transform_indices = #map1}, {transform_indices = #map}, {transform_indices = #map}]} {
    %mul3A = arith.constant 16 : i32
    %mul3A_0 = arith.muli %arg0, %mul3A : i32
    %add3A = arith.addi %mul3A_0, %arg1 : i32
    %scan3A = arith.constant 0 : i32
    %scan3A_1 = arith.constant 0 : i32
    %scan3A_2 = arith.constant 640 : i32
    %scan3A_3 = arith.addi %scan3A_1, %scan3A_2 : i32
    %scan3A_4 = arith.constant 1 : i32
    scf.for %scan3A_30 = %scan3A_1 to %scan3A_3 step %scan3A_4  : i32 {
      %broadcast_in_dim3A = arith.constant 0.000000e+00 : f32
      %broadcast_in_dim3A_31 = vector.broadcast %broadcast_in_dim3A : f32 to vector<16xf32>
      %swap3A = arith.index_cast %scan3A_30 : i32 to index
      %swap3A_32 = arith.constant 0 : index
      %swap3A_33 = tpu.vector_load %arg13[%swap3A, %swap3A_32] {strides = array<i32>} : memref<640x16xf32, #tpu.memory_space<vmem>>, vector<1x16xf32>,
      %swap3A_34 = vector.shape_cast %swap3A_33 : vector<1x16xf32> to vector<16xf32>
      %swap3A_35 = vector.shape_cast %broadcast_in_dim3A_31 : vector<16xf32> to vector<1x16xf32>
      tpu.vector_store %arg13[%swap3A, %swap3A_32], %swap3A_35 {strides = array<i32>} : memref<640x16xf32, #tpu.memory_space<vmem>>, vector<1x16xf32>,
    }
    %scan3A_5 = arith.constant 640 : i32
    %mul3A_6 = arith.constant 640 : i32
    %mul3A_7 = arith.muli %arg1, %mul3A_6 : i32
    "tpu.region"() ({
      %run_scoped3A = tpu.sem_alloc : memref<!tpu.dma_semaphore, #tpu.memory_space<semaphore_mem>>
      %dma_start3A = arith.constant 0 : i32
      %dma_start3A_30 = tpu.memref_slice %arg14[%mul3A_7, %dma_start3A] : memref<10240x16xf32, #tpu.memory_space<vmem_shared>> -> memref<640x16xf32, #tpu.memory_space<vmem_shared>>
      %dma_start3A_31 = arith.constant 0 : i32
      %dma_start3A_32 = tpu.memref_slice %arg14[%mul3A_7, %dma_start3A_31] : memref<10240x16xf32, #tpu.memory_space<vmem_shared>> -> memref<640x16xf32, #tpu.memory_space<vmem_shared>>
      tpu.enqueue_dma source(%arg13 : memref<640x16xf32, #tpu.memory_space<vmem>>) target(%dma_start3A_32 : memref<640x16xf32, #tpu.memory_space<vmem_shared>>) target_semaphore(%run_scoped3A : memref<!tpu.dma_semaphore, #tpu.memory_space<semaphore_mem>>)
      %dma_wait3A = arith.constant 0 : i32
      %dma_wait3A_33 = tpu.memref_slice %arg14[%mul3A_7, %dma_wait3A] : memref<10240x16xf32, #tpu.memory_space<vmem_shared>> -> memref<640x16xf32, #tpu.memory_space<vmem_shared>>
      %dma_wait3A_34 = arith.constant 0 : i32
      %dma_wait3A_35 = tpu.memref_slice %arg14[%mul3A_7, %dma_wait3A_34] : memref<10240x16xf32, #tpu.memory_space<vmem_shared>> -> memref<640x16xf32, #tpu.memory_space<vmem_shared>>
      tpu.wait_dma2 semaphore(%run_scoped3A : memref<!tpu.dma_semaphore, #tpu.memory_space<semaphore_mem>>) src(%arg13 : memref<640x16xf32, #tpu.memory_space<vmem>>) dst(%dma_wait3A_35 : memref<640x16xf32, #tpu.memory_space<vmem_shared>>)
      tpu.yield
    }) : () -> ()
    %barrier3A = arith.constant 0 : index
    tpu.barrier barrier_id(%barrier3A)
    "tpu.region"() ({
      %run_scoped3A = tpu.sem_alloc : memref<!tpu.dma_semaphore, #tpu.memory_space<semaphore_mem>>
      tpu.enqueue_dma source(%arg5 : memref<16xf32, #tpu.memory_space<hbm>>) target(%arg12 : memref<16xf32, #tpu.memory_space<vmem>>) target_semaphore(%run_scoped3A : memref<!tpu.dma_semaphore, #tpu.memory_space<semaphore_mem>>)
      tpu.wait_dma2 semaphore(%run_scoped3A : memref<!tpu.dma_semaphore, #tpu.memory_space<semaphore_mem>>) src(%arg5 : memref<16xf32, #tpu.memory_space<hbm>>) dst(%arg12 : memref<16xf32, #tpu.memory_space<vmem>>)
      tpu.yield
    }) : () -> ()
    %get3A = arith.constant 0 : index
    %get3A_8 = tpu.vector_load %arg12[%get3A] {strides = array<i32>} : memref<16xf32, #tpu.memory_space<vmem>>, vector<16xf32>,
    %get3A_9 = vector.shape_cast %get3A_8 : vector<16xf32> to vector<16xf32>
    %mul3A_10 = arith.constant 10000 : i32
    %mul3A_11 = arith.muli %add3A, %mul3A_10 : i32
    %mul3A_12 = arith.constant 4 : i32
    %mul3A_13 = arith.muli %mul3A_12, %add3A : i32
    %mul3A_14 = arith.constant 50 : i32
    %mul3A_15 = arith.muli %mul3A_13, %mul3A_14 : i32
    "tpu.region"() ({
      %run_scoped3A = tpu.sem_alloc : memref<!tpu.dma_semaphore, #tpu.memory_space<semaphore_mem>>
      %dma_start3A = arith.constant 0 : i32
      %dma_start3A_30 = tpu.memref_slice %arg2[%mul3A_15, %dma_start3A] : memref<6400x100xi32, #tpu.memory_space<hbm>> -> memref<200x100xi32, #tpu.memory_space<hbm>>
      %dma_start3A_31 = arith.constant 0 : i32
      %dma_start3A_32 = tpu.memref_slice %arg2[%mul3A_15, %dma_start3A_31] : memref<6400x100xi32, #tpu.memory_space<hbm>> -> memref<200x100xi32, #tpu.memory_space<hbm>>
      tpu.enqueue_dma source(%dma_start3A_32 : memref<200x100xi32, #tpu.memory_space<hbm>>) target(%arg8 : memref<200x100xi32, #tpu.memory_space<vmem>>) target_semaphore(%run_scoped3A : memref<!tpu.dma_semaphore, #tpu.memory_space<semaphore_mem>>)
      %dma_wait3A = arith.constant 0 : i32
      %dma_wait3A_33 = tpu.memref_slice %arg2[%mul3A_15, %dma_wait3A] : memref<6400x100xi32, #tpu.memory_space<hbm>> -> memref<200x100xi32, #tpu.memory_space<hbm>>
      %dma_wait3A_34 = arith.constant 0 : i32
      %dma_wait3A_35 = tpu.memref_slice %arg2[%mul3A_15, %dma_wait3A_34] : memref<6400x100xi32, #tpu.memory_space<hbm>> -> memref<200x100xi32, #tpu.memory_space<hbm>>
      tpu.wait_dma2 semaphore(%run_scoped3A : memref<!tpu.dma_semaphore, #tpu.memory_space<semaphore_mem>>) src(%dma_wait3A_35 : memref<200x100xi32, #tpu.memory_space<hbm>>) dst(%arg8 : memref<200x100xi32, #tpu.memory_space<vmem>>)
      tpu.yield
    }) : () -> ()
    %scan3A_16 = arith.constant 0 : i32
    %scan3A_17 = arith.constant 0 : i32
    %scan3A_18 = arith.constant 50 : i32
    %scan3A_19 = arith.addi %scan3A_17, %scan3A_18 : i32
    %scan3A_20 = arith.constant 1 : i32
    scf.for %scan3A_30 = %scan3A_17 to %scan3A_19 step %scan3A_20  : i32 {
      %mul3A_31 = arith.constant 200 : i32
      %mul3A_32 = arith.muli %scan3A_30, %mul3A_31 : i32
      %add3A_33 = arith.addi %mul3A_11, %mul3A_32 : i32
      %mul3A_34 = arith.constant 4 : i32
      %mul3A_35 = arith.muli %mul3A_34, %scan3A_30 : i32
      %dma_start3A = arith.constant 0 : i32
      %dma_start3A_36 = arith.constant 0 : i32
      %dma_start3A_37 = tpu.memref_slice %arg9[%dma_start3A, %dma_start3A_36] : memref<200x16xf32, #tpu.memory_space<vmem>> -> memref<100x16xf32, #tpu.memory_space<vmem>>
      %dma_start3A_38 = arith.constant 0 : i32
      %dma_start3A_39 = tpu.memref_slice %arg8[%mul3A_35, %dma_start3A_38] : memref<200x100xi32, #tpu.memory_space<vmem>> -> memref<1x100xi32, #tpu.memory_space<vmem>>
      %dma_start3A_40 = tpu.memref_squeeze %dma_start3A_39 : memref<1x100xi32, #tpu.memory_space<vmem>> -> memref<100xi32, #tpu.memory_space<vmem>>
      %dma_start3A_41 = arith.constant 0 : i32
      %dma_start3A_42 = arith.constant 0 : i32
      %dma_start3A_43 = tpu.memref_slice %arg3[%dma_start3A_41, %dma_start3A_42] : memref<10000x16xf32, #tpu.memory_space<hbm>> -> memref<10000x16xf32, #tpu.memory_space<hbm>>
      tpu.enqueue_indirect_dma source(%dma_start3A_43 : memref<10000x16xf32, #tpu.memory_space<hbm>>) target(%dma_start3A_37 : memref<100x16xf32, #tpu.memory_space<vmem>>) offsets(%dma_start3A_40 : memref<100xi32, #tpu.memory_space<vmem>>) semaphore(%arg15 : memref<!tpu.dma_semaphore, #tpu.memory_space<semaphore_mem>>)
      %mul3A_44 = arith.constant 4 : i32
      %mul3A_45 = arith.muli %mul3A_44, %scan3A_30 : i32
      %add3A_46 = arith.constant 1 : i32
      %add3A_47 = arith.addi %mul3A_45, %add3A_46 : i32
      %dma_start3A_48 = arith.constant 100 : i32
      %dma_start3A_49 = arith.constant 0 : i32
      %dma_start3A_50 = tpu.memref_slice %arg9[%dma_start3A_48, %dma_start3A_49] : memref<200x16xf32, #tpu.memory_space<vmem>> -> memref<100x16xf32, #tpu.memory_space<vmem>>
      %dma_start3A_51 = arith.constant 0 : i32
      %dma_start3A_52 = tpu.memref_slice %arg8[%add3A_47, %dma_start3A_51] : memref<200x100xi32, #tpu.memory_space<vmem>> -> memref<1x100xi32, #tpu.memory_space<vmem>>
      %dma_start3A_53 = tpu.memref_squeeze %dma_start3A_52 : memref<1x100xi32, #tpu.memory_space<vmem>> -> memref<100xi32, #tpu.memory_space<vmem>>
      %dma_start3A_54 = arith.constant 0 : i32
      %dma_start3A_55 = arith.constant 0 : i32
      %dma_start3A_56 = tpu.memref_slice %arg3[%dma_start3A_54, %dma_start3A_55] : memref<10000x16xf32, #tpu.memory_space<hbm>> -> memref<10000x16xf32, #tpu.memory_space<hbm>>
      tpu.enqueue_indirect_dma source(%dma_start3A_56 : memref<10000x16xf32, #tpu.memory_space<hbm>>) target(%dma_start3A_50 : memref<100x16xf32, #tpu.memory_space<vmem>>) offsets(%dma_start3A_53 : memref<100xi32, #tpu.memory_space<vmem>>) semaphore(%arg15 : memref<!tpu.dma_semaphore, #tpu.memory_space<semaphore_mem>>)
      %mul3A_57 = arith.constant 4 : i32
      %mul3A_58 = arith.muli %mul3A_57, %scan3A_30 : i32
      %add3A_59 = arith.constant 2 : i32
      %add3A_60 = arith.addi %mul3A_58, %add3A_59 : i32
      %dma_start3A_61 = arith.constant 0 : i32
      %dma_start3A_62 = arith.constant 0 : i32
      %dma_start3A_63 = tpu.memref_slice %arg10[%dma_start3A_61, %dma_start3A_62] : memref<200x16xf32, #tpu.memory_space<vmem>> -> memref<100x16xf32, #tpu.memory_space<vmem>>
      %dma_start3A_64 = arith.constant 0 : i32
      %dma_start3A_65 = tpu.memref_slice %arg8[%add3A_60, %dma_start3A_64] : memref<200x100xi32, #tpu.memory_space<vmem>> -> memref<1x100xi32, #tpu.memory_space<vmem>>
      %dma_start3A_66 = tpu.memref_squeeze %dma_start3A_65 : memref<1x100xi32, #tpu.memory_space<vmem>> -> memref<100xi32, #tpu.memory_space<vmem>>
      %dma_start3A_67 = arith.constant 0 : i32
      %dma_start3A_68 = arith.constant 0 : i32
      %dma_start3A_69 = tpu.memref_slice %arg4[%dma_start3A_67, %dma_start3A_68] : memref<10000x16xf32, #tpu.memory_space<hbm>> -> memref<10000x16xf32, #tpu.memory_space<hbm>>
      tpu.enqueue_indirect_dma source(%dma_start3A_69 : memref<10000x16xf32, #tpu.memory_space<hbm>>) target(%dma_start3A_63 : memref<100x16xf32, #tpu.memory_space<vmem>>) offsets(%dma_start3A_66 : memref<100xi32, #tpu.memory_space<vmem>>) semaphore(%arg16 : memref<!tpu.dma_semaphore, #tpu.memory_space<semaphore_mem>>)
      %mul3A_70 = arith.constant 4 : i32
      %mul3A_71 = arith.muli %mul3A_70, %scan3A_30 : i32
      %add3A_72 = arith.constant 3 : i32
      %add3A_73 = arith.addi %mul3A_71, %add3A_72 : i32
      %dma_start3A_74 = arith.constant 100 : i32
      %dma_start3A_75 = arith.constant 0 : i32
      %dma_start3A_76 = tpu.memref_slice %arg10[%dma_start3A_74, %dma_start3A_75] : memref<200x16xf32, #tpu.memory_space<vmem>> -> memref<100x16xf32, #tpu.memory_space<vmem>>
      %dma_start3A_77 = arith.constant 0 : i32
      %dma_start3A_78 = tpu.memref_slice %arg8[%add3A_73, %dma_start3A_77] : memref<200x100xi32, #tpu.memory_space<vmem>> -> memref<1x100xi32, #tpu.memory_space<vmem>>
      %dma_start3A_79 = tpu.memref_squeeze %dma_start3A_78 : memref<1x100xi32, #tpu.memory_space<vmem>> -> memref<100xi32, #tpu.memory_space<vmem>>
      %dma_start3A_80 = arith.constant 0 : i32
      %dma_start3A_81 = arith.constant 0 : i32
      %dma_start3A_82 = tpu.memref_slice %arg4[%dma_start3A_80, %dma_start3A_81] : memref<10000x16xf32, #tpu.memory_space<hbm>> -> memref<10000x16xf32, #tpu.memory_space<hbm>>
      tpu.enqueue_indirect_dma source(%dma_start3A_82 : memref<10000x16xf32, #tpu.memory_space<hbm>>) target(%dma_start3A_76 : memref<100x16xf32, #tpu.memory_space<vmem>>) offsets(%dma_start3A_79 : memref<100xi32, #tpu.memory_space<vmem>>) semaphore(%arg16 : memref<!tpu.dma_semaphore, #tpu.memory_space<semaphore_mem>>)
      %dma_wait3A = arith.constant 0 : i32
      %dma_wait3A_83 = arith.constant 0 : i32
      %dma_wait3A_84 = tpu.memref_slice %arg9[%dma_wait3A, %dma_wait3A_83] : memref<200x16xf32, #tpu.memory_space<vmem>> -> memref<100x16xf32, #tpu.memory_space<vmem>>
      %dma_wait3A_85 = arith.constant 0 : i32
      %dma_wait3A_86 = tpu.memref_slice %arg8[%mul3A_35, %dma_wait3A_85] : memref<200x100xi32, #tpu.memory_space<vmem>> -> memref<1x100xi32, #tpu.memory_space<vmem>>
      %dma_wait3A_87 = tpu.memref_squeeze %dma_wait3A_86 : memref<1x100xi32, #tpu.memory_space<vmem>> -> memref<100xi32, #tpu.memory_space<vmem>>
      %dma_wait3A_88 = arith.constant 0 : i32
      %dma_wait3A_89 = arith.constant 0 : i32
      %dma_wait3A_90 = tpu.memref_slice %arg3[%dma_wait3A_88, %dma_wait3A_89] : memref<10000x16xf32, #tpu.memory_space<hbm>> -> memref<10000x16xf32, #tpu.memory_space<hbm>>
      tpu.wait_indirect_dma semaphore(%arg15 : memref<!tpu.dma_semaphore, #tpu.memory_space<semaphore_mem>>) src(%dma_wait3A_90 : memref<10000x16xf32, #tpu.memory_space<hbm>>) dst(%dma_wait3A_84 : memref<100x16xf32, #tpu.memory_space<vmem>>)
      %dma_wait3A_91 = arith.constant 100 : i32
      %dma_wait3A_92 = arith.constant 0 : i32
      %dma_wait3A_93 = tpu.memref_slice %arg9[%dma_wait3A_91, %dma_wait3A_92] : memref<200x16xf32, #tpu.memory_space<vmem>> -> memref<100x16xf32, #tpu.memory_space<vmem>>
      %dma_wait3A_94 = arith.constant 0 : i32
      %dma_wait3A_95 = tpu.memref_slice %arg8[%add3A_47, %dma_wait3A_94] : memref<200x100xi32, #tpu.memory_space<vmem>> -> memref<1x100xi32, #tpu.memory_space<vmem>>
      %dma_wait3A_96 = tpu.memref_squeeze %dma_wait3A_95 : memref<1x100xi32, #tpu.memory_space<vmem>> -> memref<100xi32, #tpu.memory_space<vmem>>
      %dma_wait3A_97 = arith.constant 0 : i32
      %dma_wait3A_98 = arith.constant 0 : i32
      %dma_wait3A_99 = tpu.memref_slice %arg3[%dma_wait3A_97, %dma_wait3A_98] : memref<10000x16xf32, #tpu.memory_space<hbm>> -> memref<10000x16xf32, #tpu.memory_space<hbm>>
      tpu.wait_indirect_dma semaphore(%arg15 : memref<!tpu.dma_semaphore, #tpu.memory_space<semaphore_mem>>) src(%dma_wait3A_99 : memref<10000x16xf32, #tpu.memory_space<hbm>>) dst(%dma_wait3A_93 : memref<100x16xf32, #tpu.memory_space<vmem>>)
      %dma_wait3A_100 = arith.constant 0 : i32
      %dma_wait3A_101 = arith.constant 0 : i32
      %dma_wait3A_102 = tpu.memref_slice %arg10[%dma_wait3A_100, %dma_wait3A_101] : memref<200x16xf32, #tpu.memory_space<vmem>> -> memref<100x16xf32, #tpu.memory_space<vmem>>
      %dma_wait3A_103 = arith.constant 0 : i32
      %dma_wait3A_104 = tpu.memref_slice %arg8[%add3A_60, %dma_wait3A_103] : memref<200x100xi32, #tpu.memory_space<vmem>> -> memref<1x100xi32, #tpu.memory_space<vmem>>
      %dma_wait3A_105 = tpu.memref_squeeze %dma_wait3A_104 : memref<1x100xi32, #tpu.memory_space<vmem>> -> memref<100xi32, #tpu.memory_space<vmem>>
      %dma_wait3A_106 = arith.constant 0 : i32
      %dma_wait3A_107 = arith.constant 0 : i32
      %dma_wait3A_108 = tpu.memref_slice %arg4[%dma_wait3A_106, %dma_wait3A_107] : memref<10000x16xf32, #tpu.memory_space<hbm>> -> memref<10000x16xf32, #tpu.memory_space<hbm>>
      tpu.wait_indirect_dma semaphore(%arg16 : memref<!tpu.dma_semaphore, #tpu.memory_space<semaphore_mem>>) src(%dma_wait3A_108 : memref<10000x16xf32, #tpu.memory_space<hbm>>) dst(%dma_wait3A_102 : memref<100x16xf32, #tpu.memory_space<vmem>>)
      %dma_wait3A_109 = arith.constant 100 : i32
      %dma_wait3A_110 = arith.constant 0 : i32
      %dma_wait3A_111 = tpu.memref_slice %arg10[%dma_wait3A_109, %dma_wait3A_110] : memref<200x16xf32, #tpu.memory_space<vmem>> -> memref<100x16xf32, #tpu.memory_space<vmem>>
      %dma_wait3A_112 = arith.constant 0 : i32
      %dma_wait3A_113 = tpu.memref_slice %arg8[%add3A_73, %dma_wait3A_112] : memref<200x100xi32, #tpu.memory_space<vmem>> -> memref<1x100xi32, #tpu.memory_space<vmem>>
      %dma_wait3A_114 = tpu.memref_squeeze %dma_wait3A_113 : memref<1x100xi32, #tpu.memory_space<vmem>> -> memref<100xi32, #tpu.memory_space<vmem>>
      %dma_wait3A_115 = arith.constant 0 : i32
      %dma_wait3A_116 = arith.constant 0 : i32
      %dma_wait3A_117 = tpu.memref_slice %arg4[%dma_wait3A_115, %dma_wait3A_116] : memref<10000x16xf32, #tpu.memory_space<hbm>> -> memref<10000x16xf32, #tpu.memory_space<hbm>>
      tpu.wait_indirect_dma semaphore(%arg16 : memref<!tpu.dma_semaphore, #tpu.memory_space<semaphore_mem>>) src(%dma_wait3A_117 : memref<10000x16xf32, #tpu.memory_space<hbm>>) dst(%dma_wait3A_111 : memref<100x16xf32, #tpu.memory_space<vmem>>)
      %scan3A_118 = arith.constant 0 : i32
      %scan3A_119 = arith.constant 0 : i32
      %scan3A_120 = arith.constant 25 : i32
      %scan3A_121 = arith.addi %scan3A_119, %scan3A_120 : i32
      %scan3A_122 = arith.constant 1 : i32
      scf.for %scan3A_176 = %scan3A_119 to %scan3A_121 step %scan3A_122  : i32 {
        %mul3A_177 = arith.constant 8 : i32
        %mul3A_178 = arith.muli %scan3A_176, %mul3A_177 : i32
        %add3A_179 = arith.constant 0 : i32
        %add3A_180 = arith.addi %mul3A_178, %add3A_179 : i32
        %get3A_181 = arith.index_cast %add3A_180 : i32 to index
        %get3A_182 = arith.constant 0 : index
        %get3A_183 = tpu.vector_load %arg9[%get3A_181, %get3A_182] {strides = array<i32>} : memref<200x16xf32, #tpu.memory_space<vmem>>, vector<1x16xf32>,
        %get3A_184 = vector.shape_cast %get3A_183 : vector<1x16xf32> to vector<16xf32>
        %get3A_185 = arith.index_cast %add3A_180 : i32 to index
        %get3A_186 = arith.constant 0 : index
        %get3A_187 = tpu.vector_load %arg10[%get3A_185, %get3A_186] {strides = array<i32>} : memref<200x16xf32, #tpu.memory_space<vmem>>, vector<1x16xf32>,
        %get3A_188 = vector.shape_cast %get3A_187 : vector<1x16xf32> to vector<16xf32>
        %add3A_189 = arith.addf %get3A_184, %get3A_188 : vector<16xf32>
        %gt3A = arith.constant 0.000000e+00 : f32
        %gt3A_190 = vector.broadcast %gt3A : f32 to vector<16xf32>
        %gt3A_191 = arith.cmpf ogt, %add3A_189, %gt3A_190 : vector<16xf32>
        %mul3A_192 = arith.constant 0.00999999977 : f32
        %mul3A_193 = vector.broadcast %mul3A_192 : f32 to vector<16xf32>
        %mul3A_194 = arith.mulf %add3A_189, %mul3A_193 : vector<16xf32>
        %select_n3A = arith.select %gt3A_191, %add3A_189, %mul3A_194 : vector<16xi1>, vector<16xf32>
        %sub3A = arith.subf %select_n3A, %get3A_9 : vector<16xf32>
        %exp3A = math.exp %sub3A : vector<16xf32>
        %swap3A = arith.index_cast %add3A_180 : i32 to index
        %swap3A_195 = arith.constant 0 : index
        %swap3A_196 = tpu.vector_load %arg11[%swap3A, %swap3A_195] {strides = array<i32>} : memref<200x16xf32, #tpu.memory_space<vmem>>, vector<1x16xf32>,
        %swap3A_197 = vector.shape_cast %swap3A_196 : vector<1x16xf32> to vector<16xf32>
        %swap3A_198 = vector.shape_cast %exp3A : vector<16xf32> to vector<1x16xf32>
        tpu.vector_store %arg11[%swap3A, %swap3A_195], %swap3A_198 {strides = array<i32>} : memref<200x16xf32, #tpu.memory_space<vmem>>, vector<1x16xf32>,
        %mul3A_199 = arith.constant 8 : i32
        %mul3A_200 = arith.muli %scan3A_176, %mul3A_199 : i32
        %add3A_201 = arith.constant 1 : i32
        %add3A_202 = arith.addi %mul3A_200, %add3A_201 : i32
        %get3A_203 = arith.index_cast %add3A_202 : i32 to index
        %get3A_204 = arith.constant 0 : index
        %get3A_205 = tpu.vector_load %arg9[%get3A_203, %get3A_204] {strides = array<i32>} : memref<200x16xf32, #tpu.memory_space<vmem>>, vector<1x16xf32>,
        %get3A_206 = vector.shape_cast %get3A_205 : vector<1x16xf32> to vector<16xf32>
        %get3A_207 = arith.index_cast %add3A_202 : i32 to index
        %get3A_208 = arith.constant 0 : index
        %get3A_209 = tpu.vector_load %arg10[%get3A_207, %get3A_208] {strides = array<i32>} : memref<200x16xf32, #tpu.memory_space<vmem>>, vector<1x16xf32>,
        %get3A_210 = vector.shape_cast %get3A_209 : vector<1x16xf32> to vector<16xf32>
        %add3A_211 = arith.addf %get3A_206, %get3A_210 : vector<16xf32>
        %gt3A_212 = arith.constant 0.000000e+00 : f32
        %gt3A_213 = vector.broadcast %gt3A_212 : f32 to vector<16xf32>
        %gt3A_214 = arith.cmpf ogt, %add3A_211, %gt3A_213 : vector<16xf32>
        %mul3A_215 = arith.constant 0.00999999977 : f32
        %mul3A_216 = vector.broadcast %mul3A_215 : f32 to vector<16xf32>
        %mul3A_217 = arith.mulf %add3A_211, %mul3A_216 : vector<16xf32>
        %select_n3A_218 = arith.select %gt3A_214, %add3A_211, %mul3A_217 : vector<16xi1>, vector<16xf32>
        %sub3A_219 = arith.subf %select_n3A_218, %get3A_9 : vector<16xf32>
        %exp3A_220 = math.exp %sub3A_219 : vector<16xf32>
        %swap3A_221 = arith.index_cast %add3A_202 : i32 to index
        %swap3A_222 = arith.constant 0 : index
        %swap3A_223 = tpu.vector_load %arg11[%swap3A_221, %swap3A_222] {strides = array<i32>} : memref<200x16xf32, #tpu.memory_space<vmem>>, vector<1x16xf32>,
        %swap3A_224 = vector.shape_cast %swap3A_223 : vector<1x16xf32> to vector<16xf32>
        %swap3A_225 = vector.shape_cast %exp3A_220 : vector<16xf32> to vector<1x16xf32>
        tpu.vector_store %arg11[%swap3A_221, %swap3A_222], %swap3A_225 {strides = array<i32>} : memref<200x16xf32, #tpu.memory_space<vmem>>, vector<1x16xf32>,
        %mul3A_226 = arith.constant 8 : i32
        %mul3A_227 = arith.muli %scan3A_176, %mul3A_226 : i32
        %add3A_228 = arith.constant 2 : i32
        %add3A_229 = arith.addi %mul3A_227, %add3A_228 : i32
        %get3A_230 = arith.index_cast %add3A_229 : i32 to index
        %get3A_231 = arith.constant 0 : index
        %get3A_232 = tpu.vector_load %arg9[%get3A_230, %get3A_231] {strides = array<i32>} : memref<200x16xf32, #tpu.memory_space<vmem>>, vector<1x16xf32>,
        %get3A_233 = vector.shape_cast %get3A_232 : vector<1x16xf32> to vector<16xf32>
        %get3A_234 = arith.index_cast %add3A_229 : i32 to index
        %get3A_235 = arith.constant 0 : index
        %get3A_236 = tpu.vector_load %arg10[%get3A_234, %get3A_235] {strides = array<i32>} : memref<200x16xf32, #tpu.memory_space<vmem>>, vector<1x16xf32>,
        %get3A_237 = vector.shape_cast %get3A_236 : vector<1x16xf32> to vector<16xf32>
        %add3A_238 = arith.addf %get3A_233, %get3A_237 : vector<16xf32>
        %gt3A_239 = arith.constant 0.000000e+00 : f32
        %gt3A_240 = vector.broadcast %gt3A_239 : f32 to vector<16xf32>
        %gt3A_241 = arith.cmpf ogt, %add3A_238, %gt3A_240 : vector<16xf32>
        %mul3A_242 = arith.constant 0.00999999977 : f32
        %mul3A_243 = vector.broadcast %mul3A_242 : f32 to vector<16xf32>
        %mul3A_244 = arith.mulf %add3A_238, %mul3A_243 : vector<16xf32>
        %select_n3A_245 = arith.select %gt3A_241, %add3A_238, %mul3A_244 : vector<16xi1>, vector<16xf32>
        %sub3A_246 = arith.subf %select_n3A_245, %get3A_9 : vector<16xf32>
        %exp3A_247 = math.exp %sub3A_246 : vector<16xf32>
        %swap3A_248 = arith.index_cast %add3A_229 : i32 to index
        %swap3A_249 = arith.constant 0 : index
        %swap3A_250 = tpu.vector_load %arg11[%swap3A_248, %swap3A_249] {strides = array<i32>} : memref<200x16xf32, #tpu.memory_space<vmem>>, vector<1x16xf32>,
        %swap3A_251 = vector.shape_cast %swap3A_250 : vector<1x16xf32> to vector<16xf32>
        %swap3A_252 = vector.shape_cast %exp3A_247 : vector<16xf32> to vector<1x16xf32>
        tpu.vector_store %arg11[%swap3A_248, %swap3A_249], %swap3A_252 {strides = array<i32>} : memref<200x16xf32, #tpu.memory_space<vmem>>, vector<1x16xf32>,
        %mul3A_253 = arith.constant 8 : i32
        %mul3A_254 = arith.muli %scan3A_176, %mul3A_253 : i32
        %add3A_255 = arith.constant 3 : i32
        %add3A_256 = arith.addi %mul3A_254, %add3A_255 : i32
        %get3A_257 = arith.index_cast %add3A_256 : i32 to index
        %get3A_258 = arith.constant 0 : index
        %get3A_259 = tpu.vector_load %arg9[%get3A_257, %get3A_258] {strides = array<i32>} : memref<200x16xf32, #tpu.memory_space<vmem>>, vector<1x16xf32>,
        %get3A_260 = vector.shape_cast %get3A_259 : vector<1x16xf32> to vector<16xf32>
        %get3A_261 = arith.index_cast %add3A_256 : i32 to index
        %get3A_262 = arith.constant 0 : index
        %get3A_263 = tpu.vector_load %arg10[%get3A_261, %get3A_262] {strides = array<i32>} : memref<200x16xf32, #tpu.memory_space<vmem>>, vector<1x16xf32>,
        %get3A_264 = vector.shape_cast %get3A_263 : vector<1x16xf32> to vector<16xf32>
        %add3A_265 = arith.addf %get3A_260, %get3A_264 : vector<16xf32>
        %gt3A_266 = arith.constant 0.000000e+00 : f32
        %gt3A_267 = vector.broadcast %gt3A_266 : f32 to vector<16xf32>
        %gt3A_268 = arith.cmpf ogt, %add3A_265, %gt3A_267 : vector<16xf32>
        %mul3A_269 = arith.constant 0.00999999977 : f32
        %mul3A_270 = vector.broadcast %mul3A_269 : f32 to vector<16xf32>
        %mul3A_271 = arith.mulf %add3A_265, %mul3A_270 : vector<16xf32>
        %select_n3A_272 = arith.select %gt3A_268, %add3A_265, %mul3A_271 : vector<16xi1>, vector<16xf32>
        %sub3A_273 = arith.subf %select_n3A_272, %get3A_9 : vector<16xf32>
        %exp3A_274 = math.exp %sub3A_273 : vector<16xf32>
        %swap3A_275 = arith.index_cast %add3A_256 : i32 to index
        %swap3A_276 = arith.constant 0 : index
        %swap3A_277 = tpu.vector_load %arg11[%swap3A_275, %swap3A_276] {strides = array<i32>} : memref<200x16xf32, #tpu.memory_space<vmem>>, vector<1x16xf32>,
        %swap3A_278 = vector.shape_cast %swap3A_277 : vector<1x16xf32> to vector<16xf32>
        %swap3A_279 = vector.shape_cast %exp3A_274 : vector<16xf32> to vector<1x16xf32>
        tpu.vector_store %arg11[%swap3A_275, %swap3A_276], %swap3A_279 {strides = array<i32>} : memref<200x16xf32, #tpu.memory_space<vmem>>, vector<1x16xf32>,
        %mul3A_280 = arith.constant 8 : i32
        %mul3A_281 = arith.muli %scan3A_176, %mul3A_280 : i32
        %add3A_282 = arith.constant 4 : i32
        %add3A_283 = arith.addi %mul3A_281, %add3A_282 : i32
        %get3A_284 = arith.index_cast %add3A_283 : i32 to index
        %get3A_285 = arith.constant 0 : index
        %get3A_286 = tpu.vector_load %arg9[%get3A_284, %get3A_285] {strides = array<i32>} : memref<200x16xf32, #tpu.memory_space<vmem>>, vector<1x16xf32>,
        %get3A_287 = vector.shape_cast %get3A_286 : vector<1x16xf32> to vector<16xf32>
        %get3A_288 = arith.index_cast %add3A_283 : i32 to index
        %get3A_289 = arith.constant 0 : index
        %get3A_290 = tpu.vector_load %arg10[%get3A_288, %get3A_289] {strides = array<i32>} : memref<200x16xf32, #tpu.memory_space<vmem>>, vector<1x16xf32>,
        %get3A_291 = vector.shape_cast %get3A_290 : vector<1x16xf32> to vector<16xf32>
        %add3A_292 = arith.addf %get3A_287, %get3A_291 : vector<16xf32>
        %gt3A_293 = arith.constant 0.000000e+00 : f32
        %gt3A_294 = vector.broadcast %gt3A_293 : f32 to vector<16xf32>
        %gt3A_295 = arith.cmpf ogt, %add3A_292, %gt3A_294 : vector<16xf32>
        %mul3A_296 = arith.constant 0.00999999977 : f32
        %mul3A_297 = vector.broadcast %mul3A_296 : f32 to vector<16xf32>
        %mul3A_298 = arith.mulf %add3A_292, %mul3A_297 : vector<16xf32>
        %select_n3A_299 = arith.select %gt3A_295, %add3A_292, %mul3A_298 : vector<16xi1>, vector<16xf32>
        %sub3A_300 = arith.subf %select_n3A_299, %get3A_9 : vector<16xf32>
        %exp3A_301 = math.exp %sub3A_300 : vector<16xf32>
        %swap3A_302 = arith.index_cast %add3A_283 : i32 to index
        %swap3A_303 = arith.constant 0 : index
        %swap3A_304 = tpu.vector_load %arg11[%swap3A_302, %swap3A_303] {strides = array<i32>} : memref<200x16xf32, #tpu.memory_space<vmem>>, vector<1x16xf32>,
        %swap3A_305 = vector.shape_cast %swap3A_304 : vector<1x16xf32> to vector<16xf32>
        %swap3A_306 = vector.shape_cast %exp3A_301 : vector<16xf32> to vector<1x16xf32>
        tpu.vector_store %arg11[%swap3A_302, %swap3A_303], %swap3A_306 {strides = array<i32>} : memref<200x16xf32, #tpu.memory_space<vmem>>, vector<1x16xf32>,
        %mul3A_307 = arith.constant 8 : i32
        %mul3A_308 = arith.muli %scan3A_176, %mul3A_307 : i32
        %add3A_309 = arith.constant 5 : i32
        %add3A_310 = arith.addi %mul3A_308, %add3A_309 : i32
        %get3A_311 = arith.index_cast %add3A_310 : i32 to index
        %get3A_312 = arith.constant 0 : index
        %get3A_313 = tpu.vector_load %arg9[%get3A_311, %get3A_312] {strides = array<i32>} : memref<200x16xf32, #tpu.memory_space<vmem>>, vector<1x16xf32>,
        %get3A_314 = vector.shape_cast %get3A_313 : vector<1x16xf32> to vector<16xf32>
        %get3A_315 = arith.index_cast %add3A_310 : i32 to index
        %get3A_316 = arith.constant 0 : index
        %get3A_317 = tpu.vector_load %arg10[%get3A_315, %get3A_316] {strides = array<i32>} : memref<200x16xf32, #tpu.memory_space<vmem>>, vector<1x16xf32>,
        %get3A_318 = vector.shape_cast %get3A_317 : vector<1x16xf32> to vector<16xf32>
        %add3A_319 = arith.addf %get3A_314, %get3A_318 : vector<16xf32>
        %gt3A_320 = arith.constant 0.000000e+00 : f32
        %gt3A_321 = vector.broadcast %gt3A_320 : f32 to vector<16xf32>
        %gt3A_322 = arith.cmpf ogt, %add3A_319, %gt3A_321 : vector<16xf32>
        %mul3A_323 = arith.constant 0.00999999977 : f32
        %mul3A_324 = vector.broadcast %mul3A_323 : f32 to vector<16xf32>
        %mul3A_325 = arith.mulf %add3A_319, %mul3A_324 : vector<16xf32>
        %select_n3A_326 = arith.select %gt3A_322, %add3A_319, %mul3A_325 : vector<16xi1>, vector<16xf32>
        %sub3A_327 = arith.subf %select_n3A_326, %get3A_9 : vector<16xf32>
        %exp3A_328 = math.exp %sub3A_327 : vector<16xf32>
        %swap3A_329 = arith.index_cast %add3A_310 : i32 to index
        %swap3A_330 = arith.constant 0 : index
        %swap3A_331 = tpu.vector_load %arg11[%swap3A_329, %swap3A_330] {strides = array<i32>} : memref<200x16xf32, #tpu.memory_space<vmem>>, vector<1x16xf32>,
        %swap3A_332 = vector.shape_cast %swap3A_331 : vector<1x16xf32> to vector<16xf32>
        %swap3A_333 = vector.shape_cast %exp3A_328 : vector<16xf32> to vector<1x16xf32>
        tpu.vector_store %arg11[%swap3A_329, %swap3A_330], %swap3A_333 {strides = array<i32>} : memref<200x16xf32, #tpu.memory_space<vmem>>, vector<1x16xf32>,
        %mul3A_334 = arith.constant 8 : i32
        %mul3A_335 = arith.muli %scan3A_176, %mul3A_334 : i32
        %add3A_336 = arith.constant 6 : i32
        %add3A_337 = arith.addi %mul3A_335, %add3A_336 : i32
        %get3A_338 = arith.index_cast %add3A_337 : i32 to index
        %get3A_339 = arith.constant 0 : index
        %get3A_340 = tpu.vector_load %arg9[%get3A_338, %get3A_339] {strides = array<i32>} : memref<200x16xf32, #tpu.memory_space<vmem>>, vector<1x16xf32>,
        %get3A_341 = vector.shape_cast %get3A_340 : vector<1x16xf32> to vector<16xf32>
        %get3A_342 = arith.index_cast %add3A_337 : i32 to index
        %get3A_343 = arith.constant 0 : index
        %get3A_344 = tpu.vector_load %arg10[%get3A_342, %get3A_343] {strides = array<i32>} : memref<200x16xf32, #tpu.memory_space<vmem>>, vector<1x16xf32>,
        %get3A_345 = vector.shape_cast %get3A_344 : vector<1x16xf32> to vector<16xf32>
        %add3A_346 = arith.addf %get3A_341, %get3A_345 : vector<16xf32>
        %gt3A_347 = arith.constant 0.000000e+00 : f32
        %gt3A_348 = vector.broadcast %gt3A_347 : f32 to vector<16xf32>
        %gt3A_349 = arith.cmpf ogt, %add3A_346, %gt3A_348 : vector<16xf32>
        %mul3A_350 = arith.constant 0.00999999977 : f32
        %mul3A_351 = vector.broadcast %mul3A_350 : f32 to vector<16xf32>
        %mul3A_352 = arith.mulf %add3A_346, %mul3A_351 : vector<16xf32>
        %select_n3A_353 = arith.select %gt3A_349, %add3A_346, %mul3A_352 : vector<16xi1>, vector<16xf32>
        %sub3A_354 = arith.subf %select_n3A_353, %get3A_9 : vector<16xf32>
        %exp3A_355 = math.exp %sub3A_354 : vector<16xf32>
        %swap3A_356 = arith.index_cast %add3A_337 : i32 to index
        %swap3A_357 = arith.constant 0 : index
        %swap3A_358 = tpu.vector_load %arg11[%swap3A_356, %swap3A_357] {strides = array<i32>} : memref<200x16xf32, #tpu.memory_space<vmem>>, vector<1x16xf32>,
        %swap3A_359 = vector.shape_cast %swap3A_358 : vector<1x16xf32> to vector<16xf32>
        %swap3A_360 = vector.shape_cast %exp3A_355 : vector<16xf32> to vector<1x16xf32>
        tpu.vector_store %arg11[%swap3A_356, %swap3A_357], %swap3A_360 {strides = array<i32>} : memref<200x16xf32, #tpu.memory_space<vmem>>, vector<1x16xf32>,
        %mul3A_361 = arith.constant 8 : i32
        %mul3A_362 = arith.muli %scan3A_176, %mul3A_361 : i32
        %add3A_363 = arith.constant 7 : i32
        %add3A_364 = arith.addi %mul3A_362, %add3A_363 : i32
        %get3A_365 = arith.index_cast %add3A_364 : i32 to index
        %get3A_366 = arith.constant 0 : index
        %get3A_367 = tpu.vector_load %arg9[%get3A_365, %get3A_366] {strides = array<i32>} : memref<200x16xf32, #tpu.memory_space<vmem>>, vector<1x16xf32>,
        %get3A_368 = vector.shape_cast %get3A_367 : vector<1x16xf32> to vector<16xf32>
        %get3A_369 = arith.index_cast %add3A_364 : i32 to index
        %get3A_370 = arith.constant 0 : index
        %get3A_371 = tpu.vector_load %arg10[%get3A_369, %get3A_370] {strides = array<i32>} : memref<200x16xf32, #tpu.memory_space<vmem>>, vector<1x16xf32>,
        %get3A_372 = vector.shape_cast %get3A_371 : vector<1x16xf32> to vector<16xf32>
        %add3A_373 = arith.addf %get3A_368, %get3A_372 : vector<16xf32>
        %gt3A_374 = arith.constant 0.000000e+00 : f32
        %gt3A_375 = vector.broadcast %gt3A_374 : f32 to vector<16xf32>
        %gt3A_376 = arith.cmpf ogt, %add3A_373, %gt3A_375 : vector<16xf32>
        %mul3A_377 = arith.constant 0.00999999977 : f32
        %mul3A_378 = vector.broadcast %mul3A_377 : f32 to vector<16xf32>
        %mul3A_379 = arith.mulf %add3A_373, %mul3A_378 : vector<16xf32>
        %select_n3A_380 = arith.select %gt3A_376, %add3A_373, %mul3A_379 : vector<16xi1>, vector<16xf32>
        %sub3A_381 = arith.subf %select_n3A_380, %get3A_9 : vector<16xf32>
        %exp3A_382 = math.exp %sub3A_381 : vector<16xf32>
        %swap3A_383 = arith.index_cast %add3A_364 : i32 to index
        %swap3A_384 = arith.constant 0 : index
        %swap3A_385 = tpu.vector_load %arg11[%swap3A_383, %swap3A_384] {strides = array<i32>} : memref<200x16xf32, #tpu.memory_space<vmem>>, vector<1x16xf32>,
        %swap3A_386 = vector.shape_cast %swap3A_385 : vector<1x16xf32> to vector<16xf32>
        %swap3A_387 = vector.shape_cast %exp3A_382 : vector<16xf32> to vector<1x16xf32>
        tpu.vector_store %arg11[%swap3A_383, %swap3A_384], %swap3A_387 {strides = array<i32>} : memref<200x16xf32, #tpu.memory_space<vmem>>, vector<1x16xf32>,
      }
      %scan3A_123 = arith.constant 25 : i32
      %dma_start3A_124 = arith.constant 0 : i32
      %dma_start3A_125 = tpu.memref_slice %arg6[%add3A_33, %dma_start3A_124] : memref<320000x16xf32, #tpu.memory_space<hbm>> -> memref<200x16xf32, #tpu.memory_space<hbm>>
      %dma_start3A_126 = arith.constant 0 : i32
      %dma_start3A_127 = tpu.memref_slice %arg6[%add3A_33, %dma_start3A_126] : memref<320000x16xf32, #tpu.memory_space<hbm>> -> memref<200x16xf32, #tpu.memory_space<hbm>>
      tpu.enqueue_dma source(%arg11 : memref<200x16xf32, #tpu.memory_space<vmem>>) target(%dma_start3A_127 : memref<200x16xf32, #tpu.memory_space<hbm>>) target_semaphore(%arg17 : memref<!tpu.dma_semaphore, #tpu.memory_space<semaphore_mem>>)
      %mul3A_128 = arith.constant 4 : i32
      %mul3A_129 = arith.muli %mul3A_128, %scan3A_30 : i32
      %add3A_130 = arith.constant 2 : i32
      %add3A_131 = arith.addi %mul3A_129, %add3A_130 : i32
      %dma_start3A_132 = arith.constant 0 : i32
      %dma_start3A_133 = arith.constant 0 : i32
      %dma_start3A_134 = tpu.memref_slice %arg11[%dma_start3A_132, %dma_start3A_133] : memref<200x16xf32, #tpu.memory_space<vmem>> -> memref<100x16xf32, #tpu.memory_space<vmem>>
      %dma_start3A_135 = arith.constant 0 : i32
      %dma_start3A_136 = tpu.memref_slice %arg8[%add3A_131, %dma_start3A_135] : memref<200x100xi32, #tpu.memory_space<vmem>> -> memref<1x100xi32, #tpu.memory_space<vmem>>
      %dma_start3A_137 = tpu.memref_squeeze %dma_start3A_136 : memref<1x100xi32, #tpu.memory_space<vmem>> -> memref<100xi32, #tpu.memory_space<vmem>>
      %dma_start3A_138 = arith.constant 0 : i32
      %dma_start3A_139 = arith.constant 0 : i32
      %dma_start3A_140 = tpu.memref_slice %arg14[%dma_start3A_138, %dma_start3A_139] : memref<10240x16xf32, #tpu.memory_space<vmem_shared>> -> memref<10240x16xf32, #tpu.memory_space<vmem_shared>>
      tpu.enqueue_indirect_dma source(%dma_start3A_134 : memref<100x16xf32, #tpu.memory_space<vmem>>) target(%dma_start3A_140 : memref<10240x16xf32, #tpu.memory_space<vmem_shared>>) offsets(%dma_start3A_137 : memref<100xi32, #tpu.memory_space<vmem>>) semaphore(%arg18 : memref<!tpu.dma_semaphore, #tpu.memory_space<semaphore_mem>>) {add = true}
      %mul3A_141 = arith.constant 4 : i32
      %mul3A_142 = arith.muli %mul3A_141, %scan3A_30 : i32
      %add3A_143 = arith.constant 3 : i32
      %add3A_144 = arith.addi %mul3A_142, %add3A_143 : i32
      %dma_start3A_145 = arith.constant 100 : i32
      %dma_start3A_146 = arith.constant 0 : i32
      %dma_start3A_147 = tpu.memref_slice %arg11[%dma_start3A_145, %dma_start3A_146] : memref<200x16xf32, #tpu.memory_space<vmem>> -> memref<100x16xf32, #tpu.memory_space<vmem>>
      %dma_start3A_148 = arith.constant 0 : i32
      %dma_start3A_149 = tpu.memref_slice %arg8[%add3A_144, %dma_start3A_148] : memref<200x100xi32, #tpu.memory_space<vmem>> -> memref<1x100xi32, #tpu.memory_space<vmem>>
      %dma_start3A_150 = tpu.memref_squeeze %dma_start3A_149 : memref<1x100xi32, #tpu.memory_space<vmem>> -> memref<100xi32, #tpu.memory_space<vmem>>
      %dma_start3A_151 = arith.constant 0 : i32
      %dma_start3A_152 = arith.constant 0 : i32
      %dma_start3A_153 = tpu.memref_slice %arg14[%dma_start3A_151, %dma_start3A_152] : memref<10240x16xf32, #tpu.memory_space<vmem_shared>> -> memref<10240x16xf32, #tpu.memory_space<vmem_shared>>
      tpu.enqueue_indirect_dma source(%dma_start3A_147 : memref<100x16xf32, #tpu.memory_space<vmem>>) target(%dma_start3A_153 : memref<10240x16xf32, #tpu.memory_space<vmem_shared>>) offsets(%dma_start3A_150 : memref<100xi32, #tpu.memory_space<vmem>>) semaphore(%arg18 : memref<!tpu.dma_semaphore, #tpu.memory_space<semaphore_mem>>) {add = true}
      %dma_wait3A_154 = arith.constant 0 : i32
      %dma_wait3A_155 = tpu.memref_slice %arg6[%add3A_33, %dma_wait3A_154] : memref<320000x16xf32, #tpu.memory_space<hbm>> -> memref<200x16xf32, #tpu.memory_space<hbm>>
      %dma_wait3A_156 = arith.constant 0 : i32
      %dma_wait3A_157 = tpu.memref_slice %arg6[%add3A_33, %dma_wait3A_156] : memref<320000x16xf32, #tpu.memory_space<hbm>> -> memref<200x16xf32, #tpu.memory_space<hbm>>
      tpu.wait_dma2 semaphore(%arg17 : memref<!tpu.dma_semaphore, #tpu.memory_space<semaphore_mem>>) src(%arg11 : memref<200x16xf32, #tpu.memory_space<vmem>>) dst(%dma_wait3A_157 : memref<200x16xf32, #tpu.memory_space<hbm>>)
      %dma_wait3A_158 = arith.constant 0 : i32
      %dma_wait3A_159 = arith.constant 0 : i32
      %dma_wait3A_160 = tpu.memref_slice %arg11[%dma_wait3A_158, %dma_wait3A_159] : memref<200x16xf32, #tpu.memory_space<vmem>> -> memref<100x16xf32, #tpu.memory_space<vmem>>
      %dma_wait3A_161 = arith.constant 0 : i32
      %dma_wait3A_162 = tpu.memref_slice %arg8[%add3A_131, %dma_wait3A_161] : memref<200x100xi32, #tpu.memory_space<vmem>> -> memref<1x100xi32, #tpu.memory_space<vmem>>
      %dma_wait3A_163 = tpu.memref_squeeze %dma_wait3A_162 : memref<1x100xi32, #tpu.memory_space<vmem>> -> memref<100xi32, #tpu.memory_space<vmem>>
      %dma_wait3A_164 = arith.constant 0 : i32
      %dma_wait3A_165 = arith.constant 0 : i32
      %dma_wait3A_166 = tpu.memref_slice %arg14[%dma_wait3A_164, %dma_wait3A_165] : memref<10240x16xf32, #tpu.memory_space<vmem_shared>> -> memref<10240x16xf32, #tpu.memory_space<vmem_shared>>
      tpu.wait_indirect_dma semaphore(%arg18 : memref<!tpu.dma_semaphore, #tpu.memory_space<semaphore_mem>>) src(%dma_wait3A_160 : memref<100x16xf32, #tpu.memory_space<vmem>>) dst(%dma_wait3A_166 : memref<10240x16xf32, #tpu.memory_space<vmem_shared>>)
      %dma_wait3A_167 = arith.constant 100 : i32
      %dma_wait3A_168 = arith.constant 0 : i32
      %dma_wait3A_169 = tpu.memref_slice %arg11[%dma_wait3A_167, %dma_wait3A_168] : memref<200x16xf32, #tpu.memory_space<vmem>> -> memref<100x16xf32, #tpu.memory_space<vmem>>
      %dma_wait3A_170 = arith.constant 0 : i32
      %dma_wait3A_171 = tpu.memref_slice %arg8[%add3A_144, %dma_wait3A_170] : memref<200x100xi32, #tpu.memory_space<vmem>> -> memref<1x100xi32, #tpu.memory_space<vmem>>
      %dma_wait3A_172 = tpu.memref_squeeze %dma_wait3A_171 : memref<1x100xi32, #tpu.memory_space<vmem>> -> memref<100xi32, #tpu.memory_space<vmem>>
      %dma_wait3A_173 = arith.constant 0 : i32
      %dma_wait3A_174 = arith.constant 0 : i32
      %dma_wait3A_175 = tpu.memref_slice %arg14[%dma_wait3A_173, %dma_wait3A_174] : memref<10240x16xf32, #tpu.memory_space<vmem_shared>> -> memref<10240x16xf32, #tpu.memory_space<vmem_shared>>
      tpu.wait_indirect_dma semaphore(%arg18 : memref<!tpu.dma_semaphore, #tpu.memory_space<semaphore_mem>>) src(%dma_wait3A_169 : memref<100x16xf32, #tpu.memory_space<vmem>>) dst(%dma_wait3A_175 : memref<10240x16xf32, #tpu.memory_space<vmem_shared>>)
    }
    %scan3A_21 = arith.constant 50 : i32
    %barrier3A_22 = arith.constant 0 : index
    tpu.barrier barrier_id(%barrier3A_22)
    %mul3A_23 = arith.constant 640 : i32
    %mul3A_24 = arith.muli %arg1, %mul3A_23 : i32
    %mul3A_25 = arith.constant 10240 : i32
    %mul3A_26 = arith.muli %arg0, %mul3A_25 : i32
    %mul3A_27 = arith.constant 640 : i32
    %mul3A_28 = arith.muli %arg1, %mul3A_27 : i32
    %add3A_29 = arith.addi %mul3A_26, %mul3A_28 : i32
    "tpu.region"() ({
      %run_scoped3A = tpu.sem_alloc : memref<!tpu.dma_semaphore, #tpu.memory_space<semaphore_mem>>
      %dma_start3A = arith.constant 0 : i32
      %dma_start3A_30 = tpu.memref_slice %arg7[%add3A_29, %dma_start3A] : memref<20480x16xf32, #tpu.memory_space<hbm>> -> memref<640x16xf32, #tpu.memory_space<hbm>>
      %dma_start3A_31 = arith.constant 0 : i32
      %dma_start3A_32 = tpu.memref_slice %arg14[%mul3A_24, %dma_start3A_31] : memref<10240x16xf32, #tpu.memory_space<vmem_shared>> -> memref<640x16xf32, #tpu.memory_space<vmem_shared>>
      tpu.enqueue_dma source(%dma_start3A_32 : memref<640x16xf32, #tpu.memory_space<vmem_shared>>) target(%dma_start3A_30 : memref<640x16xf32, #tpu.memory_space<hbm>>) target_semaphore(%run_scoped3A : memref<!tpu.dma_semaphore, #tpu.memory_space<semaphore_mem>>)
      %dma_wait3A = arith.constant 0 : i32
      %dma_wait3A_33 = tpu.memref_slice %arg7[%add3A_29, %dma_wait3A] : memref<20480x16xf32, #tpu.memory_space<hbm>> -> memref<640x16xf32, #tpu.memory_space<hbm>>
      %dma_wait3A_34 = arith.constant 0 : i32
      %dma_wait3A_35 = tpu.memref_slice %arg14[%mul3A_24, %dma_wait3A_34] : memref<10240x16xf32, #tpu.memory_space<vmem_shared>> -> memref<640x16xf32, #tpu.memory_space<vmem_shared>>
      tpu.wait_dma2 semaphore(%run_scoped3A : memref<!tpu.dma_semaphore, #tpu.memory_space<semaphore_mem>>) src(%dma_wait3A_35 : memref<640x16xf32, #tpu.memory_space<vmem_shared>>) dst(%dma_wait3A_33 : memref<640x16xf32, #tpu.memory_space<hbm>>)
      tpu.yield
    }) : () -> ()
    return
  }
}

#map = affine_map<(d0, d1) -> (0, 0)>
module attributes {stable_mosaic.version = 14 : i64} {
  func.func @_sc_c(%arg0: i32, %arg1: i32, %arg2: memref<6400x100xi32, #tpu.memory_space<hbm>>, %arg3: memref<10000x128xf32, #tpu.memory_space<hbm>>, %arg4: memref<10240x16xf32, #tpu.memory_space<hbm>>, %arg5: memref<320000x16xf32, #tpu.memory_space<hbm>>, %arg6: memref<20480x128xf32, #tpu.memory_space<hbm>>, %arg7: memref<4x100xi32, #tpu.memory_space<vmem>>, %arg8: memref<200x128xf32, #tpu.memory_space<vmem>>, %arg9: memref<200x16xf32, #tpu.memory_space<vmem>>, %arg10: memref<200x16xf32, #tpu.memory_space<vmem>>, %arg11: memref<128x128xf32, #tpu.memory_space<vmem>>, %arg12: memref<10240x128xf32, #tpu.memory_space<vmem_shared>>, %arg13: memref<!tpu.dma_semaphore, #tpu.memory_space<semaphore_mem>>, %arg14: memref<!tpu.dma_semaphore, #tpu.memory_space<semaphore_mem>>, %arg15: memref<!tpu.dma_semaphore, #tpu.memory_space<semaphore_mem>>) attributes {dimension_semantics = [#tpu.dimension_semantics<core_parallel>, #tpu.dimension_semantics<subcore_parallel>], iteration_bounds = array<i64: 2, 16>, scalar_prefetch = 0 : i64, scratch_operands = 9 : i64, tpu.core_type = #tpu.core_type<sc_vector_subcore>, window_params = [{transform_indices = #map}, {transform_indices = #map}, {transform_indices = #map}, {transform_indices = #map}, {transform_indices = #map}]} {
    %mul3A = arith.constant 16 : i32
    %mul3A_0 = arith.muli %arg0, %mul3A : i32
    %add3A = arith.addi %mul3A_0, %arg1 : i32
    %scan3A = arith.constant 0 : i32
    %scan3A_1 = arith.constant 0 : i32
    %scan3A_2 = arith.constant 128 : i32
    %scan3A_3 = arith.addi %scan3A_1, %scan3A_2 : i32
    %scan3A_4 = arith.constant 1 : i32
    scf.for %scan3A_90 = %scan3A_1 to %scan3A_3 step %scan3A_4  : i32 {
      %broadcast_in_dim3A = arith.constant 0.000000e+00 : f32
      %broadcast_in_dim3A_91 = vector.broadcast %broadcast_in_dim3A : f32 to vector<16xf32>
      %swap3A = arith.index_cast %scan3A_90 : i32 to index
      %swap3A_92 = arith.constant 0 : index
      %swap3A_93 = tpu.vector_load %arg11[%swap3A, %swap3A_92] {strides = array<i32>} : memref<128x128xf32, #tpu.memory_space<vmem>>, vector<1x16xf32>,
      %swap3A_94 = vector.shape_cast %swap3A_93 : vector<1x16xf32> to vector<16xf32>
      %swap3A_95 = vector.shape_cast %broadcast_in_dim3A_91 : vector<16xf32> to vector<1x16xf32>
      tpu.vector_store %arg11[%swap3A, %swap3A_92], %swap3A_95 {strides = array<i32>} : memref<128x128xf32, #tpu.memory_space<vmem>>, vector<1x16xf32>,
      %broadcast_in_dim3A_96 = arith.constant 0.000000e+00 : f32
      %broadcast_in_dim3A_97 = vector.broadcast %broadcast_in_dim3A_96 : f32 to vector<16xf32>
      %swap3A_98 = arith.index_cast %scan3A_90 : i32 to index
      %swap3A_99 = arith.constant 16 : index
      %swap3A_100 = tpu.vector_load %arg11[%swap3A_98, %swap3A_99] {strides = array<i32>} : memref<128x128xf32, #tpu.memory_space<vmem>>, vector<1x16xf32>,
      %swap3A_101 = vector.shape_cast %swap3A_100 : vector<1x16xf32> to vector<16xf32>
      %swap3A_102 = vector.shape_cast %broadcast_in_dim3A_97 : vector<16xf32> to vector<1x16xf32>
      tpu.vector_store %arg11[%swap3A_98, %swap3A_99], %swap3A_102 {strides = array<i32>} : memref<128x128xf32, #tpu.memory_space<vmem>>, vector<1x16xf32>,
      %broadcast_in_dim3A_103 = arith.constant 0.000000e+00 : f32
      %broadcast_in_dim3A_104 = vector.broadcast %broadcast_in_dim3A_103 : f32 to vector<16xf32>
      %swap3A_105 = arith.index_cast %scan3A_90 : i32 to index
      %swap3A_106 = arith.constant 32 : index
      %swap3A_107 = tpu.vector_load %arg11[%swap3A_105, %swap3A_106] {strides = array<i32>} : memref<128x128xf32, #tpu.memory_space<vmem>>, vector<1x16xf32>,
      %swap3A_108 = vector.shape_cast %swap3A_107 : vector<1x16xf32> to vector<16xf32>
      %swap3A_109 = vector.shape_cast %broadcast_in_dim3A_104 : vector<16xf32> to vector<1x16xf32>
      tpu.vector_store %arg11[%swap3A_105, %swap3A_106], %swap3A_109 {strides = array<i32>} : memref<128x128xf32, #tpu.memory_space<vmem>>, vector<1x16xf32>,
      %broadcast_in_dim3A_110 = arith.constant 0.000000e+00 : f32
      %broadcast_in_dim3A_111 = vector.broadcast %broadcast_in_dim3A_110 : f32 to vector<16xf32>
      %swap3A_112 = arith.index_cast %scan3A_90 : i32 to index
      %swap3A_113 = arith.constant 48 : index
      %swap3A_114 = tpu.vector_load %arg11[%swap3A_112, %swap3A_113] {strides = array<i32>} : memref<128x128xf32, #tpu.memory_space<vmem>>, vector<1x16xf32>,
      %swap3A_115 = vector.shape_cast %swap3A_114 : vector<1x16xf32> to vector<16xf32>
      %swap3A_116 = vector.shape_cast %broadcast_in_dim3A_111 : vector<16xf32> to vector<1x16xf32>
      tpu.vector_store %arg11[%swap3A_112, %swap3A_113], %swap3A_116 {strides = array<i32>} : memref<128x128xf32, #tpu.memory_space<vmem>>, vector<1x16xf32>,
      %broadcast_in_dim3A_117 = arith.constant 0.000000e+00 : f32
      %broadcast_in_dim3A_118 = vector.broadcast %broadcast_in_dim3A_117 : f32 to vector<16xf32>
      %swap3A_119 = arith.index_cast %scan3A_90 : i32 to index
      %swap3A_120 = arith.constant 64 : index
      %swap3A_121 = tpu.vector_load %arg11[%swap3A_119, %swap3A_120] {strides = array<i32>} : memref<128x128xf32, #tpu.memory_space<vmem>>, vector<1x16xf32>,
      %swap3A_122 = vector.shape_cast %swap3A_121 : vector<1x16xf32> to vector<16xf32>
      %swap3A_123 = vector.shape_cast %broadcast_in_dim3A_118 : vector<16xf32> to vector<1x16xf32>
      tpu.vector_store %arg11[%swap3A_119, %swap3A_120], %swap3A_123 {strides = array<i32>} : memref<128x128xf32, #tpu.memory_space<vmem>>, vector<1x16xf32>,
      %broadcast_in_dim3A_124 = arith.constant 0.000000e+00 : f32
      %broadcast_in_dim3A_125 = vector.broadcast %broadcast_in_dim3A_124 : f32 to vector<16xf32>
      %swap3A_126 = arith.index_cast %scan3A_90 : i32 to index
      %swap3A_127 = arith.constant 80 : index
      %swap3A_128 = tpu.vector_load %arg11[%swap3A_126, %swap3A_127] {strides = array<i32>} : memref<128x128xf32, #tpu.memory_space<vmem>>, vector<1x16xf32>,
      %swap3A_129 = vector.shape_cast %swap3A_128 : vector<1x16xf32> to vector<16xf32>
      %swap3A_130 = vector.shape_cast %broadcast_in_dim3A_125 : vector<16xf32> to vector<1x16xf32>
      tpu.vector_store %arg11[%swap3A_126, %swap3A_127], %swap3A_130 {strides = array<i32>} : memref<128x128xf32, #tpu.memory_space<vmem>>, vector<1x16xf32>,
      %broadcast_in_dim3A_131 = arith.constant 0.000000e+00 : f32
      %broadcast_in_dim3A_132 = vector.broadcast %broadcast_in_dim3A_131 : f32 to vector<16xf32>
      %swap3A_133 = arith.index_cast %scan3A_90 : i32 to index
      %swap3A_134 = arith.constant 96 : index
      %swap3A_135 = tpu.vector_load %arg11[%swap3A_133, %swap3A_134] {strides = array<i32>} : memref<128x128xf32, #tpu.memory_space<vmem>>, vector<1x16xf32>,
      %swap3A_136 = vector.shape_cast %swap3A_135 : vector<1x16xf32> to vector<16xf32>
      %swap3A_137 = vector.shape_cast %broadcast_in_dim3A_132 : vector<16xf32> to vector<1x16xf32>
      tpu.vector_store %arg11[%swap3A_133, %swap3A_134], %swap3A_137 {strides = array<i32>} : memref<128x128xf32, #tpu.memory_space<vmem>>, vector<1x16xf32>,
      %broadcast_in_dim3A_138 = arith.constant 0.000000e+00 : f32
      %broadcast_in_dim3A_139 = vector.broadcast %broadcast_in_dim3A_138 : f32 to vector<16xf32>
      %swap3A_140 = arith.index_cast %scan3A_90 : i32 to index
      %swap3A_141 = arith.constant 112 : index
      %swap3A_142 = tpu.vector_load %arg11[%swap3A_140, %swap3A_141] {strides = array<i32>} : memref<128x128xf32, #tpu.memory_space<vmem>>, vector<1x16xf32>,
      %swap3A_143 = vector.shape_cast %swap3A_142 : vector<1x16xf32> to vector<16xf32>
      %swap3A_144 = vector.shape_cast %broadcast_in_dim3A_139 : vector<16xf32> to vector<1x16xf32>
      tpu.vector_store %arg11[%swap3A_140, %swap3A_141], %swap3A_144 {strides = array<i32>} : memref<128x128xf32, #tpu.memory_space<vmem>>, vector<1x16xf32>,
    }
    %scan3A_5 = arith.constant 128 : i32
    %mul3A_6 = arith.constant 640 : i32
    %mul3A_7 = arith.muli %arg1, %mul3A_6 : i32
    %add3A_8 = arith.constant 0 : i32
    %add3A_9 = arith.addi %mul3A_7, %add3A_8 : i32
    "tpu.region"() ({
      %run_scoped3A = tpu.sem_alloc : memref<!tpu.dma_semaphore, #tpu.memory_space<semaphore_mem>>
      %dma_start3A = arith.constant 0 : i32
      %dma_start3A_90 = tpu.memref_slice %arg12[%add3A_9, %dma_start3A] : memref<10240x128xf32, #tpu.memory_space<vmem_shared>> -> memref<128x128xf32, #tpu.memory_space<vmem_shared>>
      %dma_start3A_91 = arith.constant 0 : i32
      %dma_start3A_92 = tpu.memref_slice %arg12[%add3A_9, %dma_start3A_91] : memref<10240x128xf32, #tpu.memory_space<vmem_shared>> -> memref<128x128xf32, #tpu.memory_space<vmem_shared>>
      tpu.enqueue_dma source(%arg11 : memref<128x128xf32, #tpu.memory_space<vmem>>) target(%dma_start3A_92 : memref<128x128xf32, #tpu.memory_space<vmem_shared>>) target_semaphore(%run_scoped3A : memref<!tpu.dma_semaphore, #tpu.memory_space<semaphore_mem>>)
      %dma_wait3A = arith.constant 0 : i32
      %dma_wait3A_93 = tpu.memref_slice %arg12[%add3A_9, %dma_wait3A] : memref<10240x128xf32, #tpu.memory_space<vmem_shared>> -> memref<128x128xf32, #tpu.memory_space<vmem_shared>>
      %dma_wait3A_94 = arith.constant 0 : i32
      %dma_wait3A_95 = tpu.memref_slice %arg12[%add3A_9, %dma_wait3A_94] : memref<10240x128xf32, #tpu.memory_space<vmem_shared>> -> memref<128x128xf32, #tpu.memory_space<vmem_shared>>
      tpu.wait_dma2 semaphore(%run_scoped3A : memref<!tpu.dma_semaphore, #tpu.memory_space<semaphore_mem>>) src(%arg11 : memref<128x128xf32, #tpu.memory_space<vmem>>) dst(%dma_wait3A_95 : memref<128x128xf32, #tpu.memory_space<vmem_shared>>)
      tpu.yield
    }) : () -> ()
    %mul3A_10 = arith.constant 640 : i32
    %mul3A_11 = arith.muli %arg1, %mul3A_10 : i32
    %add3A_12 = arith.constant 128 : i32
    %add3A_13 = arith.addi %mul3A_11, %add3A_12 : i32
    "tpu.region"() ({
      %run_scoped3A = tpu.sem_alloc : memref<!tpu.dma_semaphore, #tpu.memory_space<semaphore_mem>>
      %dma_start3A = arith.constant 0 : i32
      %dma_start3A_90 = tpu.memref_slice %arg12[%add3A_13, %dma_start3A] : memref<10240x128xf32, #tpu.memory_space<vmem_shared>> -> memref<128x128xf32, #tpu.memory_space<vmem_shared>>
      %dma_start3A_91 = arith.constant 0 : i32
      %dma_start3A_92 = tpu.memref_slice %arg12[%add3A_13, %dma_start3A_91] : memref<10240x128xf32, #tpu.memory_space<vmem_shared>> -> memref<128x128xf32, #tpu.memory_space<vmem_shared>>
      tpu.enqueue_dma source(%arg11 : memref<128x128xf32, #tpu.memory_space<vmem>>) target(%dma_start3A_92 : memref<128x128xf32, #tpu.memory_space<vmem_shared>>) target_semaphore(%run_scoped3A : memref<!tpu.dma_semaphore, #tpu.memory_space<semaphore_mem>>)
      %dma_wait3A = arith.constant 0 : i32
      %dma_wait3A_93 = tpu.memref_slice %arg12[%add3A_13, %dma_wait3A] : memref<10240x128xf32, #tpu.memory_space<vmem_shared>> -> memref<128x128xf32, #tpu.memory_space<vmem_shared>>
      %dma_wait3A_94 = arith.constant 0 : i32
      %dma_wait3A_95 = tpu.memref_slice %arg12[%add3A_13, %dma_wait3A_94] : memref<10240x128xf32, #tpu.memory_space<vmem_shared>> -> memref<128x128xf32, #tpu.memory_space<vmem_shared>>
      tpu.wait_dma2 semaphore(%run_scoped3A : memref<!tpu.dma_semaphore, #tpu.memory_space<semaphore_mem>>) src(%arg11 : memref<128x128xf32, #tpu.memory_space<vmem>>) dst(%dma_wait3A_95 : memref<128x128xf32, #tpu.memory_space<vmem_shared>>)
      tpu.yield
    }) : () -> ()
    %mul3A_14 = arith.constant 640 : i32
    %mul3A_15 = arith.muli %arg1, %mul3A_14 : i32
    %add3A_16 = arith.constant 256 : i32
    %add3A_17 = arith.addi %mul3A_15, %add3A_16 : i32
    "tpu.region"() ({
      %run_scoped3A = tpu.sem_alloc : memref<!tpu.dma_semaphore, #tpu.memory_space<semaphore_mem>>
      %dma_start3A = arith.constant 0 : i32
      %dma_start3A_90 = tpu.memref_slice %arg12[%add3A_17, %dma_start3A] : memref<10240x128xf32, #tpu.memory_space<vmem_shared>> -> memref<128x128xf32, #tpu.memory_space<vmem_shared>>
      %dma_start3A_91 = arith.constant 0 : i32
      %dma_start3A_92 = tpu.memref_slice %arg12[%add3A_17, %dma_start3A_91] : memref<10240x128xf32, #tpu.memory_space<vmem_shared>> -> memref<128x128xf32, #tpu.memory_space<vmem_shared>>
      tpu.enqueue_dma source(%arg11 : memref<128x128xf32, #tpu.memory_space<vmem>>) target(%dma_start3A_92 : memref<128x128xf32, #tpu.memory_space<vmem_shared>>) target_semaphore(%run_scoped3A : memref<!tpu.dma_semaphore, #tpu.memory_space<semaphore_mem>>)
      %dma_wait3A = arith.constant 0 : i32
      %dma_wait3A_93 = tpu.memref_slice %arg12[%add3A_17, %dma_wait3A] : memref<10240x128xf32, #tpu.memory_space<vmem_shared>> -> memref<128x128xf32, #tpu.memory_space<vmem_shared>>
      %dma_wait3A_94 = arith.constant 0 : i32
      %dma_wait3A_95 = tpu.memref_slice %arg12[%add3A_17, %dma_wait3A_94] : memref<10240x128xf32, #tpu.memory_space<vmem_shared>> -> memref<128x128xf32, #tpu.memory_space<vmem_shared>>
      tpu.wait_dma2 semaphore(%run_scoped3A : memref<!tpu.dma_semaphore, #tpu.memory_space<semaphore_mem>>) src(%arg11 : memref<128x128xf32, #tpu.memory_space<vmem>>) dst(%dma_wait3A_95 : memref<128x128xf32, #tpu.memory_space<vmem_shared>>)
      tpu.yield
    }) : () -> ()
    %mul3A_18 = arith.constant 640 : i32
    %mul3A_19 = arith.muli %arg1, %mul3A_18 : i32
    %add3A_20 = arith.constant 384 : i32
    %add3A_21 = arith.addi %mul3A_19, %add3A_20 : i32
    "tpu.region"() ({
      %run_scoped3A = tpu.sem_alloc : memref<!tpu.dma_semaphore, #tpu.memory_space<semaphore_mem>>
      %dma_start3A = arith.constant 0 : i32
      %dma_start3A_90 = tpu.memref_slice %arg12[%add3A_21, %dma_start3A] : memref<10240x128xf32, #tpu.memory_space<vmem_shared>> -> memref<128x128xf32, #tpu.memory_space<vmem_shared>>
      %dma_start3A_91 = arith.constant 0 : i32
      %dma_start3A_92 = tpu.memref_slice %arg12[%add3A_21, %dma_start3A_91] : memref<10240x128xf32, #tpu.memory_space<vmem_shared>> -> memref<128x128xf32, #tpu.memory_space<vmem_shared>>
      tpu.enqueue_dma source(%arg11 : memref<128x128xf32, #tpu.memory_space<vmem>>) target(%dma_start3A_92 : memref<128x128xf32, #tpu.memory_space<vmem_shared>>) target_semaphore(%run_scoped3A : memref<!tpu.dma_semaphore, #tpu.memory_space<semaphore_mem>>)
      %dma_wait3A = arith.constant 0 : i32
      %dma_wait3A_93 = tpu.memref_slice %arg12[%add3A_21, %dma_wait3A] : memref<10240x128xf32, #tpu.memory_space<vmem_shared>> -> memref<128x128xf32, #tpu.memory_space<vmem_shared>>
      %dma_wait3A_94 = arith.constant 0 : i32
      %dma_wait3A_95 = tpu.memref_slice %arg12[%add3A_21, %dma_wait3A_94] : memref<10240x128xf32, #tpu.memory_space<vmem_shared>> -> memref<128x128xf32, #tpu.memory_space<vmem_shared>>
      tpu.wait_dma2 semaphore(%run_scoped3A : memref<!tpu.dma_semaphore, #tpu.memory_space<semaphore_mem>>) src(%arg11 : memref<128x128xf32, #tpu.memory_space<vmem>>) dst(%dma_wait3A_95 : memref<128x128xf32, #tpu.memory_space<vmem_shared>>)
      tpu.yield
    }) : () -> ()
    %mul3A_22 = arith.constant 640 : i32
    %mul3A_23 = arith.muli %arg1, %mul3A_22 : i32
    %add3A_24 = arith.constant 512 : i32
    %add3A_25 = arith.addi %mul3A_23, %add3A_24 : i32
    "tpu.region"() ({
      %run_scoped3A = tpu.sem_alloc : memref<!tpu.dma_semaphore, #tpu.memory_space<semaphore_mem>>
      %dma_start3A = arith.constant 0 : i32
      %dma_start3A_90 = tpu.memref_slice %arg12[%add3A_25, %dma_start3A] : memref<10240x128xf32, #tpu.memory_space<vmem_shared>> -> memref<128x128xf32, #tpu.memory_space<vmem_shared>>
      %dma_start3A_91 = arith.constant 0 : i32
      %dma_start3A_92 = tpu.memref_slice %arg12[%add3A_25, %dma_start3A_91] : memref<10240x128xf32, #tpu.memory_space<vmem_shared>> -> memref<128x128xf32, #tpu.memory_space<vmem_shared>>
      tpu.enqueue_dma source(%arg11 : memref<128x128xf32, #tpu.memory_space<vmem>>) target(%dma_start3A_92 : memref<128x128xf32, #tpu.memory_space<vmem_shared>>) target_semaphore(%run_scoped3A : memref<!tpu.dma_semaphore, #tpu.memory_space<semaphore_mem>>)
      %dma_wait3A = arith.constant 0 : i32
      %dma_wait3A_93 = tpu.memref_slice %arg12[%add3A_25, %dma_wait3A] : memref<10240x128xf32, #tpu.memory_space<vmem_shared>> -> memref<128x128xf32, #tpu.memory_space<vmem_shared>>
      %dma_wait3A_94 = arith.constant 0 : i32
      %dma_wait3A_95 = tpu.memref_slice %arg12[%add3A_25, %dma_wait3A_94] : memref<10240x128xf32, #tpu.memory_space<vmem_shared>> -> memref<128x128xf32, #tpu.memory_space<vmem_shared>>
      tpu.wait_dma2 semaphore(%run_scoped3A : memref<!tpu.dma_semaphore, #tpu.memory_space<semaphore_mem>>) src(%arg11 : memref<128x128xf32, #tpu.memory_space<vmem>>) dst(%dma_wait3A_95 : memref<128x128xf32, #tpu.memory_space<vmem_shared>>)
      tpu.yield
    }) : () -> ()
    %barrier3A = arith.constant 0 : index
    tpu.barrier barrier_id(%barrier3A)
    %mul3A_26 = arith.constant 10000 : i32
    %mul3A_27 = arith.muli %add3A, %mul3A_26 : i32
    %scan3A_28 = arith.constant 0 : i32
    %scan3A_29 = arith.constant 0 : i32
    %scan3A_30 = arith.constant 50 : i32
    %scan3A_31 = arith.addi %scan3A_29, %scan3A_30 : i32
    %scan3A_32 = arith.constant 1 : i32
    scf.for %scan3A_90 = %scan3A_29 to %scan3A_31 step %scan3A_32  : i32 {
      %mul3A_91 = arith.constant 200 : i32
      %mul3A_92 = arith.muli %scan3A_90, %mul3A_91 : i32
      %add3A_93 = arith.addi %mul3A_27, %mul3A_92 : i32
      %mul3A_94 = arith.constant 50 : i32
      %mul3A_95 = arith.muli %add3A, %mul3A_94 : i32
      %add3A_96 = arith.addi %mul3A_95, %scan3A_90 : i32
      %mul3A_97 = arith.constant 4 : i32
      %mul3A_98 = arith.muli %mul3A_97, %add3A_96 : i32
      "tpu.region"() ({
        %run_scoped3A = tpu.sem_alloc : memref<!tpu.dma_semaphore, #tpu.memory_space<semaphore_mem>>
        %dma_start3A_237 = arith.constant 0 : i32
        %dma_start3A_238 = tpu.memref_slice %arg2[%mul3A_98, %dma_start3A_237] : memref<6400x100xi32, #tpu.memory_space<hbm>> -> memref<4x100xi32, #tpu.memory_space<hbm>>
        %dma_start3A_239 = arith.constant 0 : i32
        %dma_start3A_240 = tpu.memref_slice %arg2[%mul3A_98, %dma_start3A_239] : memref<6400x100xi32, #tpu.memory_space<hbm>> -> memref<4x100xi32, #tpu.memory_space<hbm>>
        tpu.enqueue_dma source(%dma_start3A_240 : memref<4x100xi32, #tpu.memory_space<hbm>>) target(%arg7 : memref<4x100xi32, #tpu.memory_space<vmem>>) target_semaphore(%run_scoped3A : memref<!tpu.dma_semaphore, #tpu.memory_space<semaphore_mem>>)
        %dma_wait3A_241 = arith.constant 0 : i32
        %dma_wait3A_242 = tpu.memref_slice %arg2[%mul3A_98, %dma_wait3A_241] : memref<6400x100xi32, #tpu.memory_space<hbm>> -> memref<4x100xi32, #tpu.memory_space<hbm>>
        %dma_wait3A_243 = arith.constant 0 : i32
        %dma_wait3A_244 = tpu.memref_slice %arg2[%mul3A_98, %dma_wait3A_243] : memref<6400x100xi32, #tpu.memory_space<hbm>> -> memref<4x100xi32, #tpu.memory_space<hbm>>
        tpu.wait_dma2 semaphore(%run_scoped3A : memref<!tpu.dma_semaphore, #tpu.memory_space<semaphore_mem>>) src(%dma_wait3A_244 : memref<4x100xi32, #tpu.memory_space<hbm>>) dst(%arg7 : memref<4x100xi32, #tpu.memory_space<vmem>>)
        tpu.yield
      }) : () -> ()
      %dma_start3A = arith.constant 0 : i32
      %dma_start3A_99 = arith.constant 0 : i32
      %dma_start3A_100 = arith.constant 0 : i32
      %dma_start3A_101 = tpu.memref_slice %arg8[%dma_start3A_99, %dma_start3A_100] : memref<200x128xf32, #tpu.memory_space<vmem>> -> memref<100x128xf32, #tpu.memory_space<vmem>>
      %dma_start3A_102 = arith.constant 0 : i32
      %dma_start3A_103 = tpu.memref_slice %arg7[%dma_start3A, %dma_start3A_102] : memref<4x100xi32, #tpu.memory_space<vmem>> -> memref<1x100xi32, #tpu.memory_space<vmem>>
      %dma_start3A_104 = tpu.memref_squeeze %dma_start3A_103 : memref<1x100xi32, #tpu.memory_space<vmem>> -> memref<100xi32, #tpu.memory_space<vmem>>
      %dma_start3A_105 = arith.constant 0 : i32
      %dma_start3A_106 = arith.constant 0 : i32
      %dma_start3A_107 = tpu.memref_slice %arg3[%dma_start3A_105, %dma_start3A_106] : memref<10000x128xf32, #tpu.memory_space<hbm>> -> memref<10000x128xf32, #tpu.memory_space<hbm>>
      tpu.enqueue_indirect_dma source(%dma_start3A_107 : memref<10000x128xf32, #tpu.memory_space<hbm>>) target(%dma_start3A_101 : memref<100x128xf32, #tpu.memory_space<vmem>>) offsets(%dma_start3A_104 : memref<100xi32, #tpu.memory_space<vmem>>) semaphore(%arg13 : memref<!tpu.dma_semaphore, #tpu.memory_space<semaphore_mem>>)
      %dma_start3A_108 = arith.constant 1 : i32
      %dma_start3A_109 = arith.constant 100 : i32
      %dma_start3A_110 = arith.constant 0 : i32
      %dma_start3A_111 = tpu.memref_slice %arg8[%dma_start3A_109, %dma_start3A_110] : memref<200x128xf32, #tpu.memory_space<vmem>> -> memref<100x128xf32, #tpu.memory_space<vmem>>
      %dma_start3A_112 = arith.constant 0 : i32
      %dma_start3A_113 = tpu.memref_slice %arg7[%dma_start3A_108, %dma_start3A_112] : memref<4x100xi32, #tpu.memory_space<vmem>> -> memref<1x100xi32, #tpu.memory_space<vmem>>
      %dma_start3A_114 = tpu.memref_squeeze %dma_start3A_113 : memref<1x100xi32, #tpu.memory_space<vmem>> -> memref<100xi32, #tpu.memory_space<vmem>>
      %dma_start3A_115 = arith.constant 0 : i32
      %dma_start3A_116 = arith.constant 0 : i32
      %dma_start3A_117 = tpu.memref_slice %arg3[%dma_start3A_115, %dma_start3A_116] : memref<10000x128xf32, #tpu.memory_space<hbm>> -> memref<10000x128xf32, #tpu.memory_space<hbm>>
      tpu.enqueue_indirect_dma source(%dma_start3A_117 : memref<10000x128xf32, #tpu.memory_space<hbm>>) target(%dma_start3A_111 : memref<100x128xf32, #tpu.memory_space<vmem>>) offsets(%dma_start3A_114 : memref<100xi32, #tpu.memory_space<vmem>>) semaphore(%arg13 : memref<!tpu.dma_semaphore, #tpu.memory_space<semaphore_mem>>)
      %dma_start3A_118 = arith.constant 2 : i32
      %dma_start3A_119 = arith.constant 0 : i32
      %dma_start3A_120 = arith.constant 0 : i32
      %dma_start3A_121 = tpu.memref_slice %arg9[%dma_start3A_119, %dma_start3A_120] : memref<200x16xf32, #tpu.memory_space<vmem>> -> memref<100x16xf32, #tpu.memory_space<vmem>>
      %dma_start3A_122 = arith.constant 0 : i32
      %dma_start3A_123 = tpu.memref_slice %arg7[%dma_start3A_118, %dma_start3A_122] : memref<4x100xi32, #tpu.memory_space<vmem>> -> memref<1x100xi32, #tpu.memory_space<vmem>>
      %dma_start3A_124 = tpu.memref_squeeze %dma_start3A_123 : memref<1x100xi32, #tpu.memory_space<vmem>> -> memref<100xi32, #tpu.memory_space<vmem>>
      %dma_start3A_125 = arith.constant 0 : i32
      %dma_start3A_126 = arith.constant 0 : i32
      %dma_start3A_127 = tpu.memref_slice %arg4[%dma_start3A_125, %dma_start3A_126] : memref<10240x16xf32, #tpu.memory_space<hbm>> -> memref<10240x16xf32, #tpu.memory_space<hbm>>
      tpu.enqueue_indirect_dma source(%dma_start3A_127 : memref<10240x16xf32, #tpu.memory_space<hbm>>) target(%dma_start3A_121 : memref<100x16xf32, #tpu.memory_space<vmem>>) offsets(%dma_start3A_124 : memref<100xi32, #tpu.memory_space<vmem>>) semaphore(%arg14 : memref<!tpu.dma_semaphore, #tpu.memory_space<semaphore_mem>>)
      %dma_start3A_128 = arith.constant 3 : i32
      %dma_start3A_129 = arith.constant 100 : i32
      %dma_start3A_130 = arith.constant 0 : i32
      %dma_start3A_131 = tpu.memref_slice %arg9[%dma_start3A_129, %dma_start3A_130] : memref<200x16xf32, #tpu.memory_space<vmem>> -> memref<100x16xf32, #tpu.memory_space<vmem>>
      %dma_start3A_132 = arith.constant 0 : i32
      %dma_start3A_133 = tpu.memref_slice %arg7[%dma_start3A_128, %dma_start3A_132] : memref<4x100xi32, #tpu.memory_space<vmem>> -> memref<1x100xi32, #tpu.memory_space<vmem>>
      %dma_start3A_134 = tpu.memref_squeeze %dma_start3A_133 : memref<1x100xi32, #tpu.memory_space<vmem>> -> memref<100xi32, #tpu.memory_space<vmem>>
      %dma_start3A_135 = arith.constant 0 : i32
      %dma_start3A_136 = arith.constant 0 : i32
      %dma_start3A_137 = tpu.memref_slice %arg4[%dma_start3A_135, %dma_start3A_136] : memref<10240x16xf32, #tpu.memory_space<hbm>> -> memref<10240x16xf32, #tpu.memory_space<hbm>>
      tpu.enqueue_indirect_dma source(%dma_start3A_137 : memref<10240x16xf32, #tpu.memory_space<hbm>>) target(%dma_start3A_131 : memref<100x16xf32, #tpu.memory_space<vmem>>) offsets(%dma_start3A_134 : memref<100xi32, #tpu.memory_space<vmem>>) semaphore(%arg14 : memref<!tpu.dma_semaphore, #tpu.memory_space<semaphore_mem>>)
      %dma_start3A_138 = arith.constant 0 : i32
      %dma_start3A_139 = tpu.memref_slice %arg5[%add3A_93, %dma_start3A_138] : memref<320000x16xf32, #tpu.memory_space<hbm>> -> memref<200x16xf32, #tpu.memory_space<hbm>>
      %dma_start3A_140 = arith.constant 0 : i32
      %dma_start3A_141 = tpu.memref_slice %arg5[%add3A_93, %dma_start3A_140] : memref<320000x16xf32, #tpu.memory_space<hbm>> -> memref<200x16xf32, #tpu.memory_space<hbm>>
      tpu.enqueue_dma source(%dma_start3A_141 : memref<200x16xf32, #tpu.memory_space<hbm>>) target(%arg10 : memref<200x16xf32, #tpu.memory_space<vmem>>) target_semaphore(%arg15 : memref<!tpu.dma_semaphore, #tpu.memory_space<semaphore_mem>>)
      %dma_wait3A = arith.constant 2 : i32
      %dma_wait3A_142 = arith.constant 0 : i32
      %dma_wait3A_143 = arith.constant 0 : i32
      %dma_wait3A_144 = tpu.memref_slice %arg9[%dma_wait3A_142, %dma_wait3A_143] : memref<200x16xf32, #tpu.memory_space<vmem>> -> memref<100x16xf32, #tpu.memory_space<vmem>>
      %dma_wait3A_145 = arith.constant 0 : i32
      %dma_wait3A_146 = tpu.memref_slice %arg7[%dma_wait3A, %dma_wait3A_145] : memref<4x100xi32, #tpu.memory_space<vmem>> -> memref<1x100xi32, #tpu.memory_space<vmem>>
      %dma_wait3A_147 = tpu.memref_squeeze %dma_wait3A_146 : memref<1x100xi32, #tpu.memory_space<vmem>> -> memref<100xi32, #tpu.memory_space<vmem>>
      %dma_wait3A_148 = arith.constant 0 : i32
      %dma_wait3A_149 = arith.constant 0 : i32
      %dma_wait3A_150 = tpu.memref_slice %arg4[%dma_wait3A_148, %dma_wait3A_149] : memref<10240x16xf32, #tpu.memory_space<hbm>> -> memref<10240x16xf32, #tpu.memory_space<hbm>>
      tpu.wait_indirect_dma semaphore(%arg14 : memref<!tpu.dma_semaphore, #tpu.memory_space<semaphore_mem>>) src(%dma_wait3A_150 : memref<10240x16xf32, #tpu.memory_space<hbm>>) dst(%dma_wait3A_144 : memref<100x16xf32, #tpu.memory_space<vmem>>)
      %dma_wait3A_151 = arith.constant 3 : i32
      %dma_wait3A_152 = arith.constant 100 : i32
      %dma_wait3A_153 = arith.constant 0 : i32
      %dma_wait3A_154 = tpu.memref_slice %arg9[%dma_wait3A_152, %dma_wait3A_153] : memref<200x16xf32, #tpu.memory_space<vmem>> -> memref<100x16xf32, #tpu.memory_space<vmem>>
      %dma_wait3A_155 = arith.constant 0 : i32
      %dma_wait3A_156 = tpu.memref_slice %arg7[%dma_wait3A_151, %dma_wait3A_155] : memref<4x100xi32, #tpu.memory_space<vmem>> -> memref<1x100xi32, #tpu.memory_space<vmem>>
      %dma_wait3A_157 = tpu.memref_squeeze %dma_wait3A_156 : memref<1x100xi32, #tpu.memory_space<vmem>> -> memref<100xi32, #tpu.memory_space<vmem>>
      %dma_wait3A_158 = arith.constant 0 : i32
      %dma_wait3A_159 = arith.constant 0 : i32
      %dma_wait3A_160 = tpu.memref_slice %arg4[%dma_wait3A_158, %dma_wait3A_159] : memref<10240x16xf32, #tpu.memory_space<hbm>> -> memref<10240x16xf32, #tpu.memory_space<hbm>>
      tpu.wait_indirect_dma semaphore(%arg14 : memref<!tpu.dma_semaphore, #tpu.memory_space<semaphore_mem>>) src(%dma_wait3A_160 : memref<10240x16xf32, #tpu.memory_space<hbm>>) dst(%dma_wait3A_154 : memref<100x16xf32, #tpu.memory_space<vmem>>)
      %dma_wait3A_161 = arith.constant 0 : i32
      %dma_wait3A_162 = tpu.memref_slice %arg5[%add3A_93, %dma_wait3A_161] : memref<320000x16xf32, #tpu.memory_space<hbm>> -> memref<200x16xf32, #tpu.memory_space<hbm>>
      %dma_wait3A_163 = arith.constant 0 : i32
      %dma_wait3A_164 = tpu.memref_slice %arg5[%add3A_93, %dma_wait3A_163] : memref<320000x16xf32, #tpu.memory_space<hbm>> -> memref<200x16xf32, #tpu.memory_space<hbm>>
      tpu.wait_dma2 semaphore(%arg15 : memref<!tpu.dma_semaphore, #tpu.memory_space<semaphore_mem>>) src(%dma_wait3A_164 : memref<200x16xf32, #tpu.memory_space<hbm>>) dst(%arg10 : memref<200x16xf32, #tpu.memory_space<vmem>>)
      %dma_wait3A_165 = arith.constant 0 : i32
      %dma_wait3A_166 = arith.constant 0 : i32
      %dma_wait3A_167 = arith.constant 0 : i32
      %dma_wait3A_168 = tpu.memref_slice %arg8[%dma_wait3A_166, %dma_wait3A_167] : memref<200x128xf32, #tpu.memory_space<vmem>> -> memref<100x128xf32, #tpu.memory_space<vmem>>
      %dma_wait3A_169 = arith.constant 0 : i32
      %dma_wait3A_170 = tpu.memref_slice %arg7[%dma_wait3A_165, %dma_wait3A_169] : memref<4x100xi32, #tpu.memory_space<vmem>> -> memref<1x100xi32, #tpu.memory_space<vmem>>
      %dma_wait3A_171 = tpu.memref_squeeze %dma_wait3A_170 : memref<1x100xi32, #tpu.memory_space<vmem>> -> memref<100xi32, #tpu.memory_space<vmem>>
      %dma_wait3A_172 = arith.constant 0 : i32
      %dma_wait3A_173 = arith.constant 0 : i32
      %dma_wait3A_174 = tpu.memref_slice %arg3[%dma_wait3A_172, %dma_wait3A_173] : memref<10000x128xf32, #tpu.memory_space<hbm>> -> memref<10000x128xf32, #tpu.memory_space<hbm>>
      tpu.wait_indirect_dma semaphore(%arg13 : memref<!tpu.dma_semaphore, #tpu.memory_space<semaphore_mem>>) src(%dma_wait3A_174 : memref<10000x128xf32, #tpu.memory_space<hbm>>) dst(%dma_wait3A_168 : memref<100x128xf32, #tpu.memory_space<vmem>>)
      %scan3A_175 = arith.constant 0 : i32
      %scan3A_176 = arith.constant 0 : i32
      %scan3A_177 = arith.constant 50 : i32
      %scan3A_178 = arith.addi %scan3A_176, %scan3A_177 : i32
      %scan3A_179 = arith.constant 1 : i32
      scf.for %scan3A_237 = %scan3A_176 to %scan3A_178 step %scan3A_179  : i32 {
        %mul3A_238 = arith.constant 2 : i32
        %mul3A_239 = arith.muli %scan3A_237, %mul3A_238 : i32
        %add3A_240 = arith.constant 0 : i32
        %add3A_241 = arith.addi %add3A_240, %mul3A_239 : i32
        %add3A_242 = arith.constant 0 : i32
        %add3A_243 = arith.addi %add3A_241, %add3A_242 : i32
        %get3A = arith.index_cast %add3A_243 : i32 to index
        %get3A_244 = arith.constant 0 : index
        %get3A_245 = tpu.vector_load %arg10[%get3A, %get3A_244] {strides = array<i32>} : memref<200x16xf32, #tpu.memory_space<vmem>>, vector<1x16xf32>,
        %get3A_246 = vector.shape_cast %get3A_245 : vector<1x16xf32> to vector<16xf32>
        %get3A_247 = arith.index_cast %add3A_243 : i32 to index
        %get3A_248 = arith.constant 0 : index
        %get3A_249 = tpu.vector_load %arg9[%get3A_247, %get3A_248] {strides = array<i32>} : memref<200x16xf32, #tpu.memory_space<vmem>>, vector<1x16xf32>,
        %get3A_250 = vector.shape_cast %get3A_249 : vector<1x16xf32> to vector<16xf32>
        %mul3A_251 = arith.mulf %get3A_246, %get3A_250 : vector<16xf32>
        %slice3A = vector.extract_strided_slice %mul3A_251 {offsets = [0], sizes = [1], strides = [1]} : vector<16xf32> to vector<1xf32>
        %squeeze3A = vector.extract %slice3A[0] : f32 from vector<1xf32>
        %get3A_252 = arith.index_cast %add3A_243 : i32 to index
        %get3A_253 = arith.constant 0 : index
        %get3A_254 = tpu.vector_load %arg8[%get3A_252, %get3A_253] {strides = array<i32>} : memref<200x128xf32, #tpu.memory_space<vmem>>, vector<1x16xf32>,
        %get3A_255 = vector.shape_cast %get3A_254 : vector<1x16xf32> to vector<16xf32>
        %mul3A_256 = vector.broadcast %squeeze3A : f32 to vector<16xf32>
        %mul3A_257 = arith.mulf %get3A_255, %mul3A_256 : vector<16xf32>
        %swap3A = arith.index_cast %add3A_243 : i32 to index
        %swap3A_258 = arith.constant 0 : index
        %swap3A_259 = tpu.vector_load %arg8[%swap3A, %swap3A_258] {strides = array<i32>} : memref<200x128xf32, #tpu.memory_space<vmem>>, vector<1x16xf32>,
        %swap3A_260 = vector.shape_cast %swap3A_259 : vector<1x16xf32> to vector<16xf32>
        %swap3A_261 = vector.shape_cast %mul3A_257 : vector<16xf32> to vector<1x16xf32>
        tpu.vector_store %arg8[%swap3A, %swap3A_258], %swap3A_261 {strides = array<i32>} : memref<200x128xf32, #tpu.memory_space<vmem>>, vector<1x16xf32>,
        %slice3A_262 = vector.extract_strided_slice %mul3A_251 {offsets = [1], sizes = [1], strides = [1]} : vector<16xf32> to vector<1xf32>
        %squeeze3A_263 = vector.extract %slice3A_262[0] : f32 from vector<1xf32>
        %get3A_264 = arith.index_cast %add3A_243 : i32 to index
        %get3A_265 = arith.constant 16 : index
        %get3A_266 = tpu.vector_load %arg8[%get3A_264, %get3A_265] {strides = array<i32>} : memref<200x128xf32, #tpu.memory_space<vmem>>, vector<1x16xf32>,
        %get3A_267 = vector.shape_cast %get3A_266 : vector<1x16xf32> to vector<16xf32>
        %mul3A_268 = vector.broadcast %squeeze3A_263 : f32 to vector<16xf32>
        %mul3A_269 = arith.mulf %get3A_267, %mul3A_268 : vector<16xf32>
        %swap3A_270 = arith.index_cast %add3A_243 : i32 to index
        %swap3A_271 = arith.constant 16 : index
        %swap3A_272 = tpu.vector_load %arg8[%swap3A_270, %swap3A_271] {strides = array<i32>} : memref<200x128xf32, #tpu.memory_space<vmem>>, vector<1x16xf32>,
        %swap3A_273 = vector.shape_cast %swap3A_272 : vector<1x16xf32> to vector<16xf32>
        %swap3A_274 = vector.shape_cast %mul3A_269 : vector<16xf32> to vector<1x16xf32>
        tpu.vector_store %arg8[%swap3A_270, %swap3A_271], %swap3A_274 {strides = array<i32>} : memref<200x128xf32, #tpu.memory_space<vmem>>, vector<1x16xf32>,
        %slice3A_275 = vector.extract_strided_slice %mul3A_251 {offsets = [2], sizes = [1], strides = [1]} : vector<16xf32> to vector<1xf32>
        %squeeze3A_276 = vector.extract %slice3A_275[0] : f32 from vector<1xf32>
        %get3A_277 = arith.index_cast %add3A_243 : i32 to index
        %get3A_278 = arith.constant 32 : index
        %get3A_279 = tpu.vector_load %arg8[%get3A_277, %get3A_278] {strides = array<i32>} : memref<200x128xf32, #tpu.memory_space<vmem>>, vector<1x16xf32>,
        %get3A_280 = vector.shape_cast %get3A_279 : vector<1x16xf32> to vector<16xf32>
        %mul3A_281 = vector.broadcast %squeeze3A_276 : f32 to vector<16xf32>
        %mul3A_282 = arith.mulf %get3A_280, %mul3A_281 : vector<16xf32>
        %swap3A_283 = arith.index_cast %add3A_243 : i32 to index
        %swap3A_284 = arith.constant 32 : index
        %swap3A_285 = tpu.vector_load %arg8[%swap3A_283, %swap3A_284] {strides = array<i32>} : memref<200x128xf32, #tpu.memory_space<vmem>>, vector<1x16xf32>,
        %swap3A_286 = vector.shape_cast %swap3A_285 : vector<1x16xf32> to vector<16xf32>
        %swap3A_287 = vector.shape_cast %mul3A_282 : vector<16xf32> to vector<1x16xf32>
        tpu.vector_store %arg8[%swap3A_283, %swap3A_284], %swap3A_287 {strides = array<i32>} : memref<200x128xf32, #tpu.memory_space<vmem>>, vector<1x16xf32>,
        %slice3A_288 = vector.extract_strided_slice %mul3A_251 {offsets = [3], sizes = [1], strides = [1]} : vector<16xf32> to vector<1xf32>
        %squeeze3A_289 = vector.extract %slice3A_288[0] : f32 from vector<1xf32>
        %get3A_290 = arith.index_cast %add3A_243 : i32 to index
        %get3A_291 = arith.constant 48 : index
        %get3A_292 = tpu.vector_load %arg8[%get3A_290, %get3A_291] {strides = array<i32>} : memref<200x128xf32, #tpu.memory_space<vmem>>, vector<1x16xf32>,
        %get3A_293 = vector.shape_cast %get3A_292 : vector<1x16xf32> to vector<16xf32>
        %mul3A_294 = vector.broadcast %squeeze3A_289 : f32 to vector<16xf32>
        %mul3A_295 = arith.mulf %get3A_293, %mul3A_294 : vector<16xf32>
        %swap3A_296 = arith.index_cast %add3A_243 : i32 to index
        %swap3A_297 = arith.constant 48 : index
        %swap3A_298 = tpu.vector_load %arg8[%swap3A_296, %swap3A_297] {strides = array<i32>} : memref<200x128xf32, #tpu.memory_space<vmem>>, vector<1x16xf32>,
        %swap3A_299 = vector.shape_cast %swap3A_298 : vector<1x16xf32> to vector<16xf32>
        %swap3A_300 = vector.shape_cast %mul3A_295 : vector<16xf32> to vector<1x16xf32>
        tpu.vector_store %arg8[%swap3A_296, %swap3A_297], %swap3A_300 {strides = array<i32>} : memref<200x128xf32, #tpu.memory_space<vmem>>, vector<1x16xf32>,
        %slice3A_301 = vector.extract_strided_slice %mul3A_251 {offsets = [4], sizes = [1], strides = [1]} : vector<16xf32> to vector<1xf32>
        %squeeze3A_302 = vector.extract %slice3A_301[0] : f32 from vector<1xf32>
        %get3A_303 = arith.index_cast %add3A_243 : i32 to index
        %get3A_304 = arith.constant 64 : index
        %get3A_305 = tpu.vector_load %arg8[%get3A_303, %get3A_304] {strides = array<i32>} : memref<200x128xf32, #tpu.memory_space<vmem>>, vector<1x16xf32>,
        %get3A_306 = vector.shape_cast %get3A_305 : vector<1x16xf32> to vector<16xf32>
        %mul3A_307 = vector.broadcast %squeeze3A_302 : f32 to vector<16xf32>
        %mul3A_308 = arith.mulf %get3A_306, %mul3A_307 : vector<16xf32>
        %swap3A_309 = arith.index_cast %add3A_243 : i32 to index
        %swap3A_310 = arith.constant 64 : index
        %swap3A_311 = tpu.vector_load %arg8[%swap3A_309, %swap3A_310] {strides = array<i32>} : memref<200x128xf32, #tpu.memory_space<vmem>>, vector<1x16xf32>,
        %swap3A_312 = vector.shape_cast %swap3A_311 : vector<1x16xf32> to vector<16xf32>
        %swap3A_313 = vector.shape_cast %mul3A_308 : vector<16xf32> to vector<1x16xf32>
        tpu.vector_store %arg8[%swap3A_309, %swap3A_310], %swap3A_313 {strides = array<i32>} : memref<200x128xf32, #tpu.memory_space<vmem>>, vector<1x16xf32>,
        %slice3A_314 = vector.extract_strided_slice %mul3A_251 {offsets = [5], sizes = [1], strides = [1]} : vector<16xf32> to vector<1xf32>
        %squeeze3A_315 = vector.extract %slice3A_314[0] : f32 from vector<1xf32>
        %get3A_316 = arith.index_cast %add3A_243 : i32 to index
        %get3A_317 = arith.constant 80 : index
        %get3A_318 = tpu.vector_load %arg8[%get3A_316, %get3A_317] {strides = array<i32>} : memref<200x128xf32, #tpu.memory_space<vmem>>, vector<1x16xf32>,
        %get3A_319 = vector.shape_cast %get3A_318 : vector<1x16xf32> to vector<16xf32>
        %mul3A_320 = vector.broadcast %squeeze3A_315 : f32 to vector<16xf32>
        %mul3A_321 = arith.mulf %get3A_319, %mul3A_320 : vector<16xf32>
        %swap3A_322 = arith.index_cast %add3A_243 : i32 to index
        %swap3A_323 = arith.constant 80 : index
        %swap3A_324 = tpu.vector_load %arg8[%swap3A_322, %swap3A_323] {strides = array<i32>} : memref<200x128xf32, #tpu.memory_space<vmem>>, vector<1x16xf32>,
        %swap3A_325 = vector.shape_cast %swap3A_324 : vector<1x16xf32> to vector<16xf32>
        %swap3A_326 = vector.shape_cast %mul3A_321 : vector<16xf32> to vector<1x16xf32>
        tpu.vector_store %arg8[%swap3A_322, %swap3A_323], %swap3A_326 {strides = array<i32>} : memref<200x128xf32, #tpu.memory_space<vmem>>, vector<1x16xf32>,
        %slice3A_327 = vector.extract_strided_slice %mul3A_251 {offsets = [6], sizes = [1], strides = [1]} : vector<16xf32> to vector<1xf32>
        %squeeze3A_328 = vector.extract %slice3A_327[0] : f32 from vector<1xf32>
        %get3A_329 = arith.index_cast %add3A_243 : i32 to index
        %get3A_330 = arith.constant 96 : index
        %get3A_331 = tpu.vector_load %arg8[%get3A_329, %get3A_330] {strides = array<i32>} : memref<200x128xf32, #tpu.memory_space<vmem>>, vector<1x16xf32>,
        %get3A_332 = vector.shape_cast %get3A_331 : vector<1x16xf32> to vector<16xf32>
        %mul3A_333 = vector.broadcast %squeeze3A_328 : f32 to vector<16xf32>
        %mul3A_334 = arith.mulf %get3A_332, %mul3A_333 : vector<16xf32>
        %swap3A_335 = arith.index_cast %add3A_243 : i32 to index
        %swap3A_336 = arith.constant 96 : index
        %swap3A_337 = tpu.vector_load %arg8[%swap3A_335, %swap3A_336] {strides = array<i32>} : memref<200x128xf32, #tpu.memory_space<vmem>>, vector<1x16xf32>,
        %swap3A_338 = vector.shape_cast %swap3A_337 : vector<1x16xf32> to vector<16xf32>
        %swap3A_339 = vector.shape_cast %mul3A_334 : vector<16xf32> to vector<1x16xf32>
        tpu.vector_store %arg8[%swap3A_335, %swap3A_336], %swap3A_339 {strides = array<i32>} : memref<200x128xf32, #tpu.memory_space<vmem>>, vector<1x16xf32>,
        %slice3A_340 = vector.extract_strided_slice %mul3A_251 {offsets = [7], sizes = [1], strides = [1]} : vector<16xf32> to vector<1xf32>
        %squeeze3A_341 = vector.extract %slice3A_340[0] : f32 from vector<1xf32>
        %get3A_342 = arith.index_cast %add3A_243 : i32 to index
        %get3A_343 = arith.constant 112 : index
        %get3A_344 = tpu.vector_load %arg8[%get3A_342, %get3A_343] {strides = array<i32>} : memref<200x128xf32, #tpu.memory_space<vmem>>, vector<1x16xf32>,
        %get3A_345 = vector.shape_cast %get3A_344 : vector<1x16xf32> to vector<16xf32>
        %mul3A_346 = vector.broadcast %squeeze3A_341 : f32 to vector<16xf32>
        %mul3A_347 = arith.mulf %get3A_345, %mul3A_346 : vector<16xf32>
        %swap3A_348 = arith.index_cast %add3A_243 : i32 to index
        %swap3A_349 = arith.constant 112 : index
        %swap3A_350 = tpu.vector_load %arg8[%swap3A_348, %swap3A_349] {strides = array<i32>} : memref<200x128xf32, #tpu.memory_space<vmem>>, vector<1x16xf32>,
        %swap3A_351 = vector.shape_cast %swap3A_350 : vector<1x16xf32> to vector<16xf32>
        %swap3A_352 = vector.shape_cast %mul3A_347 : vector<16xf32> to vector<1x16xf32>
        tpu.vector_store %arg8[%swap3A_348, %swap3A_349], %swap3A_352 {strides = array<i32>} : memref<200x128xf32, #tpu.memory_space<vmem>>, vector<1x16xf32>,
        %mul3A_353 = arith.constant 2 : i32
        %mul3A_354 = arith.muli %scan3A_237, %mul3A_353 : i32
        %add3A_355 = arith.constant 0 : i32
        %add3A_356 = arith.addi %add3A_355, %mul3A_354 : i32
        %add3A_357 = arith.constant 1 : i32
        %add3A_358 = arith.addi %add3A_356, %add3A_357 : i32
        %get3A_359 = arith.index_cast %add3A_358 : i32 to index
        %get3A_360 = arith.constant 0 : index
        %get3A_361 = tpu.vector_load %arg10[%get3A_359, %get3A_360] {strides = array<i32>} : memref<200x16xf32, #tpu.memory_space<vmem>>, vector<1x16xf32>,
        %get3A_362 = vector.shape_cast %get3A_361 : vector<1x16xf32> to vector<16xf32>
        %get3A_363 = arith.index_cast %add3A_358 : i32 to index
        %get3A_364 = arith.constant 0 : index
        %get3A_365 = tpu.vector_load %arg9[%get3A_363, %get3A_364] {strides = array<i32>} : memref<200x16xf32, #tpu.memory_space<vmem>>, vector<1x16xf32>,
        %get3A_366 = vector.shape_cast %get3A_365 : vector<1x16xf32> to vector<16xf32>
        %mul3A_367 = arith.mulf %get3A_362, %get3A_366 : vector<16xf32>
        %slice3A_368 = vector.extract_strided_slice %mul3A_367 {offsets = [0], sizes = [1], strides = [1]} : vector<16xf32> to vector<1xf32>
        %squeeze3A_369 = vector.extract %slice3A_368[0] : f32 from vector<1xf32>
        %get3A_370 = arith.index_cast %add3A_358 : i32 to index
        %get3A_371 = arith.constant 0 : index
        %get3A_372 = tpu.vector_load %arg8[%get3A_370, %get3A_371] {strides = array<i32>} : memref<200x128xf32, #tpu.memory_space<vmem>>, vector<1x16xf32>,
        %get3A_373 = vector.shape_cast %get3A_372 : vector<1x16xf32> to vector<16xf32>
        %mul3A_374 = vector.broadcast %squeeze3A_369 : f32 to vector<16xf32>
        %mul3A_375 = arith.mulf %get3A_373, %mul3A_374 : vector<16xf32>
        %swap3A_376 = arith.index_cast %add3A_358 : i32 to index
        %swap3A_377 = arith.constant 0 : index
        %swap3A_378 = tpu.vector_load %arg8[%swap3A_376, %swap3A_377] {strides = array<i32>} : memref<200x128xf32, #tpu.memory_space<vmem>>, vector<1x16xf32>,
        %swap3A_379 = vector.shape_cast %swap3A_378 : vector<1x16xf32> to vector<16xf32>
        %swap3A_380 = vector.shape_cast %mul3A_375 : vector<16xf32> to vector<1x16xf32>
        tpu.vector_store %arg8[%swap3A_376, %swap3A_377], %swap3A_380 {strides = array<i32>} : memref<200x128xf32, #tpu.memory_space<vmem>>, vector<1x16xf32>,
        %slice3A_381 = vector.extract_strided_slice %mul3A_367 {offsets = [1], sizes = [1], strides = [1]} : vector<16xf32> to vector<1xf32>
        %squeeze3A_382 = vector.extract %slice3A_381[0] : f32 from vector<1xf32>
        %get3A_383 = arith.index_cast %add3A_358 : i32 to index
        %get3A_384 = arith.constant 16 : index
        %get3A_385 = tpu.vector_load %arg8[%get3A_383, %get3A_384] {strides = array<i32>} : memref<200x128xf32, #tpu.memory_space<vmem>>, vector<1x16xf32>,
        %get3A_386 = vector.shape_cast %get3A_385 : vector<1x16xf32> to vector<16xf32>
        %mul3A_387 = vector.broadcast %squeeze3A_382 : f32 to vector<16xf32>
        %mul3A_388 = arith.mulf %get3A_386, %mul3A_387 : vector<16xf32>
        %swap3A_389 = arith.index_cast %add3A_358 : i32 to index
        %swap3A_390 = arith.constant 16 : index
        %swap3A_391 = tpu.vector_load %arg8[%swap3A_389, %swap3A_390] {strides = array<i32>} : memref<200x128xf32, #tpu.memory_space<vmem>>, vector<1x16xf32>,
        %swap3A_392 = vector.shape_cast %swap3A_391 : vector<1x16xf32> to vector<16xf32>
        %swap3A_393 = vector.shape_cast %mul3A_388 : vector<16xf32> to vector<1x16xf32>
        tpu.vector_store %arg8[%swap3A_389, %swap3A_390], %swap3A_393 {strides = array<i32>} : memref<200x128xf32, #tpu.memory_space<vmem>>, vector<1x16xf32>,
        %slice3A_394 = vector.extract_strided_slice %mul3A_367 {offsets = [2], sizes = [1], strides = [1]} : vector<16xf32> to vector<1xf32>
        %squeeze3A_395 = vector.extract %slice3A_394[0] : f32 from vector<1xf32>
        %get3A_396 = arith.index_cast %add3A_358 : i32 to index
        %get3A_397 = arith.constant 32 : index
        %get3A_398 = tpu.vector_load %arg8[%get3A_396, %get3A_397] {strides = array<i32>} : memref<200x128xf32, #tpu.memory_space<vmem>>, vector<1x16xf32>,
        %get3A_399 = vector.shape_cast %get3A_398 : vector<1x16xf32> to vector<16xf32>
        %mul3A_400 = vector.broadcast %squeeze3A_395 : f32 to vector<16xf32>
        %mul3A_401 = arith.mulf %get3A_399, %mul3A_400 : vector<16xf32>
        %swap3A_402 = arith.index_cast %add3A_358 : i32 to index
        %swap3A_403 = arith.constant 32 : index
        %swap3A_404 = tpu.vector_load %arg8[%swap3A_402, %swap3A_403] {strides = array<i32>} : memref<200x128xf32, #tpu.memory_space<vmem>>, vector<1x16xf32>,
        %swap3A_405 = vector.shape_cast %swap3A_404 : vector<1x16xf32> to vector<16xf32>
        %swap3A_406 = vector.shape_cast %mul3A_401 : vector<16xf32> to vector<1x16xf32>
        tpu.vector_store %arg8[%swap3A_402, %swap3A_403], %swap3A_406 {strides = array<i32>} : memref<200x128xf32, #tpu.memory_space<vmem>>, vector<1x16xf32>,
        %slice3A_407 = vector.extract_strided_slice %mul3A_367 {offsets = [3], sizes = [1], strides = [1]} : vector<16xf32> to vector<1xf32>
        %squeeze3A_408 = vector.extract %slice3A_407[0] : f32 from vector<1xf32>
        %get3A_409 = arith.index_cast %add3A_358 : i32 to index
        %get3A_410 = arith.constant 48 : index
        %get3A_411 = tpu.vector_load %arg8[%get3A_409, %get3A_410] {strides = array<i32>} : memref<200x128xf32, #tpu.memory_space<vmem>>, vector<1x16xf32>,
        %get3A_412 = vector.shape_cast %get3A_411 : vector<1x16xf32> to vector<16xf32>
        %mul3A_413 = vector.broadcast %squeeze3A_408 : f32 to vector<16xf32>
        %mul3A_414 = arith.mulf %get3A_412, %mul3A_413 : vector<16xf32>
        %swap3A_415 = arith.index_cast %add3A_358 : i32 to index
        %swap3A_416 = arith.constant 48 : index
        %swap3A_417 = tpu.vector_load %arg8[%swap3A_415, %swap3A_416] {strides = array<i32>} : memref<200x128xf32, #tpu.memory_space<vmem>>, vector<1x16xf32>,
        %swap3A_418 = vector.shape_cast %swap3A_417 : vector<1x16xf32> to vector<16xf32>
        %swap3A_419 = vector.shape_cast %mul3A_414 : vector<16xf32> to vector<1x16xf32>
        tpu.vector_store %arg8[%swap3A_415, %swap3A_416], %swap3A_419 {strides = array<i32>} : memref<200x128xf32, #tpu.memory_space<vmem>>, vector<1x16xf32>,
        %slice3A_420 = vector.extract_strided_slice %mul3A_367 {offsets = [4], sizes = [1], strides = [1]} : vector<16xf32> to vector<1xf32>
        %squeeze3A_421 = vector.extract %slice3A_420[0] : f32 from vector<1xf32>
        %get3A_422 = arith.index_cast %add3A_358 : i32 to index
        %get3A_423 = arith.constant 64 : index
        %get3A_424 = tpu.vector_load %arg8[%get3A_422, %get3A_423] {strides = array<i32>} : memref<200x128xf32, #tpu.memory_space<vmem>>, vector<1x16xf32>,
        %get3A_425 = vector.shape_cast %get3A_424 : vector<1x16xf32> to vector<16xf32>
        %mul3A_426 = vector.broadcast %squeeze3A_421 : f32 to vector<16xf32>
        %mul3A_427 = arith.mulf %get3A_425, %mul3A_426 : vector<16xf32>
        %swap3A_428 = arith.index_cast %add3A_358 : i32 to index
        %swap3A_429 = arith.constant 64 : index
        %swap3A_430 = tpu.vector_load %arg8[%swap3A_428, %swap3A_429] {strides = array<i32>} : memref<200x128xf32, #tpu.memory_space<vmem>>, vector<1x16xf32>,
        %swap3A_431 = vector.shape_cast %swap3A_430 : vector<1x16xf32> to vector<16xf32>
        %swap3A_432 = vector.shape_cast %mul3A_427 : vector<16xf32> to vector<1x16xf32>
        tpu.vector_store %arg8[%swap3A_428, %swap3A_429], %swap3A_432 {strides = array<i32>} : memref<200x128xf32, #tpu.memory_space<vmem>>, vector<1x16xf32>,
        %slice3A_433 = vector.extract_strided_slice %mul3A_367 {offsets = [5], sizes = [1], strides = [1]} : vector<16xf32> to vector<1xf32>
        %squeeze3A_434 = vector.extract %slice3A_433[0] : f32 from vector<1xf32>
        %get3A_435 = arith.index_cast %add3A_358 : i32 to index
        %get3A_436 = arith.constant 80 : index
        %get3A_437 = tpu.vector_load %arg8[%get3A_435, %get3A_436] {strides = array<i32>} : memref<200x128xf32, #tpu.memory_space<vmem>>, vector<1x16xf32>,
        %get3A_438 = vector.shape_cast %get3A_437 : vector<1x16xf32> to vector<16xf32>
        %mul3A_439 = vector.broadcast %squeeze3A_434 : f32 to vector<16xf32>
        %mul3A_440 = arith.mulf %get3A_438, %mul3A_439 : vector<16xf32>
        %swap3A_441 = arith.index_cast %add3A_358 : i32 to index
        %swap3A_442 = arith.constant 80 : index
        %swap3A_443 = tpu.vector_load %arg8[%swap3A_441, %swap3A_442] {strides = array<i32>} : memref<200x128xf32, #tpu.memory_space<vmem>>, vector<1x16xf32>,
        %swap3A_444 = vector.shape_cast %swap3A_443 : vector<1x16xf32> to vector<16xf32>
        %swap3A_445 = vector.shape_cast %mul3A_440 : vector<16xf32> to vector<1x16xf32>
        tpu.vector_store %arg8[%swap3A_441, %swap3A_442], %swap3A_445 {strides = array<i32>} : memref<200x128xf32, #tpu.memory_space<vmem>>, vector<1x16xf32>,
        %slice3A_446 = vector.extract_strided_slice %mul3A_367 {offsets = [6], sizes = [1], strides = [1]} : vector<16xf32> to vector<1xf32>
        %squeeze3A_447 = vector.extract %slice3A_446[0] : f32 from vector<1xf32>
        %get3A_448 = arith.index_cast %add3A_358 : i32 to index
        %get3A_449 = arith.constant 96 : index
        %get3A_450 = tpu.vector_load %arg8[%get3A_448, %get3A_449] {strides = array<i32>} : memref<200x128xf32, #tpu.memory_space<vmem>>, vector<1x16xf32>,
        %get3A_451 = vector.shape_cast %get3A_450 : vector<1x16xf32> to vector<16xf32>
        %mul3A_452 = vector.broadcast %squeeze3A_447 : f32 to vector<16xf32>
        %mul3A_453 = arith.mulf %get3A_451, %mul3A_452 : vector<16xf32>
        %swap3A_454 = arith.index_cast %add3A_358 : i32 to index
        %swap3A_455 = arith.constant 96 : index
        %swap3A_456 = tpu.vector_load %arg8[%swap3A_454, %swap3A_455] {strides = array<i32>} : memref<200x128xf32, #tpu.memory_space<vmem>>, vector<1x16xf32>,
        %swap3A_457 = vector.shape_cast %swap3A_456 : vector<1x16xf32> to vector<16xf32>
        %swap3A_458 = vector.shape_cast %mul3A_453 : vector<16xf32> to vector<1x16xf32>
        tpu.vector_store %arg8[%swap3A_454, %swap3A_455], %swap3A_458 {strides = array<i32>} : memref<200x128xf32, #tpu.memory_space<vmem>>, vector<1x16xf32>,
        %slice3A_459 = vector.extract_strided_slice %mul3A_367 {offsets = [7], sizes = [1], strides = [1]} : vector<16xf32> to vector<1xf32>
        %squeeze3A_460 = vector.extract %slice3A_459[0] : f32 from vector<1xf32>
        %get3A_461 = arith.index_cast %add3A_358 : i32 to index
        %get3A_462 = arith.constant 112 : index
        %get3A_463 = tpu.vector_load %arg8[%get3A_461, %get3A_462] {strides = array<i32>} : memref<200x128xf32, #tpu.memory_space<vmem>>, vector<1x16xf32>,
        %get3A_464 = vector.shape_cast %get3A_463 : vector<1x16xf32> to vector<16xf32>
        %mul3A_465 = vector.broadcast %squeeze3A_460 : f32 to vector<16xf32>
        %mul3A_466 = arith.mulf %get3A_464, %mul3A_465 : vector<16xf32>
        %swap3A_467 = arith.index_cast %add3A_358 : i32 to index
        %swap3A_468 = arith.constant 112 : index
        %swap3A_469 = tpu.vector_load %arg8[%swap3A_467, %swap3A_468] {strides = array<i32>} : memref<200x128xf32, #tpu.memory_space<vmem>>, vector<1x16xf32>,
        %swap3A_470 = vector.shape_cast %swap3A_469 : vector<1x16xf32> to vector<16xf32>
        %swap3A_471 = vector.shape_cast %mul3A_466 : vector<16xf32> to vector<1x16xf32>
        tpu.vector_store %arg8[%swap3A_467, %swap3A_468], %swap3A_471 {strides = array<i32>} : memref<200x128xf32, #tpu.memory_space<vmem>>, vector<1x16xf32>,
      }
      %scan3A_180 = arith.constant 50 : i32
      %dma_start3A_181 = arith.constant 2 : i32
      %dma_start3A_182 = arith.constant 0 : i32
      %dma_start3A_183 = arith.constant 0 : i32
      %dma_start3A_184 = tpu.memref_slice %arg8[%dma_start3A_182, %dma_start3A_183] : memref<200x128xf32, #tpu.memory_space<vmem>> -> memref<100x128xf32, #tpu.memory_space<vmem>>
      %dma_start3A_185 = arith.constant 0 : i32
      %dma_start3A_186 = tpu.memref_slice %arg7[%dma_start3A_181, %dma_start3A_185] : memref<4x100xi32, #tpu.memory_space<vmem>> -> memref<1x100xi32, #tpu.memory_space<vmem>>
      %dma_start3A_187 = tpu.memref_squeeze %dma_start3A_186 : memref<1x100xi32, #tpu.memory_space<vmem>> -> memref<100xi32, #tpu.memory_space<vmem>>
      %dma_start3A_188 = arith.constant 0 : i32
      %dma_start3A_189 = arith.constant 0 : i32
      %dma_start3A_190 = tpu.memref_slice %arg12[%dma_start3A_188, %dma_start3A_189] : memref<10240x128xf32, #tpu.memory_space<vmem_shared>> -> memref<10240x128xf32, #tpu.memory_space<vmem_shared>>
      tpu.enqueue_indirect_dma source(%dma_start3A_184 : memref<100x128xf32, #tpu.memory_space<vmem>>) target(%dma_start3A_190 : memref<10240x128xf32, #tpu.memory_space<vmem_shared>>) offsets(%dma_start3A_187 : memref<100xi32, #tpu.memory_space<vmem>>) semaphore(%arg13 : memref<!tpu.dma_semaphore, #tpu.memory_space<semaphore_mem>>) {add = true}
      %dma_wait3A_191 = arith.constant 1 : i32
      %dma_wait3A_192 = arith.constant 100 : i32
      %dma_wait3A_193 = arith.constant 0 : i32
      %dma_wait3A_194 = tpu.memref_slice %arg8[%dma_wait3A_192, %dma_wait3A_193] : memref<200x128xf32, #tpu.memory_space<vmem>> -> memref<100x128xf32, #tpu.memory_space<vmem>>
      %dma_wait3A_195 = arith.constant 0 : i32
      %dma_wait3A_196 = tpu.memref_slice %arg7[%dma_wait3A_191, %dma_wait3A_195] : memref<4x100xi32, #tpu.memory_space<vmem>> -> memref<1x100xi32, #tpu.memory_space<vmem>>
      %dma_wait3A_197 = tpu.memref_squeeze %dma_wait3A_196 : memref<1x100xi32, #tpu.memory_space<vmem>> -> memref<100xi32, #tpu.memory_space<vmem>>
      %dma_wait3A_198 = arith.constant 0 : i32
      %dma_wait3A_199 = arith.constant 0 : i32
      %dma_wait3A_200 = tpu.memref_slice %arg3[%dma_wait3A_198, %dma_wait3A_199] : memref<10000x128xf32, #tpu.memory_space<hbm>> -> memref<10000x128xf32, #tpu.memory_space<hbm>>
      tpu.wait_indirect_dma semaphore(%arg13 : memref<!tpu.dma_semaphore, #tpu.memory_space<semaphore_mem>>) src(%dma_wait3A_200 : memref<10000x128xf32, #tpu.memory_space<hbm>>) dst(%dma_wait3A_194 : memref<100x128xf32, #tpu.memory_space<vmem>>)
      %scan3A_201 = arith.constant 0 : i32
      %scan3A_202 = arith.constant 0 : i32
      %scan3A_203 = arith.constant 50 : i32
      %scan3A_204 = arith.addi %scan3A_202, %scan3A_203 : i32
      %scan3A_205 = arith.constant 1 : i32
      scf.for %scan3A_237 = %scan3A_202 to %scan3A_204 step %scan3A_205  : i32 {
        %mul3A_238 = arith.constant 2 : i32
        %mul3A_239 = arith.muli %scan3A_237, %mul3A_238 : i32
        %add3A_240 = arith.constant 100 : i32
        %add3A_241 = arith.addi %add3A_240, %mul3A_239 : i32
        %add3A_242 = arith.constant 0 : i32
        %add3A_243 = arith.addi %add3A_241, %add3A_242 : i32
        %get3A = arith.index_cast %add3A_243 : i32 to index
        %get3A_244 = arith.constant 0 : index
        %get3A_245 = tpu.vector_load %arg10[%get3A, %get3A_244] {strides = array<i32>} : memref<200x16xf32, #tpu.memory_space<vmem>>, vector<1x16xf32>,
        %get3A_246 = vector.shape_cast %get3A_245 : vector<1x16xf32> to vector<16xf32>
        %get3A_247 = arith.index_cast %add3A_243 : i32 to index
        %get3A_248 = arith.constant 0 : index
        %get3A_249 = tpu.vector_load %arg9[%get3A_247, %get3A_248] {strides = array<i32>} : memref<200x16xf32, #tpu.memory_space<vmem>>, vector<1x16xf32>,
        %get3A_250 = vector.shape_cast %get3A_249 : vector<1x16xf32> to vector<16xf32>
        %mul3A_251 = arith.mulf %get3A_246, %get3A_250 : vector<16xf32>
        %slice3A = vector.extract_strided_slice %mul3A_251 {offsets = [0], sizes = [1], strides = [1]} : vector<16xf32> to vector<1xf32>
        %squeeze3A = vector.extract %slice3A[0] : f32 from vector<1xf32>
        %get3A_252 = arith.index_cast %add3A_243 : i32 to index
        %get3A_253 = arith.constant 0 : index
        %get3A_254 = tpu.vector_load %arg8[%get3A_252, %get3A_253] {strides = array<i32>} : memref<200x128xf32, #tpu.memory_space<vmem>>, vector<1x16xf32>,
        %get3A_255 = vector.shape_cast %get3A_254 : vector<1x16xf32> to vector<16xf32>
        %mul3A_256 = vector.broadcast %squeeze3A : f32 to vector<16xf32>
        %mul3A_257 = arith.mulf %get3A_255, %mul3A_256 : vector<16xf32>
        %swap3A = arith.index_cast %add3A_243 : i32 to index
        %swap3A_258 = arith.constant 0 : index
        %swap3A_259 = tpu.vector_load %arg8[%swap3A, %swap3A_258] {strides = array<i32>} : memref<200x128xf32, #tpu.memory_space<vmem>>, vector<1x16xf32>,
        %swap3A_260 = vector.shape_cast %swap3A_259 : vector<1x16xf32> to vector<16xf32>
        %swap3A_261 = vector.shape_cast %mul3A_257 : vector<16xf32> to vector<1x16xf32>
        tpu.vector_store %arg8[%swap3A, %swap3A_258], %swap3A_261 {strides = array<i32>} : memref<200x128xf32, #tpu.memory_space<vmem>>, vector<1x16xf32>,
        %slice3A_262 = vector.extract_strided_slice %mul3A_251 {offsets = [1], sizes = [1], strides = [1]} : vector<16xf32> to vector<1xf32>
        %squeeze3A_263 = vector.extract %slice3A_262[0] : f32 from vector<1xf32>
        %get3A_264 = arith.index_cast %add3A_243 : i32 to index
        %get3A_265 = arith.constant 16 : index
        %get3A_266 = tpu.vector_load %arg8[%get3A_264, %get3A_265] {strides = array<i32>} : memref<200x128xf32, #tpu.memory_space<vmem>>, vector<1x16xf32>,
        %get3A_267 = vector.shape_cast %get3A_266 : vector<1x16xf32> to vector<16xf32>
        %mul3A_268 = vector.broadcast %squeeze3A_263 : f32 to vector<16xf32>
        %mul3A_269 = arith.mulf %get3A_267, %mul3A_268 : vector<16xf32>
        %swap3A_270 = arith.index_cast %add3A_243 : i32 to index
        %swap3A_271 = arith.constant 16 : index
        %swap3A_272 = tpu.vector_load %arg8[%swap3A_270, %swap3A_271] {strides = array<i32>} : memref<200x128xf32, #tpu.memory_space<vmem>>, vector<1x16xf32>,
        %swap3A_273 = vector.shape_cast %swap3A_272 : vector<1x16xf32> to vector<16xf32>
        %swap3A_274 = vector.shape_cast %mul3A_269 : vector<16xf32> to vector<1x16xf32>
        tpu.vector_store %arg8[%swap3A_270, %swap3A_271], %swap3A_274 {strides = array<i32>} : memref<200x128xf32, #tpu.memory_space<vmem>>, vector<1x16xf32>,
        %slice3A_275 = vector.extract_strided_slice %mul3A_251 {offsets = [2], sizes = [1], strides = [1]} : vector<16xf32> to vector<1xf32>
        %squeeze3A_276 = vector.extract %slice3A_275[0] : f32 from vector<1xf32>
        %get3A_277 = arith.index_cast %add3A_243 : i32 to index
        %get3A_278 = arith.constant 32 : index
        %get3A_279 = tpu.vector_load %arg8[%get3A_277, %get3A_278] {strides = array<i32>} : memref<200x128xf32, #tpu.memory_space<vmem>>, vector<1x16xf32>,
        %get3A_280 = vector.shape_cast %get3A_279 : vector<1x16xf32> to vector<16xf32>
        %mul3A_281 = vector.broadcast %squeeze3A_276 : f32 to vector<16xf32>
        %mul3A_282 = arith.mulf %get3A_280, %mul3A_281 : vector<16xf32>
        %swap3A_283 = arith.index_cast %add3A_243 : i32 to index
        %swap3A_284 = arith.constant 32 : index
        %swap3A_285 = tpu.vector_load %arg8[%swap3A_283, %swap3A_284] {strides = array<i32>} : memref<200x128xf32, #tpu.memory_space<vmem>>, vector<1x16xf32>,
        %swap3A_286 = vector.shape_cast %swap3A_285 : vector<1x16xf32> to vector<16xf32>
        %swap3A_287 = vector.shape_cast %mul3A_282 : vector<16xf32> to vector<1x16xf32>
        tpu.vector_store %arg8[%swap3A_283, %swap3A_284], %swap3A_287 {strides = array<i32>} : memref<200x128xf32, #tpu.memory_space<vmem>>, vector<1x16xf32>,
        %slice3A_288 = vector.extract_strided_slice %mul3A_251 {offsets = [3], sizes = [1], strides = [1]} : vector<16xf32> to vector<1xf32>
        %squeeze3A_289 = vector.extract %slice3A_288[0] : f32 from vector<1xf32>
        %get3A_290 = arith.index_cast %add3A_243 : i32 to index
        %get3A_291 = arith.constant 48 : index
        %get3A_292 = tpu.vector_load %arg8[%get3A_290, %get3A_291] {strides = array<i32>} : memref<200x128xf32, #tpu.memory_space<vmem>>, vector<1x16xf32>,
        %get3A_293 = vector.shape_cast %get3A_292 : vector<1x16xf32> to vector<16xf32>
        %mul3A_294 = vector.broadcast %squeeze3A_289 : f32 to vector<16xf32>
        %mul3A_295 = arith.mulf %get3A_293, %mul3A_294 : vector<16xf32>
        %swap3A_296 = arith.index_cast %add3A_243 : i32 to index
        %swap3A_297 = arith.constant 48 : index
        %swap3A_298 = tpu.vector_load %arg8[%swap3A_296, %swap3A_297] {strides = array<i32>} : memref<200x128xf32, #tpu.memory_space<vmem>>, vector<1x16xf32>,
        %swap3A_299 = vector.shape_cast %swap3A_298 : vector<1x16xf32> to vector<16xf32>
        %swap3A_300 = vector.shape_cast %mul3A_295 : vector<16xf32> to vector<1x16xf32>
        tpu.vector_store %arg8[%swap3A_296, %swap3A_297], %swap3A_300 {strides = array<i32>} : memref<200x128xf32, #tpu.memory_space<vmem>>, vector<1x16xf32>,
        %slice3A_301 = vector.extract_strided_slice %mul3A_251 {offsets = [4], sizes = [1], strides = [1]} : vector<16xf32> to vector<1xf32>
        %squeeze3A_302 = vector.extract %slice3A_301[0] : f32 from vector<1xf32>
        %get3A_303 = arith.index_cast %add3A_243 : i32 to index
        %get3A_304 = arith.constant 64 : index
        %get3A_305 = tpu.vector_load %arg8[%get3A_303, %get3A_304] {strides = array<i32>} : memref<200x128xf32, #tpu.memory_space<vmem>>, vector<1x16xf32>,
        %get3A_306 = vector.shape_cast %get3A_305 : vector<1x16xf32> to vector<16xf32>
        %mul3A_307 = vector.broadcast %squeeze3A_302 : f32 to vector<16xf32>
        %mul3A_308 = arith.mulf %get3A_306, %mul3A_307 : vector<16xf32>
        %swap3A_309 = arith.index_cast %add3A_243 : i32 to index
        %swap3A_310 = arith.constant 64 : index
        %swap3A_311 = tpu.vector_load %arg8[%swap3A_309, %swap3A_310] {strides = array<i32>} : memref<200x128xf32, #tpu.memory_space<vmem>>, vector<1x16xf32>,
        %swap3A_312 = vector.shape_cast %swap3A_311 : vector<1x16xf32> to vector<16xf32>
        %swap3A_313 = vector.shape_cast %mul3A_308 : vector<16xf32> to vector<1x16xf32>
        tpu.vector_store %arg8[%swap3A_309, %swap3A_310], %swap3A_313 {strides = array<i32>} : memref<200x128xf32, #tpu.memory_space<vmem>>, vector<1x16xf32>,
        %slice3A_314 = vector.extract_strided_slice %mul3A_251 {offsets = [5], sizes = [1], strides = [1]} : vector<16xf32> to vector<1xf32>
        %squeeze3A_315 = vector.extract %slice3A_314[0] : f32 from vector<1xf32>
        %get3A_316 = arith.index_cast %add3A_243 : i32 to index
        %get3A_317 = arith.constant 80 : index
        %get3A_318 = tpu.vector_load %arg8[%get3A_316, %get3A_317] {strides = array<i32>} : memref<200x128xf32, #tpu.memory_space<vmem>>, vector<1x16xf32>,
        %get3A_319 = vector.shape_cast %get3A_318 : vector<1x16xf32> to vector<16xf32>
        %mul3A_320 = vector.broadcast %squeeze3A_315 : f32 to vector<16xf32>
        %mul3A_321 = arith.mulf %get3A_319, %mul3A_320 : vector<16xf32>
        %swap3A_322 = arith.index_cast %add3A_243 : i32 to index
        %swap3A_323 = arith.constant 80 : index
        %swap3A_324 = tpu.vector_load %arg8[%swap3A_322, %swap3A_323] {strides = array<i32>} : memref<200x128xf32, #tpu.memory_space<vmem>>, vector<1x16xf32>,
        %swap3A_325 = vector.shape_cast %swap3A_324 : vector<1x16xf32> to vector<16xf32>
        %swap3A_326 = vector.shape_cast %mul3A_321 : vector<16xf32> to vector<1x16xf32>
        tpu.vector_store %arg8[%swap3A_322, %swap3A_323], %swap3A_326 {strides = array<i32>} : memref<200x128xf32, #tpu.memory_space<vmem>>, vector<1x16xf32>,
        %slice3A_327 = vector.extract_strided_slice %mul3A_251 {offsets = [6], sizes = [1], strides = [1]} : vector<16xf32> to vector<1xf32>
        %squeeze3A_328 = vector.extract %slice3A_327[0] : f32 from vector<1xf32>
        %get3A_329 = arith.index_cast %add3A_243 : i32 to index
        %get3A_330 = arith.constant 96 : index
        %get3A_331 = tpu.vector_load %arg8[%get3A_329, %get3A_330] {strides = array<i32>} : memref<200x128xf32, #tpu.memory_space<vmem>>, vector<1x16xf32>,
        %get3A_332 = vector.shape_cast %get3A_331 : vector<1x16xf32> to vector<16xf32>
        %mul3A_333 = vector.broadcast %squeeze3A_328 : f32 to vector<16xf32>
        %mul3A_334 = arith.mulf %get3A_332, %mul3A_333 : vector<16xf32>
        %swap3A_335 = arith.index_cast %add3A_243 : i32 to index
        %swap3A_336 = arith.constant 96 : index
        %swap3A_337 = tpu.vector_load %arg8[%swap3A_335, %swap3A_336] {strides = array<i32>} : memref<200x128xf32, #tpu.memory_space<vmem>>, vector<1x16xf32>,
        %swap3A_338 = vector.shape_cast %swap3A_337 : vector<1x16xf32> to vector<16xf32>
        %swap3A_339 = vector.shape_cast %mul3A_334 : vector<16xf32> to vector<1x16xf32>
        tpu.vector_store %arg8[%swap3A_335, %swap3A_336], %swap3A_339 {strides = array<i32>} : memref<200x128xf32, #tpu.memory_space<vmem>>, vector<1x16xf32>,
        %slice3A_340 = vector.extract_strided_slice %mul3A_251 {offsets = [7], sizes = [1], strides = [1]} : vector<16xf32> to vector<1xf32>
        %squeeze3A_341 = vector.extract %slice3A_340[0] : f32 from vector<1xf32>
        %get3A_342 = arith.index_cast %add3A_243 : i32 to index
        %get3A_343 = arith.constant 112 : index
        %get3A_344 = tpu.vector_load %arg8[%get3A_342, %get3A_343] {strides = array<i32>} : memref<200x128xf32, #tpu.memory_space<vmem>>, vector<1x16xf32>,
        %get3A_345 = vector.shape_cast %get3A_344 : vector<1x16xf32> to vector<16xf32>
        %mul3A_346 = vector.broadcast %squeeze3A_341 : f32 to vector<16xf32>
        %mul3A_347 = arith.mulf %get3A_345, %mul3A_346 : vector<16xf32>
        %swap3A_348 = arith.index_cast %add3A_243 : i32 to index
        %swap3A_349 = arith.constant 112 : index
        %swap3A_350 = tpu.vector_load %arg8[%swap3A_348, %swap3A_349] {strides = array<i32>} : memref<200x128xf32, #tpu.memory_space<vmem>>, vector<1x16xf32>,
        %swap3A_351 = vector.shape_cast %swap3A_350 : vector<1x16xf32> to vector<16xf32>
        %swap3A_352 = vector.shape_cast %mul3A_347 : vector<16xf32> to vector<1x16xf32>
        tpu.vector_store %arg8[%swap3A_348, %swap3A_349], %swap3A_352 {strides = array<i32>} : memref<200x128xf32, #tpu.memory_space<vmem>>, vector<1x16xf32>,
        %mul3A_353 = arith.constant 2 : i32
        %mul3A_354 = arith.muli %scan3A_237, %mul3A_353 : i32
        %add3A_355 = arith.constant 100 : i32
        %add3A_356 = arith.addi %add3A_355, %mul3A_354 : i32
        %add3A_357 = arith.constant 1 : i32
        %add3A_358 = arith.addi %add3A_356, %add3A_357 : i32
        %get3A_359 = arith.index_cast %add3A_358 : i32 to index
        %get3A_360 = arith.constant 0 : index
        %get3A_361 = tpu.vector_load %arg10[%get3A_359, %get3A_360] {strides = array<i32>} : memref<200x16xf32, #tpu.memory_space<vmem>>, vector<1x16xf32>,
        %get3A_362 = vector.shape_cast %get3A_361 : vector<1x16xf32> to vector<16xf32>
        %get3A_363 = arith.index_cast %add3A_358 : i32 to index
        %get3A_364 = arith.constant 0 : index
        %get3A_365 = tpu.vector_load %arg9[%get3A_363, %get3A_364] {strides = array<i32>} : memref<200x16xf32, #tpu.memory_space<vmem>>, vector<1x16xf32>,
        %get3A_366 = vector.shape_cast %get3A_365 : vector<1x16xf32> to vector<16xf32>
        %mul3A_367 = arith.mulf %get3A_362, %get3A_366 : vector<16xf32>
        %slice3A_368 = vector.extract_strided_slice %mul3A_367 {offsets = [0], sizes = [1], strides = [1]} : vector<16xf32> to vector<1xf32>
        %squeeze3A_369 = vector.extract %slice3A_368[0] : f32 from vector<1xf32>
        %get3A_370 = arith.index_cast %add3A_358 : i32 to index
        %get3A_371 = arith.constant 0 : index
        %get3A_372 = tpu.vector_load %arg8[%get3A_370, %get3A_371] {strides = array<i32>} : memref<200x128xf32, #tpu.memory_space<vmem>>, vector<1x16xf32>,
        %get3A_373 = vector.shape_cast %get3A_372 : vector<1x16xf32> to vector<16xf32>
        %mul3A_374 = vector.broadcast %squeeze3A_369 : f32 to vector<16xf32>
        %mul3A_375 = arith.mulf %get3A_373, %mul3A_374 : vector<16xf32>
        %swap3A_376 = arith.index_cast %add3A_358 : i32 to index
        %swap3A_377 = arith.constant 0 : index
        %swap3A_378 = tpu.vector_load %arg8[%swap3A_376, %swap3A_377] {strides = array<i32>} : memref<200x128xf32, #tpu.memory_space<vmem>>, vector<1x16xf32>,
        %swap3A_379 = vector.shape_cast %swap3A_378 : vector<1x16xf32> to vector<16xf32>
        %swap3A_380 = vector.shape_cast %mul3A_375 : vector<16xf32> to vector<1x16xf32>
        tpu.vector_store %arg8[%swap3A_376, %swap3A_377], %swap3A_380 {strides = array<i32>} : memref<200x128xf32, #tpu.memory_space<vmem>>, vector<1x16xf32>,
        %slice3A_381 = vector.extract_strided_slice %mul3A_367 {offsets = [1], sizes = [1], strides = [1]} : vector<16xf32> to vector<1xf32>
        %squeeze3A_382 = vector.extract %slice3A_381[0] : f32 from vector<1xf32>
        %get3A_383 = arith.index_cast %add3A_358 : i32 to index
        %get3A_384 = arith.constant 16 : index
        %get3A_385 = tpu.vector_load %arg8[%get3A_383, %get3A_384] {strides = array<i32>} : memref<200x128xf32, #tpu.memory_space<vmem>>, vector<1x16xf32>,
        %get3A_386 = vector.shape_cast %get3A_385 : vector<1x16xf32> to vector<16xf32>
        %mul3A_387 = vector.broadcast %squeeze3A_382 : f32 to vector<16xf32>
        %mul3A_388 = arith.mulf %get3A_386, %mul3A_387 : vector<16xf32>
        %swap3A_389 = arith.index_cast %add3A_358 : i32 to index
        %swap3A_390 = arith.constant 16 : index
        %swap3A_391 = tpu.vector_load %arg8[%swap3A_389, %swap3A_390] {strides = array<i32>} : memref<200x128xf32, #tpu.memory_space<vmem>>, vector<1x16xf32>,
        %swap3A_392 = vector.shape_cast %swap3A_391 : vector<1x16xf32> to vector<16xf32>
        %swap3A_393 = vector.shape_cast %mul3A_388 : vector<16xf32> to vector<1x16xf32>
        tpu.vector_store %arg8[%swap3A_389, %swap3A_390], %swap3A_393 {strides = array<i32>} : memref<200x128xf32, #tpu.memory_space<vmem>>, vector<1x16xf32>,
        %slice3A_394 = vector.extract_strided_slice %mul3A_367 {offsets = [2], sizes = [1], strides = [1]} : vector<16xf32> to vector<1xf32>
        %squeeze3A_395 = vector.extract %slice3A_394[0] : f32 from vector<1xf32>
        %get3A_396 = arith.index_cast %add3A_358 : i32 to index
        %get3A_397 = arith.constant 32 : index
        %get3A_398 = tpu.vector_load %arg8[%get3A_396, %get3A_397] {strides = array<i32>} : memref<200x128xf32, #tpu.memory_space<vmem>>, vector<1x16xf32>,
        %get3A_399 = vector.shape_cast %get3A_398 : vector<1x16xf32> to vector<16xf32>
        %mul3A_400 = vector.broadcast %squeeze3A_395 : f32 to vector<16xf32>
        %mul3A_401 = arith.mulf %get3A_399, %mul3A_400 : vector<16xf32>
        %swap3A_402 = arith.index_cast %add3A_358 : i32 to index
        %swap3A_403 = arith.constant 32 : index
        %swap3A_404 = tpu.vector_load %arg8[%swap3A_402, %swap3A_403] {strides = array<i32>} : memref<200x128xf32, #tpu.memory_space<vmem>>, vector<1x16xf32>,
        %swap3A_405 = vector.shape_cast %swap3A_404 : vector<1x16xf32> to vector<16xf32>
        %swap3A_406 = vector.shape_cast %mul3A_401 : vector<16xf32> to vector<1x16xf32>
        tpu.vector_store %arg8[%swap3A_402, %swap3A_403], %swap3A_406 {strides = array<i32>} : memref<200x128xf32, #tpu.memory_space<vmem>>, vector<1x16xf32>,
        %slice3A_407 = vector.extract_strided_slice %mul3A_367 {offsets = [3], sizes = [1], strides = [1]} : vector<16xf32> to vector<1xf32>
        %squeeze3A_408 = vector.extract %slice3A_407[0] : f32 from vector<1xf32>
        %get3A_409 = arith.index_cast %add3A_358 : i32 to index
        %get3A_410 = arith.constant 48 : index
        %get3A_411 = tpu.vector_load %arg8[%get3A_409, %get3A_410] {strides = array<i32>} : memref<200x128xf32, #tpu.memory_space<vmem>>, vector<1x16xf32>,
        %get3A_412 = vector.shape_cast %get3A_411 : vector<1x16xf32> to vector<16xf32>
        %mul3A_413 = vector.broadcast %squeeze3A_408 : f32 to vector<16xf32>
        %mul3A_414 = arith.mulf %get3A_412, %mul3A_413 : vector<16xf32>
        %swap3A_415 = arith.index_cast %add3A_358 : i32 to index
        %swap3A_416 = arith.constant 48 : index
        %swap3A_417 = tpu.vector_load %arg8[%swap3A_415, %swap3A_416] {strides = array<i32>} : memref<200x128xf32, #tpu.memory_space<vmem>>, vector<1x16xf32>,
        %swap3A_418 = vector.shape_cast %swap3A_417 : vector<1x16xf32> to vector<16xf32>
        %swap3A_419 = vector.shape_cast %mul3A_414 : vector<16xf32> to vector<1x16xf32>
        tpu.vector_store %arg8[%swap3A_415, %swap3A_416], %swap3A_419 {strides = array<i32>} : memref<200x128xf32, #tpu.memory_space<vmem>>, vector<1x16xf32>,
        %slice3A_420 = vector.extract_strided_slice %mul3A_367 {offsets = [4], sizes = [1], strides = [1]} : vector<16xf32> to vector<1xf32>
        %squeeze3A_421 = vector.extract %slice3A_420[0] : f32 from vector<1xf32>
        %get3A_422 = arith.index_cast %add3A_358 : i32 to index
        %get3A_423 = arith.constant 64 : index
        %get3A_424 = tpu.vector_load %arg8[%get3A_422, %get3A_423] {strides = array<i32>} : memref<200x128xf32, #tpu.memory_space<vmem>>, vector<1x16xf32>,
        %get3A_425 = vector.shape_cast %get3A_424 : vector<1x16xf32> to vector<16xf32>
        %mul3A_426 = vector.broadcast %squeeze3A_421 : f32 to vector<16xf32>
        %mul3A_427 = arith.mulf %get3A_425, %mul3A_426 : vector<16xf32>
        %swap3A_428 = arith.index_cast %add3A_358 : i32 to index
        %swap3A_429 = arith.constant 64 : index
        %swap3A_430 = tpu.vector_load %arg8[%swap3A_428, %swap3A_429] {strides = array<i32>} : memref<200x128xf32, #tpu.memory_space<vmem>>, vector<1x16xf32>,
        %swap3A_431 = vector.shape_cast %swap3A_430 : vector<1x16xf32> to vector<16xf32>
        %swap3A_432 = vector.shape_cast %mul3A_427 : vector<16xf32> to vector<1x16xf32>
        tpu.vector_store %arg8[%swap3A_428, %swap3A_429], %swap3A_432 {strides = array<i32>} : memref<200x128xf32, #tpu.memory_space<vmem>>, vector<1x16xf32>,
        %slice3A_433 = vector.extract_strided_slice %mul3A_367 {offsets = [5], sizes = [1], strides = [1]} : vector<16xf32> to vector<1xf32>
        %squeeze3A_434 = vector.extract %slice3A_433[0] : f32 from vector<1xf32>
        %get3A_435 = arith.index_cast %add3A_358 : i32 to index
        %get3A_436 = arith.constant 80 : index
        %get3A_437 = tpu.vector_load %arg8[%get3A_435, %get3A_436] {strides = array<i32>} : memref<200x128xf32, #tpu.memory_space<vmem>>, vector<1x16xf32>,
        %get3A_438 = vector.shape_cast %get3A_437 : vector<1x16xf32> to vector<16xf32>
        %mul3A_439 = vector.broadcast %squeeze3A_434 : f32 to vector<16xf32>
        %mul3A_440 = arith.mulf %get3A_438, %mul3A_439 : vector<16xf32>
        %swap3A_441 = arith.index_cast %add3A_358 : i32 to index
        %swap3A_442 = arith.constant 80 : index
        %swap3A_443 = tpu.vector_load %arg8[%swap3A_441, %swap3A_442] {strides = array<i32>} : memref<200x128xf32, #tpu.memory_space<vmem>>, vector<1x16xf32>,
        %swap3A_444 = vector.shape_cast %swap3A_443 : vector<1x16xf32> to vector<16xf32>
        %swap3A_445 = vector.shape_cast %mul3A_440 : vector<16xf32> to vector<1x16xf32>
        tpu.vector_store %arg8[%swap3A_441, %swap3A_442], %swap3A_445 {strides = array<i32>} : memref<200x128xf32, #tpu.memory_space<vmem>>, vector<1x16xf32>,
        %slice3A_446 = vector.extract_strided_slice %mul3A_367 {offsets = [6], sizes = [1], strides = [1]} : vector<16xf32> to vector<1xf32>
        %squeeze3A_447 = vector.extract %slice3A_446[0] : f32 from vector<1xf32>
        %get3A_448 = arith.index_cast %add3A_358 : i32 to index
        %get3A_449 = arith.constant 96 : index
        %get3A_450 = tpu.vector_load %arg8[%get3A_448, %get3A_449] {strides = array<i32>} : memref<200x128xf32, #tpu.memory_space<vmem>>, vector<1x16xf32>,
        %get3A_451 = vector.shape_cast %get3A_450 : vector<1x16xf32> to vector<16xf32>
        %mul3A_452 = vector.broadcast %squeeze3A_447 : f32 to vector<16xf32>
        %mul3A_453 = arith.mulf %get3A_451, %mul3A_452 : vector<16xf32>
        %swap3A_454 = arith.index_cast %add3A_358 : i32 to index
        %swap3A_455 = arith.constant 96 : index
        %swap3A_456 = tpu.vector_load %arg8[%swap3A_454, %swap3A_455] {strides = array<i32>} : memref<200x128xf32, #tpu.memory_space<vmem>>, vector<1x16xf32>,
        %swap3A_457 = vector.shape_cast %swap3A_456 : vector<1x16xf32> to vector<16xf32>
        %swap3A_458 = vector.shape_cast %mul3A_453 : vector<16xf32> to vector<1x16xf32>
        tpu.vector_store %arg8[%swap3A_454, %swap3A_455], %swap3A_458 {strides = array<i32>} : memref<200x128xf32, #tpu.memory_space<vmem>>, vector<1x16xf32>,
        %slice3A_459 = vector.extract_strided_slice %mul3A_367 {offsets = [7], sizes = [1], strides = [1]} : vector<16xf32> to vector<1xf32>
        %squeeze3A_460 = vector.extract %slice3A_459[0] : f32 from vector<1xf32>
        %get3A_461 = arith.index_cast %add3A_358 : i32 to index
        %get3A_462 = arith.constant 112 : index
        %get3A_463 = tpu.vector_load %arg8[%get3A_461, %get3A_462] {strides = array<i32>} : memref<200x128xf32, #tpu.memory_space<vmem>>, vector<1x16xf32>,
        %get3A_464 = vector.shape_cast %get3A_463 : vector<1x16xf32> to vector<16xf32>
        %mul3A_465 = vector.broadcast %squeeze3A_460 : f32 to vector<16xf32>
        %mul3A_466 = arith.mulf %get3A_464, %mul3A_465 : vector<16xf32>
        %swap3A_467 = arith.index_cast %add3A_358 : i32 to index
        %swap3A_468 = arith.constant 112 : index
        %swap3A_469 = tpu.vector_load %arg8[%swap3A_467, %swap3A_468] {strides = array<i32>} : memref<200x128xf32, #tpu.memory_space<vmem>>, vector<1x16xf32>,
        %swap3A_470 = vector.shape_cast %swap3A_469 : vector<1x16xf32> to vector<16xf32>
        %swap3A_471 = vector.shape_cast %mul3A_466 : vector<16xf32> to vector<1x16xf32>
        tpu.vector_store %arg8[%swap3A_467, %swap3A_468], %swap3A_471 {strides = array<i32>} : memref<200x128xf32, #tpu.memory_space<vmem>>, vector<1x16xf32>,
      }
      %scan3A_206 = arith.constant 50 : i32
      %dma_start3A_207 = arith.constant 3 : i32
      %dma_start3A_208 = arith.constant 100 : i32
      %dma_start3A_209 = arith.constant 0 : i32
      %dma_start3A_210 = tpu.memref_slice %arg8[%dma_start3A_208, %dma_start3A_209] : memref<200x128xf32, #tpu.memory_space<vmem>> -> memref<100x128xf32, #tpu.memory_space<vmem>>
      %dma_start3A_211 = arith.constant 0 : i32
      %dma_start3A_212 = tpu.memref_slice %arg7[%dma_start3A_207, %dma_start3A_211] : memref<4x100xi32, #tpu.memory_space<vmem>> -> memref<1x100xi32, #tpu.memory_space<vmem>>
      %dma_start3A_213 = tpu.memref_squeeze %dma_start3A_212 : memref<1x100xi32, #tpu.memory_space<vmem>> -> memref<100xi32, #tpu.memory_space<vmem>>
      %dma_start3A_214 = arith.constant 0 : i32
      %dma_start3A_215 = arith.constant 0 : i32
      %dma_start3A_216 = tpu.memref_slice %arg12[%dma_start3A_214, %dma_start3A_215] : memref<10240x128xf32, #tpu.memory_space<vmem_shared>> -> memref<10240x128xf32, #tpu.memory_space<vmem_shared>>
      tpu.enqueue_indirect_dma source(%dma_start3A_210 : memref<100x128xf32, #tpu.memory_space<vmem>>) target(%dma_start3A_216 : memref<10240x128xf32, #tpu.memory_space<vmem_shared>>) offsets(%dma_start3A_213 : memref<100xi32, #tpu.memory_space<vmem>>) semaphore(%arg14 : memref<!tpu.dma_semaphore, #tpu.memory_space<semaphore_mem>>) {add = true}
      %dma_wait3A_217 = arith.constant 2 : i32
      %dma_wait3A_218 = arith.constant 0 : i32
      %dma_wait3A_219 = arith.constant 0 : i32
      %dma_wait3A_220 = tpu.memref_slice %arg8[%dma_wait3A_218, %dma_wait3A_219] : memref<200x128xf32, #tpu.memory_space<vmem>> -> memref<100x128xf32, #tpu.memory_space<vmem>>
      %dma_wait3A_221 = arith.constant 0 : i32
      %dma_wait3A_222 = tpu.memref_slice %arg7[%dma_wait3A_217, %dma_wait3A_221] : memref<4x100xi32, #tpu.memory_space<vmem>> -> memref<1x100xi32, #tpu.memory_space<vmem>>
      %dma_wait3A_223 = tpu.memref_squeeze %dma_wait3A_222 : memref<1x100xi32, #tpu.memory_space<vmem>> -> memref<100xi32, #tpu.memory_space<vmem>>
      %dma_wait3A_224 = arith.constant 0 : i32
      %dma_wait3A_225 = arith.constant 0 : i32
      %dma_wait3A_226 = tpu.memref_slice %arg12[%dma_wait3A_224, %dma_wait3A_225] : memref<10240x128xf32, #tpu.memory_space<vmem_shared>> -> memref<10240x128xf32, #tpu.memory_space<vmem_shared>>
      tpu.wait_indirect_dma semaphore(%arg13 : memref<!tpu.dma_semaphore, #tpu.memory_space<semaphore_mem>>) src(%dma_wait3A_220 : memref<100x128xf32, #tpu.memory_space<vmem>>) dst(%dma_wait3A_226 : memref<10240x128xf32, #tpu.memory_space<vmem_shared>>)
      %dma_wait3A_227 = arith.constant 3 : i32
      %dma_wait3A_228 = arith.constant 100 : i32
      %dma_wait3A_229 = arith.constant 0 : i32
      %dma_wait3A_230 = tpu.memref_slice %arg8[%dma_wait3A_228, %dma_wait3A_229] : memref<200x128xf32, #tpu.memory_space<vmem>> -> memref<100x128xf32, #tpu.memory_space<vmem>>
      %dma_wait3A_231 = arith.constant 0 : i32
      %dma_wait3A_232 = tpu.memref_slice %arg7[%dma_wait3A_227, %dma_wait3A_231] : memref<4x100xi32, #tpu.memory_space<vmem>> -> memref<1x100xi32, #tpu.memory_space<vmem>>
      %dma_wait3A_233 = tpu.memref_squeeze %dma_wait3A_232 : memref<1x100xi32, #tpu.memory_space<vmem>> -> memref<100xi32, #tpu.memory_space<vmem>>
      %dma_wait3A_234 = arith.constant 0 : i32
      %dma_wait3A_235 = arith.constant 0 : i32
      %dma_wait3A_236 = tpu.memref_slice %arg12[%dma_wait3A_234, %dma_wait3A_235] : memref<10240x128xf32, #tpu.memory_space<vmem_shared>> -> memref<10240x128xf32, #tpu.memory_space<vmem_shared>>
      tpu.wait_indirect_dma semaphore(%arg14 : memref<!tpu.dma_semaphore, #tpu.memory_space<semaphore_mem>>) src(%dma_wait3A_230 : memref<100x128xf32, #tpu.memory_space<vmem>>) dst(%dma_wait3A_236 : memref<10240x128xf32, #tpu.memory_space<vmem_shared>>)
    }
    %scan3A_33 = arith.constant 50 : i32
    %barrier3A_34 = arith.constant 0 : index
    tpu.barrier barrier_id(%barrier3A_34)
    %mul3A_35 = arith.constant 640 : i32
    %mul3A_36 = arith.muli %arg1, %mul3A_35 : i32
    %add3A_37 = arith.constant 0 : i32
    %add3A_38 = arith.addi %mul3A_36, %add3A_37 : i32
    %mul3A_39 = arith.constant 10240 : i32
    %mul3A_40 = arith.muli %arg0, %mul3A_39 : i32
    %mul3A_41 = arith.constant 640 : i32
    %mul3A_42 = arith.muli %arg1, %mul3A_41 : i32
    %add3A_43 = arith.addi %mul3A_40, %mul3A_42 : i32
    %add3A_44 = arith.constant 0 : i32
    %add3A_45 = arith.addi %add3A_43, %add3A_44 : i32
    "tpu.region"() ({
      %run_scoped3A = tpu.sem_alloc : memref<!tpu.dma_semaphore, #tpu.memory_space<semaphore_mem>>
      %dma_start3A = arith.constant 0 : i32
      %dma_start3A_90 = tpu.memref_slice %arg6[%add3A_45, %dma_start3A] : memref<20480x128xf32, #tpu.memory_space<hbm>> -> memref<128x128xf32, #tpu.memory_space<hbm>>
      %dma_start3A_91 = arith.constant 0 : i32
      %dma_start3A_92 = tpu.memref_slice %arg12[%add3A_38, %dma_start3A_91] : memref<10240x128xf32, #tpu.memory_space<vmem_shared>> -> memref<128x128xf32, #tpu.memory_space<vmem_shared>>
      tpu.enqueue_dma source(%dma_start3A_92 : memref<128x128xf32, #tpu.memory_space<vmem_shared>>) target(%dma_start3A_90 : memref<128x128xf32, #tpu.memory_space<hbm>>) target_semaphore(%run_scoped3A : memref<!tpu.dma_semaphore, #tpu.memory_space<semaphore_mem>>)
      %dma_wait3A = arith.constant 0 : i32
      %dma_wait3A_93 = tpu.memref_slice %arg6[%add3A_45, %dma_wait3A] : memref<20480x128xf32, #tpu.memory_space<hbm>> -> memref<128x128xf32, #tpu.memory_space<hbm>>
      %dma_wait3A_94 = arith.constant 0 : i32
      %dma_wait3A_95 = tpu.memref_slice %arg12[%add3A_38, %dma_wait3A_94] : memref<10240x128xf32, #tpu.memory_space<vmem_shared>> -> memref<128x128xf32, #tpu.memory_space<vmem_shared>>
      tpu.wait_dma2 semaphore(%run_scoped3A : memref<!tpu.dma_semaphore, #tpu.memory_space<semaphore_mem>>) src(%dma_wait3A_95 : memref<128x128xf32, #tpu.memory_space<vmem_shared>>) dst(%dma_wait3A_93 : memref<128x128xf32, #tpu.memory_space<hbm>>)
      tpu.yield
    }) : () -> ()
    %mul3A_46 = arith.constant 640 : i32
    %mul3A_47 = arith.muli %arg1, %mul3A_46 : i32
    %add3A_48 = arith.constant 128 : i32
    %add3A_49 = arith.addi %mul3A_47, %add3A_48 : i32
    %mul3A_50 = arith.constant 10240 : i32
    %mul3A_51 = arith.muli %arg0, %mul3A_50 : i32
    %mul3A_52 = arith.constant 640 : i32
    %mul3A_53 = arith.muli %arg1, %mul3A_52 : i32
    %add3A_54 = arith.addi %mul3A_51, %mul3A_53 : i32
    %add3A_55 = arith.constant 128 : i32
    %add3A_56 = arith.addi %add3A_54, %add3A_55 : i32
    "tpu.region"() ({
      %run_scoped3A = tpu.sem_alloc : memref<!tpu.dma_semaphore, #tpu.memory_space<semaphore_mem>>
      %dma_start3A = arith.constant 0 : i32
      %dma_start3A_90 = tpu.memref_slice %arg6[%add3A_56, %dma_start3A] : memref<20480x128xf32, #tpu.memory_space<hbm>> -> memref<128x128xf32, #tpu.memory_space<hbm>>
      %dma_start3A_91 = arith.constant 0 : i32
      %dma_start3A_92 = tpu.memref_slice %arg12[%add3A_49, %dma_start3A_91] : memref<10240x128xf32, #tpu.memory_space<vmem_shared>> -> memref<128x128xf32, #tpu.memory_space<vmem_shared>>
      tpu.enqueue_dma source(%dma_start3A_92 : memref<128x128xf32, #tpu.memory_space<vmem_shared>>) target(%dma_start3A_90 : memref<128x128xf32, #tpu.memory_space<hbm>>) target_semaphore(%run_scoped3A : memref<!tpu.dma_semaphore, #tpu.memory_space<semaphore_mem>>)
      %dma_wait3A = arith.constant 0 : i32
      %dma_wait3A_93 = tpu.memref_slice %arg6[%add3A_56, %dma_wait3A] : memref<20480x128xf32, #tpu.memory_space<hbm>> -> memref<128x128xf32, #tpu.memory_space<hbm>>
      %dma_wait3A_94 = arith.constant 0 : i32
      %dma_wait3A_95 = tpu.memref_slice %arg12[%add3A_49, %dma_wait3A_94] : memref<10240x128xf32, #tpu.memory_space<vmem_shared>> -> memref<128x128xf32, #tpu.memory_space<vmem_shared>>
      tpu.wait_dma2 semaphore(%run_scoped3A : memref<!tpu.dma_semaphore, #tpu.memory_space<semaphore_mem>>) src(%dma_wait3A_95 : memref<128x128xf32, #tpu.memory_space<vmem_shared>>) dst(%dma_wait3A_93 : memref<128x128xf32, #tpu.memory_space<hbm>>)
      tpu.yield
    }) : () -> ()
    %mul3A_57 = arith.constant 640 : i32
    %mul3A_58 = arith.muli %arg1, %mul3A_57 : i32
    %add3A_59 = arith.constant 256 : i32
    %add3A_60 = arith.addi %mul3A_58, %add3A_59 : i32
    %mul3A_61 = arith.constant 10240 : i32
    %mul3A_62 = arith.muli %arg0, %mul3A_61 : i32
    %mul3A_63 = arith.constant 640 : i32
    %mul3A_64 = arith.muli %arg1, %mul3A_63 : i32
    %add3A_65 = arith.addi %mul3A_62, %mul3A_64 : i32
    %add3A_66 = arith.constant 256 : i32
    %add3A_67 = arith.addi %add3A_65, %add3A_66 : i32
    "tpu.region"() ({
      %run_scoped3A = tpu.sem_alloc : memref<!tpu.dma_semaphore, #tpu.memory_space<semaphore_mem>>
      %dma_start3A = arith.constant 0 : i32
      %dma_start3A_90 = tpu.memref_slice %arg6[%add3A_67, %dma_start3A] : memref<20480x128xf32, #tpu.memory_space<hbm>> -> memref<128x128xf32, #tpu.memory_space<hbm>>
      %dma_start3A_91 = arith.constant 0 : i32
      %dma_start3A_92 = tpu.memref_slice %arg12[%add3A_60, %dma_start3A_91] : memref<10240x128xf32, #tpu.memory_space<vmem_shared>> -> memref<128x128xf32, #tpu.memory_space<vmem_shared>>
      tpu.enqueue_dma source(%dma_start3A_92 : memref<128x128xf32, #tpu.memory_space<vmem_shared>>) target(%dma_start3A_90 : memref<128x128xf32, #tpu.memory_space<hbm>>) target_semaphore(%run_scoped3A : memref<!tpu.dma_semaphore, #tpu.memory_space<semaphore_mem>>)
      %dma_wait3A = arith.constant 0 : i32
      %dma_wait3A_93 = tpu.memref_slice %arg6[%add3A_67, %dma_wait3A] : memref<20480x128xf32, #tpu.memory_space<hbm>> -> memref<128x128xf32, #tpu.memory_space<hbm>>
      %dma_wait3A_94 = arith.constant 0 : i32
      %dma_wait3A_95 = tpu.memref_slice %arg12[%add3A_60, %dma_wait3A_94] : memref<10240x128xf32, #tpu.memory_space<vmem_shared>> -> memref<128x128xf32, #tpu.memory_space<vmem_shared>>
      tpu.wait_dma2 semaphore(%run_scoped3A : memref<!tpu.dma_semaphore, #tpu.memory_space<semaphore_mem>>) src(%dma_wait3A_95 : memref<128x128xf32, #tpu.memory_space<vmem_shared>>) dst(%dma_wait3A_93 : memref<128x128xf32, #tpu.memory_space<hbm>>)
      tpu.yield
    }) : () -> ()
    %mul3A_68 = arith.constant 640 : i32
    %mul3A_69 = arith.muli %arg1, %mul3A_68 : i32
    %add3A_70 = arith.constant 384 : i32
    %add3A_71 = arith.addi %mul3A_69, %add3A_70 : i32
    %mul3A_72 = arith.constant 10240 : i32
    %mul3A_73 = arith.muli %arg0, %mul3A_72 : i32
    %mul3A_74 = arith.constant 640 : i32
    %mul3A_75 = arith.muli %arg1, %mul3A_74 : i32
    %add3A_76 = arith.addi %mul3A_73, %mul3A_75 : i32
    %add3A_77 = arith.constant 384 : i32
    %add3A_78 = arith.addi %add3A_76, %add3A_77 : i32
    "tpu.region"() ({
      %run_scoped3A = tpu.sem_alloc : memref<!tpu.dma_semaphore, #tpu.memory_space<semaphore_mem>>
      %dma_start3A = arith.constant 0 : i32
      %dma_start3A_90 = tpu.memref_slice %arg6[%add3A_78, %dma_start3A] : memref<20480x128xf32, #tpu.memory_space<hbm>> -> memref<128x128xf32, #tpu.memory_space<hbm>>
      %dma_start3A_91 = arith.constant 0 : i32
      %dma_start3A_92 = tpu.memref_slice %arg12[%add3A_71, %dma_start3A_91] : memref<10240x128xf32, #tpu.memory_space<vmem_shared>> -> memref<128x128xf32, #tpu.memory_space<vmem_shared>>
      tpu.enqueue_dma source(%dma_start3A_92 : memref<128x128xf32, #tpu.memory_space<vmem_shared>>) target(%dma_start3A_90 : memref<128x128xf32, #tpu.memory_space<hbm>>) target_semaphore(%run_scoped3A : memref<!tpu.dma_semaphore, #tpu.memory_space<semaphore_mem>>)
      %dma_wait3A = arith.constant 0 : i32
      %dma_wait3A_93 = tpu.memref_slice %arg6[%add3A_78, %dma_wait3A] : memref<20480x128xf32, #tpu.memory_space<hbm>> -> memref<128x128xf32, #tpu.memory_space<hbm>>
      %dma_wait3A_94 = arith.constant 0 : i32
      %dma_wait3A_95 = tpu.memref_slice %arg12[%add3A_71, %dma_wait3A_94] : memref<10240x128xf32, #tpu.memory_space<vmem_shared>> -> memref<128x128xf32, #tpu.memory_space<vmem_shared>>
      tpu.wait_dma2 semaphore(%run_scoped3A : memref<!tpu.dma_semaphore, #tpu.memory_space<semaphore_mem>>) src(%dma_wait3A_95 : memref<128x128xf32, #tpu.memory_space<vmem_shared>>) dst(%dma_wait3A_93 : memref<128x128xf32, #tpu.memory_space<hbm>>)
      tpu.yield
    }) : () -> ()
    %mul3A_79 = arith.constant 640 : i32
    %mul3A_80 = arith.muli %arg1, %mul3A_79 : i32
    %add3A_81 = arith.constant 512 : i32
    %add3A_82 = arith.addi %mul3A_80, %add3A_81 : i32
    %mul3A_83 = arith.constant 10240 : i32
    %mul3A_84 = arith.muli %arg0, %mul3A_83 : i32
    %mul3A_85 = arith.constant 640 : i32
    %mul3A_86 = arith.muli %arg1, %mul3A_85 : i32
    %add3A_87 = arith.addi %mul3A_84, %mul3A_86 : i32
    %add3A_88 = arith.constant 512 : i32
    %add3A_89 = arith.addi %add3A_87, %add3A_88 : i32
    "tpu.region"() ({
      %run_scoped3A = tpu.sem_alloc : memref<!tpu.dma_semaphore, #tpu.memory_space<semaphore_mem>>
      %dma_start3A = arith.constant 0 : i32
      %dma_start3A_90 = tpu.memref_slice %arg6[%add3A_89, %dma_start3A] : memref<20480x128xf32, #tpu.memory_space<hbm>> -> memref<128x128xf32, #tpu.memory_space<hbm>>
      %dma_start3A_91 = arith.constant 0 : i32
      %dma_start3A_92 = tpu.memref_slice %arg12[%add3A_82, %dma_start3A_91] : memref<10240x128xf32, #tpu.memory_space<vmem_shared>> -> memref<128x128xf32, #tpu.memory_space<vmem_shared>>
      tpu.enqueue_dma source(%dma_start3A_92 : memref<128x128xf32, #tpu.memory_space<vmem_shared>>) target(%dma_start3A_90 : memref<128x128xf32, #tpu.memory_space<hbm>>) target_semaphore(%run_scoped3A : memref<!tpu.dma_semaphore, #tpu.memory_space<semaphore_mem>>)
      %dma_wait3A = arith.constant 0 : i32
      %dma_wait3A_93 = tpu.memref_slice %arg6[%add3A_89, %dma_wait3A] : memref<20480x128xf32, #tpu.memory_space<hbm>> -> memref<128x128xf32, #tpu.memory_space<hbm>>
      %dma_wait3A_94 = arith.constant 0 : i32
      %dma_wait3A_95 = tpu.memref_slice %arg12[%add3A_82, %dma_wait3A_94] : memref<10240x128xf32, #tpu.memory_space<vmem_shared>> -> memref<128x128xf32, #tpu.memory_space<vmem_shared>>
      tpu.wait_dma2 semaphore(%run_scoped3A : memref<!tpu.dma_semaphore, #tpu.memory_space<semaphore_mem>>) src(%dma_wait3A_95 : memref<128x128xf32, #tpu.memory_space<vmem_shared>>) dst(%dma_wait3A_93 : memref<128x128xf32, #tpu.memory_space<hbm>>)
      tpu.yield
    }) : () -> ()
    return
  }
}

module attributes {stable_mosaic.version = 14 : i64} {
  func.func @_tc1_body(%arg0: i32, %arg1: memref<1000x128xf32, #tpu.memory_space<vmem>>, %arg2: memref<1000x128xf32, #tpu.memory_space<vmem>>, %arg3: memref<128x128xf32, #tpu.memory_space<vmem>>, %arg4: memref<128x16xf32, #tpu.memory_space<vmem>>, %arg5: memref<128x16xf32, #tpu.memory_space<vmem>>, %arg6: memref<1000x128xf32, #tpu.memory_space<vmem>>, %arg7: memref<1000x16xf32, #tpu.memory_space<vmem>>, %arg8: memref<1000x16xf32, #tpu.memory_space<vmem>>, %arg9: memref<1x16xf32, #tpu.memory_space<vmem>>, %arg10: memref<1x16xf32, #tpu.memory_space<vmem>>) attributes {dimension_semantics = [#tpu.dimension_semantics<arbitrary>], iteration_bounds = array<i64: 10>, scalar_prefetch = 0 : i64, scratch_operands = 0 : i64, tpu.core_type = #tpu.core_type<tc>, window_params = [{transform_indices = @transform_0, window_bounds = array<i64: 1000, 128>}, {transform_indices = @transform_1, window_bounds = array<i64: 1000, 128>}, {pipeline_mode = #tpu.pipeline_mode<synchronous>, transform_indices = @transform_2, window_bounds = array<i64: 128, 128>}, {pipeline_mode = #tpu.pipeline_mode<synchronous>, transform_indices = @transform_3, window_bounds = array<i64: 128, 16>}, {pipeline_mode = #tpu.pipeline_mode<synchronous>, transform_indices = @transform_4, window_bounds = array<i64: 128, 16>}, {transform_indices = @transform_5, window_bounds = array<i64: 1000, 128>}, {transform_indices = @transform_6, window_bounds = array<i64: 1000, 16>}, {transform_indices = @transform_7, window_bounds = array<i64: 1000, 16>}, {pipeline_mode = #tpu.pipeline_mode<synchronous>, transform_indices = @transform_8, window_bounds = array<i64: 1, 16>}, {pipeline_mode = #tpu.pipeline_mode<synchronous>, transform_indices = @transform_9, window_bounds = array<i64: 1, 16>}]} {
    %get3A = arith.constant 0 : index
    %get3A_0 = arith.constant 0 : index
    %get3A_1 = vector.load %arg1[%get3A, %get3A_0] : memref<1000x128xf32, #tpu.memory_space<vmem>>, vector<1000x128xf32>
    %get3A_2 = arith.constant 0 : index
    %get3A_3 = arith.constant 0 : index
    %get3A_4 = vector.load %arg3[%get3A_2, %get3A_3] : memref<128x128xf32, #tpu.memory_space<vmem>>, vector<128x128xf32>
    %dot_general3A = arith.constant dense<0.000000e+00> : vector<1000x128xf32>
    %dot_general3A_5 = tpu.matmul %get3A_1, %get3A_4, %dot_general3A {dimension_numbers = #tpu.dot_dimension_numbers<[1], [0], [0], [1], [0, 0, 1, 1], [], []>, transpose_lhs_hint = false} : vector<1000x128xf32>, vector<128x128xf32>, vector<1000x128xf32> -> vector<1000x128xf32>
    %swap3A = arith.constant 0 : index
    %swap3A_6 = arith.constant 0 : index
    %swap3A_7 = vector.load %arg6[%swap3A, %swap3A_6] : memref<1000x128xf32, #tpu.memory_space<vmem>>, vector<1000x128xf32>
    tpu.vector_store %arg6[%swap3A, %swap3A_6], %dot_general3A_5 {strides = array<i32>} : memref<1000x128xf32, #tpu.memory_space<vmem>>, vector<1000x128xf32>,
    %get3A_8 = arith.constant 0 : index
    %get3A_9 = arith.constant 0 : index
    %get3A_10 = vector.load %arg1[%get3A_8, %get3A_9] : memref<1000x128xf32, #tpu.memory_space<vmem>>, vector<1000x128xf32>
    %get3A_11 = arith.constant 0 : index
    %get3A_12 = arith.constant 0 : index
    %get3A_13 = vector.load %arg4[%get3A_11, %get3A_12] : memref<128x16xf32, #tpu.memory_space<vmem>>, vector<128x16xf32>
    %dot_general3A_14 = arith.constant dense<0.000000e+00> : vector<1000x16xf32>
    %dot_general3A_15 = tpu.matmul %get3A_10, %get3A_13, %dot_general3A_14 {dimension_numbers = #tpu.dot_dimension_numbers<[1], [0], [0], [1], [0, 0, 1, 1], [], []>, transpose_lhs_hint = false} : vector<1000x128xf32>, vector<128x16xf32>, vector<1000x16xf32> -> vector<1000x16xf32>
    %get3A_16 = arith.constant 0 : index
    %get3A_17 = arith.constant 0 : index
    %get3A_18 = vector.load %arg2[%get3A_16, %get3A_17] : memref<1000x128xf32, #tpu.memory_space<vmem>>, vector<1000x128xf32>
    %get3A_19 = arith.constant 0 : index
    %get3A_20 = arith.constant 0 : index
    %get3A_21 = vector.load %arg5[%get3A_19, %get3A_20] : memref<128x16xf32, #tpu.memory_space<vmem>>, vector<128x16xf32>
    %dot_general3A_22 = arith.constant dense<0.000000e+00> : vector<1000x16xf32>
    %dot_general3A_23 = tpu.matmul %get3A_18, %get3A_21, %dot_general3A_22 {dimension_numbers = #tpu.dot_dimension_numbers<[1], [0], [0], [1], [0, 0, 1, 1], [], []>, transpose_lhs_hint = false} : vector<1000x128xf32>, vector<128x16xf32>, vector<1000x16xf32> -> vector<1000x16xf32>
    %swap3A_24 = arith.constant 0 : index
    %swap3A_25 = arith.constant 0 : index
    %swap3A_26 = vector.load %arg7[%swap3A_24, %swap3A_25] : memref<1000x16xf32, #tpu.memory_space<vmem>>, vector<1000x16xf32>
    tpu.vector_store %arg7[%swap3A_24, %swap3A_25], %dot_general3A_15 {strides = array<i32>} : memref<1000x16xf32, #tpu.memory_space<vmem>>, vector<1000x16xf32>,
    %swap3A_27 = arith.constant 0 : index
    %swap3A_28 = arith.constant 0 : index
    %swap3A_29 = vector.load %arg8[%swap3A_27, %swap3A_28] : memref<1000x16xf32, #tpu.memory_space<vmem>>, vector<1000x16xf32>
    tpu.vector_store %arg8[%swap3A_27, %swap3A_28], %dot_general3A_23 {strides = array<i32>} : memref<1000x16xf32, #tpu.memory_space<vmem>>, vector<1000x16xf32>,
    %reduce_max3A = arith.constant dense<0xFF800000> : vector<16xf32>
    %reduce_max3A_30 = vector.multi_reduction <maximumf>, %dot_general3A_15, %reduce_max3A [0] : vector<1000x16xf32> to vector<16xf32>
    %broadcast_in_dim3A = vector.shape_cast %reduce_max3A_30 : vector<16xf32> to vector<1x16xf32>
    %reduce_max3A_31 = arith.constant dense<0xFF800000> : vector<16xf32>
    %reduce_max3A_32 = vector.multi_reduction <maximumf>, %dot_general3A_23, %reduce_max3A_31 [0] : vector<1000x16xf32> to vector<16xf32>
    %broadcast_in_dim3A_33 = vector.shape_cast %reduce_max3A_32 : vector<16xf32> to vector<1x16xf32>
    %eq3A = arith.constant 0 : i32
    %eq3A_34 = arith.cmpi eq, %arg0, %eq3A : i32
    %convert_element_type3A = arith.extui %eq3A_34 : i1 to i32
    %cond3A = arith.constant 0 : i32
    %cond3A_35 = arith.cmpi ne, %convert_element_type3A, %cond3A : i32
    scf.if %cond3A_35 {
      %swap3A_40 = arith.constant 0 : index
      %swap3A_41 = arith.constant 0 : index
      %swap3A_42 = vector.load %arg9[%swap3A_40, %swap3A_41] : memref<1x16xf32, #tpu.memory_space<vmem>>, vector<1x16xf32>
      tpu.vector_store %arg9[%swap3A_40, %swap3A_41], %broadcast_in_dim3A {strides = array<i32>} : memref<1x16xf32, #tpu.memory_space<vmem>>, vector<1x16xf32>,
      %swap3A_43 = arith.constant 0 : index
      %swap3A_44 = arith.constant 0 : index
      %swap3A_45 = vector.load %arg10[%swap3A_43, %swap3A_44] : memref<1x16xf32, #tpu.memory_space<vmem>>, vector<1x16xf32>
      tpu.vector_store %arg10[%swap3A_43, %swap3A_44], %broadcast_in_dim3A_33 {strides = array<i32>} : memref<1x16xf32, #tpu.memory_space<vmem>>, vector<1x16xf32>,
    } else {
    }
    %gt3A = arith.constant 0 : i32
    %gt3A_36 = arith.cmpi sgt, %arg0, %gt3A : i32
    %convert_element_type3A_37 = arith.extui %gt3A_36 : i1 to i32
    %cond3A_38 = arith.constant 0 : i32
    %cond3A_39 = arith.cmpi ne, %convert_element_type3A_37, %cond3A_38 : i32
    scf.if %cond3A_39 {
      %get3A_40 = arith.constant 0 : index
      %get3A_41 = arith.constant 0 : index
      %get3A_42 = vector.load %arg9[%get3A_40, %get3A_41] : memref<1x16xf32, #tpu.memory_space<vmem>>, vector<1x16xf32>
      %max3A = arith.maximumf %get3A_42, %broadcast_in_dim3A : vector<1x16xf32>
      %swap3A_43 = arith.constant 0 : index
      %swap3A_44 = arith.constant 0 : index
      %swap3A_45 = vector.load %arg9[%swap3A_43, %swap3A_44] : memref<1x16xf32, #tpu.memory_space<vmem>>, vector<1x16xf32>
      tpu.vector_store %arg9[%swap3A_43, %swap3A_44], %max3A {strides = array<i32>} : memref<1x16xf32, #tpu.memory_space<vmem>>, vector<1x16xf32>,
      %get3A_46 = arith.constant 0 : index
      %get3A_47 = arith.constant 0 : index
      %get3A_48 = vector.load %arg10[%get3A_46, %get3A_47] : memref<1x16xf32, #tpu.memory_space<vmem>>, vector<1x16xf32>
      %max3A_49 = arith.maximumf %get3A_48, %broadcast_in_dim3A_33 : vector<1x16xf32>
      %swap3A_50 = arith.constant 0 : index
      %swap3A_51 = arith.constant 0 : index
      %swap3A_52 = vector.load %arg10[%swap3A_50, %swap3A_51] : memref<1x16xf32, #tpu.memory_space<vmem>>, vector<1x16xf32>
      tpu.vector_store %arg10[%swap3A_50, %swap3A_51], %max3A_49 {strides = array<i32>} : memref<1x16xf32, #tpu.memory_space<vmem>>, vector<1x16xf32>,
    } else {
    }
    return
  }
  func.func @transform_0(%arg0: i32) -> (i32, i32) {
    %c0_i32 = arith.constant 0 : i32
    %c0_i32_0 = arith.constant 0 : i32
    return %arg0, %c0_i32 : i32, i32
  }
  func.func @transform_1(%arg0: i32) -> (i32, i32) {
    %c0_i32 = arith.constant 0 : i32
    %c0_i32_0 = arith.constant 0 : i32
    return %arg0, %c0_i32 : i32, i32
  }
  func.func @transform_2(%arg0: i32) -> (i32, i32) {
    %c0_i32 = arith.constant 0 : i32
    %c0_i32_0 = arith.constant 0 : i32
    %c0_i32_1 = arith.constant 0 : i32
    return %c0_i32, %c0_i32_0 : i32, i32
  }
  func.func @transform_3(%arg0: i32) -> (i32, i32) {
    %c0_i32 = arith.constant 0 : i32
    %c0_i32_0 = arith.constant 0 : i32
    %c0_i32_1 = arith.constant 0 : i32
    return %c0_i32, %c0_i32_0 : i32, i32
  }
  func.func @transform_4(%arg0: i32) -> (i32, i32) {
    %c0_i32 = arith.constant 0 : i32
    %c0_i32_0 = arith.constant 0 : i32
    %c0_i32_1 = arith.constant 0 : i32
    return %c0_i32, %c0_i32_0 : i32, i32
  }
  func.func @transform_5(%arg0: i32) -> (i32, i32) {
    %c0_i32 = arith.constant 0 : i32
    %c0_i32_0 = arith.constant 0 : i32
    return %arg0, %c0_i32 : i32, i32
  }
  func.func @transform_6(%arg0: i32) -> (i32, i32) {
    %c0_i32 = arith.constant 0 : i32
    %c0_i32_0 = arith.constant 0 : i32
    return %arg0, %c0_i32 : i32, i32
  }
  func.func @transform_7(%arg0: i32) -> (i32, i32) {
    %c0_i32 = arith.constant 0 : i32
    %c0_i32_0 = arith.constant 0 : i32
    return %arg0, %c0_i32 : i32, i32
  }
  func.func @transform_8(%arg0: i32) -> (i32, i32) {
    %c0_i32 = arith.constant 0 : i32
    %c0_i32_0 = arith.constant 0 : i32
    %c0_i32_1 = arith.constant 0 : i32
    return %c0_i32, %c0_i32_0 : i32, i32
  }
  func.func @transform_9(%arg0: i32) -> (i32, i32) {
    %c0_i32 = arith.constant 0 : i32
    %c0_i32_0 = arith.constant 0 : i32
    %c0_i32_1 = arith.constant 0 : i32
    return %c0_i32, %c0_i32_0 : i32, i32
  }
}

module attributes {stable_mosaic.version = 14 : i64} {
  func.func @_tc2_body(%arg0: memref<20480x16xf32, #tpu.memory_space<vmem>>, %arg1: memref<10240x16xf32, #tpu.memory_space<vmem>>) attributes {dimension_semantics = [], scalar_prefetch = 0 : i64, scratch_operands = 0 : i64, tpu.core_type = #tpu.core_type<tc>} {
    %get3A = arith.constant 0 : index
    %get3A_0 = arith.constant 0 : index
    %get3A_1 = vector.load %arg0[%get3A, %get3A_0] : memref<20480x16xf32, #tpu.memory_space<vmem>>, vector<10240x16xf32>
    %get3A_2 = arith.constant 10240 : index
    %get3A_3 = arith.constant 0 : index
    %get3A_4 = vector.load %arg0[%get3A_2, %get3A_3] : memref<20480x16xf32, #tpu.memory_space<vmem>>, vector<10240x16xf32>
    %add3A = arith.addf %get3A_1, %get3A_4 : vector<10240x16xf32>
    %div3A = arith.constant 1.000000e+00 : f32
    %div3A_5 = vector.broadcast %div3A : f32 to vector<10240x16xf32>
    %div3A_6 = arith.divf %div3A_5, %add3A : vector<10240x16xf32>
    %swap3A = arith.constant 0 : index
    %swap3A_7 = arith.constant 0 : index
    %swap3A_8 = vector.load %arg1[%swap3A, %swap3A_7] : memref<10240x16xf32, #tpu.memory_space<vmem>>, vector<10240x16xf32>
    tpu.vector_store %arg1[%swap3A, %swap3A_7], %div3A_6 {strides = array<i32>} : memref<10240x16xf32, #tpu.memory_space<vmem>>, vector<10240x16xf32>,
    return
  }
}

module attributes {stable_mosaic.version = 14 : i64} {
  func.func @_tc3_body(%arg0: i32, %arg1: memref<1024x128xf32, #tpu.memory_space<vmem>>, %arg2: memref<1024x128xf32, #tpu.memory_space<vmem>>, %arg3: memref<1024x128xf32, #tpu.memory_space<vmem>>) attributes {dimension_semantics = [#tpu.dimension_semantics<arbitrary>], iteration_bounds = array<i64: 10>, scalar_prefetch = 0 : i64, scratch_operands = 0 : i64, tpu.core_type = #tpu.core_type<tc>, window_params = [{transform_indices = @transform_0, window_bounds = array<i64: 1024, 128>}, {transform_indices = @transform_1, window_bounds = array<i64: 1024, 128>}, {transform_indices = @transform_2, window_bounds = array<i64: 1024, 128>}]} {
    %get3A = arith.constant 0 : index
    %get3A_0 = arith.constant 0 : index
    %get3A_1 = vector.load %arg1[%get3A, %get3A_0] : memref<1024x128xf32, #tpu.memory_space<vmem>>, vector<1024x128xf32>
    %get3A_2 = arith.constant 0 : index
    %get3A_3 = arith.constant 0 : index
    %get3A_4 = vector.load %arg2[%get3A_2, %get3A_3] : memref<1024x128xf32, #tpu.memory_space<vmem>>, vector<1024x128xf32>
    %add3A = arith.addf %get3A_1, %get3A_4 : vector<1024x128xf32>
    %max3A = arith.constant 0.000000e+00 : f32
    %max3A_5 = vector.broadcast %max3A : f32 to vector<1024x128xf32>
    %max3A_6 = arith.maximumf %add3A, %max3A_5 : vector<1024x128xf32>
    %swap3A = arith.constant 0 : index
    %swap3A_7 = arith.constant 0 : index
    %swap3A_8 = vector.load %arg3[%swap3A, %swap3A_7] : memref<1024x128xf32, #tpu.memory_space<vmem>>, vector<1024x128xf32>
    tpu.vector_store %arg3[%swap3A, %swap3A_7], %max3A_6 {strides = array<i32>} : memref<1024x128xf32, #tpu.memory_space<vmem>>, vector<1024x128xf32>,
    return
  }
  func.func @transform_0(%arg0: i32) -> (i32, i32) {
    %c0_i32 = arith.constant 0 : i32
    %c0_i32_0 = arith.constant 0 : i32
    return %arg0, %c0_i32 : i32, i32
  }
  func.func @transform_1(%arg0: i32) -> (i32, i32) {
    %add3A = arith.constant 10 : i32
    %add3A_0 = arith.addi %add3A, %arg0 : i32
    %c0_i32 = arith.constant 0 : i32
    %c0_i32_1 = arith.constant 0 : i32
    return %add3A_0, %c0_i32 : i32, i32
  }
  func.func @transform_2(%arg0: i32) -> (i32, i32) {
    %c0_i32 = arith.constant 0 : i32
    %c0_i32_0 = arith.constant 0 : i32
    return %arg0, %c0_i32 : i32, i32
  }
}

</mosaic_0001>

<sc_bundles>
// kernel: kernel.10.cloned.1.call-start
scs
__scs_entry_jumppad:
0x0: {  	(pc) =	sbr.rel $0x88, $3  }
0x1: {  	(tag) =	ssettag $0x0;
	lr =	simm.s32 $0x1  }
0x2: {  	[smem:$0x3F9A] =	sst lr;
	_ =	strace $0xD0000000  }
0x3: {  	_ = 	snop  }
0x4: {  	_ = 	snop  }
0x5: {  	_ = 	snop  }
0x6: {  	_ = 	snop  }
0x7: {  	_ = 	snop  }
__scs_overlays_trampoline_lowered:
0x8: {  	[smem:$0x3FA9] =	sst s0  }
0x9: {  	[smem:$0x3FAA] =	sst s1  }
0xa: {  	[smem:$0x3FAB] =	sst s2  }
0xb: {  	[smem:$0x3FAC] =	sst s3  }
0xc: {  	[smem:$0x3FAD] =	sst s4  }
0xd: {  	[smem:$0x3FAE] =	sst s5  }
0xe: {  	[smem:$0x3FAF] =	sst s6  }
0xf: {  	[smem:$0x3FB0] =	sst s7  }
0x10: {  	[smem:$0x3FB1] =	sst s8  }
0x11: {  	[smem:$0x3FB2] =	sst s9;
	s0 =	simm.s32 @!p0 $0x0  }
0x12: {  	s1 =	sld [smem:$0x3F98];
	s0 =	simm.s32 @p0 $0x1  }
0x13: {  	[smem:$0x3FB3] =	sst s0;
	s0 =	simm.s32 @!p1 $0x0  }
0x14: {  	s2 =	sld [smem:$0x3F97];
	s0 =	simm.s32 @p1 $0x1  }
0x15: {  	[smem:$0x3FB4] =	sst s0;
	s0 =	simm.s32 @!p2 $0x0  }
0x16: {  	s3 =	sld [smem:$0x3FDB];
	s0 =	simm.s32 @p2 $0x1  }
0x17: {  	s4 =	simm.s32 $0x1BF5;
	[smem:$0x3FB6] =	sst s0  }
0x18: {  	s0 =	sld [smem:$0x3F99];
	_ =	swait.ge [sflag:s4], $0x0  }
0x19: {  	s7 =	sld [smem:$0x3F9A]  }
0x1a: {  	s8 =	sadd.s32 $0xFFFFE003, lr  }
0x1b: {  	s9 =	sadd.s32 $0xFFFFFEF7, lr;
	s5 =	simm.s32 $0xFFFFFFFF;
	p2 =	slt.u32 s8, $0xFFFFF086  }
0x1c: {  	p1 =	slt.u32 s9, $0xF7A;
	s5 =	simm.s32 @!p2 $0x0  }
0x1d: {  	s5 =	simm.s32 @p1 $0x1;
	p0 =	seq.s32 s7, s2  }
0x1e: {  	s7 =	smul.u32 @!p0 $0xF7A, s2;
	p2 =	seq.s32 @!p0 s5, $0x0  }
0x1f: {  	s9 =	smul.u32 $0xF7A, s1;
	s8 =	simm.s32 @!p0 $0x1BF5;
	p2 =	por !p2, p0  }
0x20: {  	[sflag:s8] =	ssyncset.s32 @!p0 $0xFFFFF086;
	s6 =	sadd.s32 @!p0 s3, s7;
	s7 =	simm.s32 @!p0 $0x108  }
0x21: {  	s3 =	sadd.s32 s3, s9;
	s6 =	sadd.s32 @!p0 $0x88, s6;
	s7 =	simm.s32 @p2 $0x1082  }
0x22: {  	[simem:s7], [sflag:s8] =	dma.local @!p0 [hbm:s6], $0xF7A  }
0x23: {  	s9 =	sor.u32 $0xD0000000, s2;
	s6 =	simm.s32 $0x108;
	_ =	swait.ge @!p0 [sflag:s8], $0x0  }
0x24: {  	s3 =	sadd.s32 $0x88, s3;
	s6 =	simm.s32 @!p1 $0x1082;
	[sflag:s4] =	ssyncset.s32 $0xFFFFF086  }
0x25: {  	[simem:s6], [sflag:s4] =	dma.local [hbm:s3], $0xF7A  }
0x26: {  	[smem:$0x3F9A] =	sst s1;
	(tag) =	ssettag s2;
	_ =	strace s9  }
0x27: {  	s1 =	sld [smem:$0x3FAA]  }
0x28: {  	s2 =	sld [smem:$0x3FAB]  }
0x29: {  	s4 =	sld [smem:$0x3FAD]  }
0x2a: {  	p0 =	seq.s32 s5, $0x0;
	s5 =	sld [smem:$0x3FAE]  }
0x2b: {  	s6 =	sld [smem:$0x3FAF]  }
0x2c: {  	s7 =	sld [smem:$0x3FB0]  }
0x2d: {  	s3 =	simm.s32 $0x108;
	s8 =	sld [smem:$0x3FB1]  }
0x2e: {  	s3 =	simm.s32 @!p0 $0x1082;
	s9 =	sld [smem:$0x3FB2]  }
0x2f: {  	lr =	sadd.s32 s0, s3;
	s0 =	sld [smem:$0x3FA9]  }
0x30: {  	s3 =	sld [smem:$0x3FAC]  }
0x31: {  	[smem:$0x3FB5] =	sst s10  }
0x32: {  	s10 =	sld [smem:$0x3FB3];
	_ =	sdelay $0x3  }
0x33: {  	p0 =	seq.s32 s10, $0x1;
	s10 =	sld [smem:$0x3FB5];
	_ =	sdelay $0x3  }
0x34: {  	[smem:$0x3FB5] =	sst s10  }
0x35: {  	s10 =	sld [smem:$0x3FB4];
	_ =	sdelay $0x3  }
0x36: {  	p1 =	seq.s32 s10, $0x1;
	s10 =	sld [smem:$0x3FB5];
	_ =	sdelay $0x3  }
0x37: {  	[smem:$0x3FB5] =	sst s10  }
0x38: {  	s10 =	sld [smem:$0x3FB6]  }
0x39: {  	_ = 	snop;
	(pc) =	sbr.ind lr, $3  }
0x3a: {  	_ = 	snop  }
0x3b: {  	_ = 	snop  }
0x3c: {  	p2 =	seq.s32 s10, $0x1;
	s10 =	sld [smem:$0x3FB5]  }
0x3d: {  	_ =	shalt  }
0x3e: {  	_ =	shalt  }
0x3f: {  	_ =	shalt  }
0x40: {  	_ =	shalt  }
0x41: {  	_ =	shalt  }
0x42: {  	_ =	shalt  }
0x43: {  	_ =	shalt  }
0x44: {  	_ =	shalt  }
0x45: {  	_ =	shalt  }
0x46: {  	_ =	shalt  }
0x47: {  	_ =	shalt  }
0x48: {  	_ =	shalt  }
0x49: {  	_ =	shalt  }
0x4a: {  	_ =	shalt  }
0x4b: {  	_ =	shalt  }
0x4c: {  	_ =	shalt  }
0x4d: {  	_ =	shalt  }
0x4e: {  	_ =	shalt  }
0x4f: {  	_ =	shalt  }
0x50: {  	_ =	shalt  }
0x51: {  	_ =	shalt  }
0x52: {  	_ =	shalt  }
0x53: {  	_ =	shalt  }
0x54: {  	_ =	shalt  }
0x55: {  	_ =	shalt  }
0x56: {  	_ =	shalt  }
0x57: {  	_ =	shalt  }
0x58: {  	_ =	shalt  }
0x59: {  	_ =	shalt  }
0x5a: {  	_ =	shalt  }
0x5b: {  	_ =	shalt  }
0x5c: {  	_ =	shalt  }
0x5d: {  	_ =	shalt  }
0x5e: {  	_ =	shalt  }
0x5f: {  	_ =	shalt  }
0x60: {  	_ =	shalt  }
0x61: {  	_ =	shalt  }
0x62: {  	_ =	shalt  }
0x63: {  	_ =	shalt  }
0x64: {  	_ =	shalt  }
0x65: {  	_ =	shalt  }
0x66: {  	_ =	shalt  }
0x67: {  	_ =	shalt  }
0x68: {  	_ =	shalt  }
0x69: {  	_ =	shalt  }
0x6a: {  	_ =	shalt  }
0x6b: {  	_ =	shalt  }
0x6c: {  	_ =	shalt  }
0x6d: {  	_ =	shalt  }
0x6e: {  	_ =	shalt  }
0x6f: {  	_ =	shalt  }
0x70: {  	_ =	shalt  }
0x71: {  	_ =	shalt  }
0x72: {  	_ =	shalt  }
0x73: {  	_ =	shalt  }
0x74: {  	_ =	shalt  }
0x75: {  	_ =	shalt  }
0x76: {  	_ =	shalt  }
0x77: {  	_ =	shalt  }
0x78: {  	_ =	shalt  }
0x79: {  	_ =	shalt  }
0x7a: {  	_ =	shalt  }
0x7b: {  	_ =	shalt  }
0x7c: {  	_ =	shalt  }
0x7d: {  	_ =	shalt  }
0x7e: {  	_ =	shalt  }
0x7f: {  	_ =	shalt  }
0x80: {  	_ =	shalt  }
0x81: {  	_ =	shalt  }
0x82: {  	_ =	shalt  }
0x83: {  	_ =	shalt  }
0x84: {  	_ =	shalt  }
0x85: {  	_ =	shalt  }
0x86: {  	_ =	shalt  }
0x87: {  	_ =	shalt  }
.Lfunc_end0:
.L_simem_size_0:
called_computation.1_lowered:
.L_overlay_start_0:
0x88: {  	s2 =	sld [smem:$0x3FD9]  }
0x89: {  	s3 =	sld [smem:$0x3FFE];
	_ =	sdelay $0x1  }
0x8a: {  	s1 =	srdreg.scid  }
0x8b: {  	s0 =	sand.u32 $0x1, s1  }
0x8c: {  	s17 =	sshll.u32 s0, $0xA;
	s2 =	sadd.s32 s3, s2  }
0x8d: {  	s2 =	sadd.s32 s2, s17  }
0x8e: {  	[smem:$0x3FC1] =	sst s2  }
0x8f: {  	_ = 	snop  }
0x90: {  	s2 =	sld [smem:$0x3FD0];
	(tm) =	ssettm $0x1  }
0x91: {  	s18 =	sld [smem:$0x3FFB];
	_ =	sdelay $0x3  }
0x92: {  	_ =	strace s18  }
0x93: {  	s3 =	sld [smem:$0x3FFC];
	_ =	sdelay $0x3  }
0x94: {  	_ =	strace s3  }
0x95: {  	s3 =	sld [smem:$0x3FFD];
	_ =	sdelay $0x3  }
0x96: {  	_ =	strace s3  }
0x97: {  	_ =	strace $0x8FFFFFFF  }
0x98: {  	s19 =	sld [smem:$0x3FDB];
	_ =	sdelay $0x1  }
0x99: {  	s4 =	simm.s32 $_scs_section_size  }
0x9a: {  	s5 =	simm.s32 $_size__tile_overlayer_lowered;
	s6 =	simm.s32 $_tile_overlayer_lowered  }
0x9b: {  	s22 =	simm.s32 $0x1BFF;
	s21 =	sshll.u32 s6, $0x1;
	s3 =	sadd.s32 s4, s19  }
0x9c: {  	s7 =	simm.s32 $0x0;
	s20 =	sshll.u32 s5, $0x1;
	s5 =	sadd.s32 s21, s3  }
0x9d: {  	[timem:s7], [sflag:s22] =	dma.local [hbm:s5], s20  }
0x9e: {  	_ =	swait.ge [sflag:s22], s20  }
0x9f: {  	s4 =	ssub.s32 $0x0, s20;
	[sflag:s22] =	ssyncset.done $0x0  }
0xa0: {  	[sflag:s22] =	ssyncadd.s32 s4;
	_ =	sdelay $0x1  }
0xa1: {  	s23 =	simm.s32 $0x1B8B  }
0xa2: {  	_ =	swait.ge [sflag:s23], $0x1  }
0xa3: {  	[sflag:s23] =	ssyncset.done $0x0  }
0xa4: {  	s25 =	simm.s32 $0x1B8E;
	s24 =	sld [smem:$0x3FFE];
	[sflag:s23] =	ssyncadd.s32 $0xFFFFFFFF  }
0xa5: {  	s26 =	simm.s32 $execute0_lowered;
	[smem:$0x3FD2] =	sst s25  }
0xa6: {  	s5 =	sshll.u32 s26, $0x1;
	_ =	strace $0x80000049;
	[dreg:$0x1] =	wrdreg $0xFFFFFFFF  }
0xa7: {  	s28 =	simm.s32 $_size_execute0_lowered;
	s3 =	sadd.s32 s3, s5;
	[dreg:$0x0] =	wrdreg $0x0  }
0xa8: {  	s5 =	sshll.u32 s28, $0x1;
	[dreg:$0x2] =	wrdreg s3  }
0xa9: {  	[dreg:$0x3] =	wrdreg s5  }
0xaa: {  	[dreg:$0x4] =	wrdreg $0xC0  }
0xab: {  	_ =	task [dreg:s7], $0x5FFFF  }
0xac: {  	[dreg:$0x1] =	wrdreg $0xFFFFFFFF  }
0xad: {  	[dreg:$0x0] =	wrdreg $0x60  }
0xae: {  	[dreg:$0x2] =	wrdreg s24  }
0xaf: {  	[dreg:$0x3] =	wrdreg s2  }
0xb0: {  	[dreg:$0x4] =	wrdreg $0xBEA00  }
0xb1: {  	[dreg:$0x5] =	wrdreg $0x9  }
0xb2: {  	_ =	task.clear_ibuf [dreg:s7], $0x6FFFF;
	_ =	strace $0x90000049  }
0xb3: {  	s29 =	simm.s32 $0x9;
	_ =	strace $0x8000004B  }
0xb4: {  	_ =	swait.ge [sflag:s29], $0x1  }
0xb5: {  	[sflag:s29] =	ssyncadd.s32 $0xFFFFFFFF  }
0xb6: {  	_ =	strace $0x9000004B  }
0xb7: {  	_ =	sfence  }
0xb8: {  	s30 =	sld [smem:$0x0];
	_ =	sdelay $0x2  }
0xb9: {  	s31 =	sshll.u32 s1, $0xD;
	s1 =	sshrl.u32 s1, $0x2  }
0xba: {  	s3 =	sand.u32 $0x4000, s31;
	s1 =	sadd.s32 s1, s30  }
0xbb: {  	s0 =	sor.u32 s3, s0;
	s1 =	sshll.u32 s1, $0x11  }
0xbc: {  	s0 =	sor.u32 s1, s0  }
0xbd: {  	s0 =	sadd.s32 $0x8F2B, s0  }
0xbe: {  	[sflag:s0] =	ssyncadd.remote.s32 $0x1  }
0xbf: {  	_ =	sfence.sel $0xFFFF  }
0xc0: {  	[dreg:$0x0] =	wrdreg $0xFFFFFFFF;
	(pc) =	sbr.abs _section_cstart, $3  }
0xc1: {  	[dreg:$0x1] =	wrdreg $0xFFFFFFFF  }
0xc2: {  	_ =	task.clear_ibuf [dreg:s7], $0x2FFFF;
	_ =	strace $0x9FFFFFFF  }
0xc3: {  	(tm) =	ssettm $0x7FFFFFFF  }
tec
execute0_lowered:
.L_overlay_start_1:
0x0: {  	(tag) =	ssettag $0x1  }
0x1: {  	s0 =	rddreg [dreg:$0x0]  }
0x2: {  	s2 =	rddreg [dreg:$0x1];
	s1 =	srdreg.scid  }
0x3: {  	s11 =	stileid.u32;
	s3 =	rddreg [dreg:$0x2]  }
0x4: {  	s4 =	simm.s32 $0x0;
	s28 =	simm.s32 $0xD0;
	s29 =	simm.s32 $0x65A0  }
0x5: {  	s30 =	simm.s32 $0x138;
	s31 =	simm.s32 $0x6BE0;
	s15 =	simm.s32 $0x3  }
0x6: {  	s16 =	simm.s32 $0x1;
	s17 =	simm.s32 $0x0;
	s6 =	smul.u32 $0x280, s11  }
0x7: {  	s1 =	sand.u32 $0x1, s1;
	[smem:$0x7FF] =	sst s4;
	s9 =	smul.u32 $0x50000, s11  }
0x8: {  	s5 =	sadd.s32 $0x1000, s0;
	s7 =	smul.u32 $0x2800, s1;
	s21 =	ssub.s32 $0x2, s1  }
0x9: {  	_ =	strace $0x8000004A;
	s1 =	sshll.u32 s1, $0x4;
	s10 =	sshrl.u32 s21, $0x1  }
0xa: {  	s9 =	sshrl.u32 s9, $0x2;
	s1 =	sor.u32 s11, s1;
	s10 =	ssub.s32 s21, s10  }
0xb: {  	s7 =	sadd.s32 s6, s7;
	s13 =	sadd.s32 s9, s3;
	s26 =	smax.u32 s10, $0x1  }
0xc: {  	s6 =	sadd.s32 $0x15600, s0;
	s12 =	sadd.s32 $0x4000, s13;
	[dreg:$0xd] =	wrdreg s26  }
0xd: {  	s8 =	sshll.u32 s7, $0x4;
	s18 =	sadd.s32 $0x8000, s13;
	[dreg:$0x4] =	wrdreg s12  }
0xe: {  	s7 =	sadd.s32 $0x29800, s0;
	s19 =	sadd.s32 $0xC000, s13;
	[dreg:$0x5] =	wrdreg s18  }
0xf: {  	s20 =	sadd.s32 $0x10000, s13;
	s0 =	sadd.s32 s8, s0;
	[dreg:$0x6] =	wrdreg s19  }
0x10: {  	s11 =	smul.u32 $0x2710, s1;
	[dreg:$0x7] =	wrdreg s20;
	s22 =	sadd.s32 $0xC5C00, s0  }
0x11: {  	s14 =	smul.u32 $0x32, s1;
	s23 =	sadd.s32 $0xC6400, s0;
	[dreg:$0x8] =	wrdreg s22  }
0x12: {  	s21 =	simm.s32 $0x7EA0;
	s24 =	sadd.s32 $0xC6C00, s0;
	[dreg:$0x9] =	wrdreg s23  }
0x13: {  	s1 =	simm.s32 $0x7220;
	s25 =	sadd.s32 $0xC7400, s0;
	[dreg:$0xa] =	wrdreg s24  }
0x14: {  	s26 =	simm.s32 $0x33A0;
	s0 =	sadd.s32 $0xC7C00, s0;
	[dreg:$0xb] =	wrdreg s25  }
0x15: {  	[dreg:$0xc] =	wrdreg s0;
	s22 =	simm.s32 $0x4;
	s23 =	simm.s32 $0x64  }
0x16: {  	v0 =	vimm.f32 $0.0e+00;
	s24 =	simm.s32 $0x1A0;
	s25 =	simm.s32 $0x68;
	s0 =	simm.s32 $0x2  }
.LBB2_1:
0x17: {  	s9 =	simm.s32 $0x0;
	s10 =	simm.s32 $0x200  }
.LBB2_2:
0x18: {  	p0 =	sne.s32 s10, $0xFE00;
	[tilespmem:s9+$0x7F10] =	vst v0  }
0x19: {  	[tilespmem:s9+$0x7EA0] =	vst v0  }
0x1a: {  	[tilespmem:s9+$0x7EB0] =	vst v0  }
.Ltmp0:
0x1b: {  	[tilespmem:s9+$0x7EC0] =	vst v0;
	(pc) =	sbr.rel @p0 .LBB2_2-.Ltmp0, $4  }
0x1c: {  	[tilespmem:s9+$0x7ED0] =	vst v0  }
0x1d: {  	[tilespmem:s9+$0x7EE0] =	vst v0  }
0x1e: {  	[tilespmem:s9+$0x7EF0] =	vst v0  }
0x1f: {  	[tilespmem:s9+$0x7F00] =	vst v0;
	s9 =	sshra.s32 s10, $0x2;
	s10 =	sadd.s32 $0x200, s10  }
0x20: {  	[tilespmem:s9+$0x7F10] =	vst v0  }
0x21: {  	[tilespmem:s9+$0x7EA0] =	vst v0  }
0x22: {  	[tilespmem:s9+$0x7EB0] =	vst v0  }
0x23: {  	[tilespmem:s9+$0x7EC0] =	vst v0  }
0x24: {  	[tilespmem:s9+$0x7ED0] =	vst v0  }
0x25: {  	[tilespmem:s9+$0x7EE0] =	vst v0  }
0x26: {  	[tilespmem:s9+$0x7EF0] =	vst v0  }
0x27: {  	[tilespmem:s9+$0x7F00] =	vst v0  }
0x28: {  	[spmem:s13] =	stream.linear.scatter [tilespmem:s21], [sflag:$0x4], $0x4000, $0x38;
	[tilespmem:$0x1FEA0] =	vst v63  }
0x29: {  	_ =	swait.ge [sflag:s22], $0x4000  }
0x2a: {  	[sflag:s22] =	ssyncset.done $0x0  }
0x2b: {  	[sflag:s22] =	ssyncadd.s32 $0xFFFFC000  }
0x2c: {  	[spmem:s12] =	stream.linear.scatter [tilespmem:s21], [sflag:$0x4], $0x4000, $0x38;
	[tilespmem:$0x1FEA0] =	vst v63  }
0x2d: {  	_ =	swait.ge [sflag:s22], $0x4000  }
0x2e: {  	[sflag:s22] =	ssyncset.done $0x0  }
0x2f: {  	[sflag:s22] =	ssyncadd.s32 $0xFFFFC000  }
0x30: {  	[spmem:s18] =	stream.linear.scatter [tilespmem:s21], [sflag:$0x4], $0x4000, $0x38;
	[tilespmem:$0x1FEA0] =	vst v63  }
0x31: {  	_ =	swait.ge [sflag:s22], $0x4000  }
0x32: {  	[sflag:s22] =	ssyncset.done $0x0  }
0x33: {  	[sflag:s22] =	ssyncadd.s32 $0xFFFFC000  }
0x34: {  	[spmem:s19] =	stream.linear.scatter [tilespmem:s21], [sflag:$0x4], $0x4000, $0x38;
	[tilespmem:$0x1FEA0] =	vst v63  }
0x35: {  	_ =	swait.ge [sflag:s22], $0x4000  }
0x36: {  	[sflag:s22] =	ssyncset.done $0x0  }
0x37: {  	[sflag:s22] =	ssyncadd.s32 $0xFFFFC000  }
0x38: {  	[spmem:s20] =	stream.linear.scatter [tilespmem:s21], [sflag:$0x4], $0x4000, $0x38;
	[tilespmem:$0x1FEA0] =	vst v63  }
0x39: {  	_ =	swait.ge [sflag:s22], $0x4000  }
0x3a: {  	[sflag:s22] =	ssyncset.done $0x0  }
0x3b: {  	[sflag:s22] =	ssyncadd.s32 $0xFFFFC000  }
0x3c: {  	s8 =	smov.u32 s13;
	s18 =	simm.s32 $0x0;
	[bflag:$0x0] =	sbarrier.arrive $0xFFFF  }
.LBB2_4:
0x3d: {  	s9 =	sadd.s32 s14, s18  }
0x3e: {  	s9 =	smul.u32 $0x34, s9;
	_ =	sdelay $0x1  }
0x3f: {  	s9 =	sadd.s32 s5, s9  }
0x40: {  	[tilespmem:s4], [sflag:$0x4] =	stream.linear.gather [hbm4b:s9+s4], $0x1A0, $0x38;
	[tilespmem:$0x1FEA0] =	vst v63  }
0x41: {  	_ =	swait.ge [sflag:s22], $0x1A0  }
0x42: {  	[sflag:s22] =	ssyncset.done $0x0  }
0x43: {  	[sflag:s22] =	ssyncadd.s32 $0xFFFFFE60  }
0x44: {  	[tilespmem:s24], [sflag:$0x1] =	stream.indirect.gather [hbm4b:s2+s23], $0x80, s4, s23, $0xb8;
	[tilespmem:$0x1FEA0] =	vst v63  }
0x45: {  	s13 =	smul.u32 $0xC8, s18  }
0x46: {  	[tilespmem:s26], [sflag:$0x1] =	stream.indirect.gather [hbm4b:s2+s23], $0x80, s25, s23, $0xb8;
	[tilespmem:$0x1FEA0] =	vst v63  }
0x47: {  	s9 =	sadd.s32 s11, s13  }
0x48: {  	[tilespmem:s29], [sflag:$0x2] =	stream.indirect.gather [hbm4b:s6+s23], $0x10, s28, s23, $0xb8;
	[tilespmem:$0x1FEA0] =	vst v63  }
0x49: {  	s9 =	sshll.u32 s9, $0x1  }
0x4a: {  	[tilespmem:s31], [sflag:$0x2] =	stream.indirect.gather [hbm4b:s6+s23], $0x10, s30, s23, $0xb8;
	[tilespmem:$0x1FEA0] =	vst v63  }
0x4b: {  	s9 =	sadd.s32 s7, s9  }
0x4c: {  	[tilespmem:s1], [sflag:$0x3] =	stream.linear.gather [hbm4b:s9+s4], $0xC80, $0x38;
	[tilespmem:$0x1FEA0] =	vst v63  }
0x4d: {  	_ =	swait.ge [sflag:s0], $0x640  }
0x4e: {  	[sflag:s0] =	ssyncset.done $0x0  }
0x4f: {  	[sflag:s0] =	ssyncadd.s32 $0xFFFFF9C0  }
0x50: {  	_ =	swait.ge [sflag:s0], $0x640  }
0x51: {  	[sflag:s0] =	ssyncset.done $0x0  }
0x52: {  	[sflag:s0] =	ssyncadd.s32 $0xFFFFF9C0  }
0x53: {  	_ =	swait.ge [sflag:s15], $0xC80  }
0x54: {  	[sflag:s15] =	ssyncset.done $0x0  }
0x55: {  	[sflag:s15] =	ssyncadd.s32 $0xFFFFF380  }
0x56: {  	_ =	swait.ge [sflag:s16], $0x3200  }
0x57: {  	[sflag:s16] =	ssyncset.done $0x0  }
0x58: {  	s19 =	simm.s32 $0x10;
	[sflag:s16] =	ssyncadd.s32 $0xFFFFCE00  }
0x59: {  	v1 =	vld [tilespmem:s19+$0x7210]  }
0x5a: {  	v2 =	vld [tilespmem:s19+$0x6590];
	_ =	sdelay $0x2  }
0x5b: {  	s20 =	simm.s32 $0x220  }
0x5c: {  	v3 =	vld [tilespmem:s20+$0xFFFFFF80]  }
0x5d: {  	v4 =	vld [tilespmem:s20+$0xFFFFFF90];
	v2 =	vmul.f32 v2, v1  }
0x5e: {  	v1 =	vld [tilespmem:s20+$0xFFFFFFA0]  }
0x5f: {  	v6 =	vld [tilespmem:s20+$0xFFFFFFB0];
	v5 =	vbroadcast v2, $0x0  }
0x60: {  	v8 =	vbroadcast v2, $0x1  }
0x61: {  	v7 =	vld [tilespmem:s20+$0xFFFFFFE0];
	v9 =	vbroadcast v2, $0x2;
	v3 =	vmul.f32 v5, v3  }
0x62: {  	v62 =	vld [tilespmem:s20+$0xFFFFFFC0];
	v11 =	vbroadcast v2, $0x3;
	v4 =	vmul.f32 v4, v8  }
0x63: {  	v63 =	vbroadcast v2, $0x5;
	v5 =	vld [tilespmem:s20+$0xFFFFFFD0];
	v1 =	vmul.f32 v1, v9;
	[tilespmem:s20+$0xFFFFFF80] =	vst v3  }
0x64: {  	v10 =	vld [tilespmem:s20+$0xFFFFFFF0];
	v3 =	vbroadcast v2, $0x6;
	[tilespmem:s20+$0xFFFFFF90] =	vst v4;
	v4 =	vmul.f32 v6, v11  }
0x65: {  	v6 =	vbroadcast v2, $0x7;
	v2 =	vbroadcast v2, $0x4  }
0x66: {  	[tilespmem:s20+$0xFFFFFFA0] =	vst v1;
	v3 =	vmul.f32 v7, v3  }
0x67: {  	[tilespmem:s20+$0xFFFFFFB0] =	vst v4;
	v2 =	vmul.f32 v62, v2  }
0x68: {  	v4 =	vmul.f32 v5, v63;
	[tilespmem:s20+$0xFFFFFFE0] =	vst v3  }
0x69: {  	v5 =	vmul.f32 v10, v6;
	[tilespmem:s20+$0xFFFFFFC0] =	vst v2  }
0x6a: {  	[tilespmem:s20+$0xFFFFFFD0] =	vst v4  }
0x6b: {  	[tilespmem:s20+$0xFFFFFFF0] =	vst v5  }
0x6c: {  	v3 =	vld [tilespmem:s19+$0x65A0]  }
0x6d: {  	v5 =	vld [tilespmem:s19+$0x7220];
	_ =	sdelay $0x1  }
0x6e: {  	v1 =	vld [tilespmem:s20+$0x10]  }
0x6f: {  	v2 =	vld [tilespmem:s20+$0x60]  }
0x70: {  	s10 =	simm.s32 $0x140;
	v4 =	vld [tilespmem:s20+$0x70]  }
0x71: {  	s12 =	simm.s32 $0x320;
	s9 =	simm.s32 $0x30;
	s19 =	simm.s32 $0x320;
	v3 =	vmul.f32 v3, v5;
	v5 =	vld [tilespmem:s20+$0x20]  }
.LBB2_5:
0x72: {  	p0 =	sne.s32 s10, $0x18C0  }
0x73: {  	s12 =	sadd.s32 $0x100, s12;
	v6 =	vld [tilespmem:s20+$0x50];
	s13 =	smov.u32 s10;
	s10 =	sadd.s32 $0x80, s10  }
0x74: {  	v7 =	vbroadcast v3, $0x0;
	v8 =	vld [tilespmem:s20+$0x30];
	v9 =	vbroadcast v3, $0x7  }
0x75: {  	v11 =	vbroadcast v3, $0x1;
	v12 =	vbroadcast v3, $0x2;
	v10 =	vld [tilespmem:s20+$0x0]  }
0x76: {  	v13 =	vbroadcast v3, $0x3;
	v14 =	vld [tilespmem:s20+$0x40];
	v4 =	vmul.f32 v4, v9  }
0x77: {  	v9 =	vbroadcast v3, $0x4;
	v5 =	vmul.f32 v5, v12  }
0x78: {  	v1 =	vmul.f32 v1, v11;
	v11 =	vbroadcast v3, $0x5;
	[tilespmem:s20+$0x70] =	vst v4  }
0x79: {  	v3 =	vbroadcast v3, $0x6;
	[tilespmem:s20+$0x20] =	vst v5;
	v4 =	vmul.f32 v8, v13  }
0x7a: {  	v5 =	vmul.f32 v7, v10;
	[tilespmem:s20+$0x10] =	vst v1;
	v1 =	vmul.f32 v6, v11  }
0x7b: {  	v2 =	vmul.f32 v2, v3;
	[tilespmem:s20+$0x30] =	vst v4;
	v4 =	vmul.f32 v14, v9  }
0x7c: {  	[tilespmem:s20+$0x50] =	vst v1  }
0x7d: {  	[tilespmem:s20+$0x60] =	vst v2  }
0x7e: {  	[tilespmem:s20+$0x0] =	vst v5  }
0x7f: {  	[tilespmem:s20+$0x40] =	vst v4;
	s20 =	smov.u32 s19;
	s19 =	smov.u32 s12  }
0x80: {  	v2 =	vld [tilespmem:s9+$0x7210]  }
0x81: {  	v3 =	vld [tilespmem:s9+$0x6590]  }
0x82: {  	v1 =	vld [tilespmem:s20+$0x10]  }
0x83: {  	s13 =	sshra.s32 s13, $0x2;
	v4 =	vld [tilespmem:s20+$0xFFFFFFF0]  }
0x84: {  	v5 =	vld [tilespmem:s20+$0xFFFFFF90]  }
0x85: {  	v6 =	vld [tilespmem:s20+$0xFFFFFF80]  }
0x86: {  	v2 =	vmul.f32 v3, v2;
	v3 =	vld [tilespmem:s20+$0xFFFFFFA0]  }
0x87: {  	v7 =	vld [tilespmem:s20+$0xFFFFFFE0]  }
0x88: {  	v8 =	vbroadcast v2, $0x0;
	v9 =	vld [tilespmem:s20+$0xFFFFFFB0];
	v10 =	vbroadcast v2, $0x5  }
0x89: {  	v11 =	vbroadcast v2, $0x1;
	v12 =	vbroadcast v2, $0x2;
	v13 =	vld [tilespmem:s20+$0xFFFFFFC0]  }
0x8a: {  	v6 =	vmul.f32 v8, v6;
	v8 =	vbroadcast v2, $0x3;
	v14 =	vld [tilespmem:s20+$0xFFFFFFD0]  }
0x8b: {  	v5 =	vmul.f32 v5, v11;
	v3 =	vmul.f32 v3, v12  }
0x8c: {  	v11 =	vbroadcast v2, $0x6;
	[tilespmem:s20+$0xFFFFFF80] =	vst v6;
	v6 =	vbroadcast v2, $0x4  }
0x8d: {  	v2 =	vbroadcast v2, $0x7;
	[tilespmem:s20+$0xFFFFFF90] =	vst v5;
	v5 =	vmul.f32 v9, v8  }
0x8e: {  	[tilespmem:s20+$0xFFFFFFA0] =	vst v3;
	v3 =	vmul.f32 v13, v6;
	v6 =	vmul.f32 v7, v11  }
0x8f: {  	v2 =	vmul.f32 v4, v2;
	[tilespmem:s20+$0xFFFFFFB0] =	vst v5;
	v5 =	vmul.f32 v14, v10  }
0x90: {  	[tilespmem:s20+$0xFFFFFFE0] =	vst v6  }
0x91: {  	[tilespmem:s20+$0xFFFFFFD0] =	vst v5  }
0x92: {  	[tilespmem:s20+$0xFFFFFFF0] =	vst v2  }
0x93: {  	[tilespmem:s20+$0xFFFFFFC0] =	vst v3  }
0x94: {  	v3 =	vld [tilespmem:s9+$0x65A0]  }
0x95: {  	v5 =	vld [tilespmem:s9+$0x7220];
	s9 =	smov.u32 s13  }
.Ltmp1:
0x96: {  	(pc) =	sbr.rel @p0 .LBB2_5-.Ltmp1, $4  }
0x97: {  	_ = 	snop  }
0x98: {  	v2 =	vld [tilespmem:s20+$0x60]  }
0x99: {  	v4 =	vld [tilespmem:s20+$0x70]  }
0x9a: {  	v3 =	vmul.f32 v3, v5;
	v5 =	vld [tilespmem:s20+$0x20]  }
0x9b: {  	_ = 	snop  }
0x9c: {  	v6 =	vld [tilespmem:s20+$0x30];
	v7 =	vbroadcast v3, $0x7  }
0x9d: {  	v8 =	vld [tilespmem:s20+$0x50];
	v11 =	vbroadcast v3, $0x1  }
0x9e: {  	v10 =	vld [tilespmem:s20+$0x0];
	v9 =	vbroadcast v3, $0x2;
	v4 =	vmul.f32 v4, v7  }
0x9f: {  	v7 =	vbroadcast v3, $0x3;
	v1 =	vmul.f32 v1, v11  }
0xa0: {  	v12 =	vld [tilespmem:s20+$0x40];
	v45 =	vbroadcast v3, $0x5;
	v5 =	vmul.f32 v5, v9;
	[tilespmem:s20+$0x70] =	vst v4  }
0xa1: {  	v4 =	vmul.f32 v6, v7;
	v6 =	vbroadcast v3, $0x0;
	[tilespmem:s20+$0x10] =	vst v1  }
0xa2: {  	v1 =	vmul.f32 v8, v45;
	[tilespmem:s20+$0x20] =	vst v5;
	v5 =	vbroadcast v3, $0x6  }
0xa3: {  	v3 =	vbroadcast v3, $0x4;
	[tilespmem:s20+$0x30] =	vst v4;
	v4 =	vmul.f32 v6, v10  }
0xa4: {  	[tilespmem:s20+$0x50] =	vst v1;
	v2 =	vmul.f32 v2, v5  }
0xa5: {  	v1 =	vmul.f32 v12, v3;
	[tilespmem:s20+$0x0] =	vst v4  }
0xa6: {  	[tilespmem:s20+$0x60] =	vst v2  }
0xa7: {  	[tilespmem:s20+$0x40] =	vst v1  }
0xa8: {  	v1 =	vld [tilespmem:s9+$0x7210]  }
0xa9: {  	v2 =	vld [tilespmem:s9+$0x6590];
	_ =	sdelay $0x3  }
0xaa: {  	v3 =	vld [tilespmem:s19+$0xFFFFFF80]  }
0xab: {  	v4 =	vld [tilespmem:s19+$0xFFFFFF90];
	v1 =	vmul.f32 v2, v1  }
0xac: {  	v2 =	vld [tilespmem:s19+$0xFFFFFFA0]  }
0xad: {  	v6 =	vld [tilespmem:s19+$0xFFFFFFB0];
	v5 =	vbroadcast v1, $0x0  }
0xae: {  	v46 =	vbroadcast v1, $0x1  }
0xaf: {  	v7 =	vld [tilespmem:s19+$0xFFFFFFE0];
	v47 =	vbroadcast v1, $0x2;
	v3 =	vmul.f32 v5, v3  }
0xb0: {  	v50 =	vld [tilespmem:s19+$0xFFFFFFC0];
	v49 =	vbroadcast v1, $0x3;
	v4 =	vmul.f32 v4, v46  }
0xb1: {  	v51 =	vbroadcast v1, $0x5;
	v5 =	vld [tilespmem:s19+$0xFFFFFFD0];
	v2 =	vmul.f32 v2, v47;
	[tilespmem:s19+$0xFFFFFF80] =	vst v3  }
0xb2: {  	v48 =	vld [tilespmem:s19+$0xFFFFFFF0];
	v3 =	vbroadcast v1, $0x6;
	[tilespmem:s19+$0xFFFFFF90] =	vst v4;
	v4 =	vmul.f32 v6, v49  }
0xb3: {  	v6 =	vbroadcast v1, $0x7;
	v1 =	vbroadcast v1, $0x4  }
0xb4: {  	[tilespmem:s19+$0xFFFFFFA0] =	vst v2;
	v2 =	vmul.f32 v7, v3  }
0xb5: {  	[tilespmem:s19+$0xFFFFFFB0] =	vst v4;
	v1 =	vmul.f32 v50, v1  }
0xb6: {  	v4 =	vmul.f32 v5, v51;
	[tilespmem:s19+$0xFFFFFFE0] =	vst v2  }
0xb7: {  	v5 =	vmul.f32 v48, v6;
	[tilespmem:s19+$0xFFFFFFC0] =	vst v1  }
0xb8: {  	[tilespmem:s19+$0xFFFFFFD0] =	vst v4  }
0xb9: {  	[tilespmem:s19+$0xFFFFFFF0] =	vst v5  }
0xba: {  	v1 =	vld [tilespmem:s9+$0x65A0]  }
0xbb: {  	v2 =	vld [tilespmem:s9+$0x7220];
	_ =	sdelay $0x3  }
0xbc: {  	v4 =	vld [tilespmem:s19+$0x70]  }
0xbd: {  	v1 =	vmul.f32 v1, v2;
	v2 =	vld [tilespmem:s19+$0x20]  }
0xbe: {  	v3 =	vld [tilespmem:s19+$0x10]  }
0xbf: {  	v6 =	vld [tilespmem:s19+$0x30];
	v7 =	vbroadcast v1, $0x7  }
0xc0: {  	v52 =	vld [tilespmem:s19+$0x50];
	v53 =	vbroadcast v1, $0x2  }
0xc1: {  	v5 =	vld [tilespmem:s19+$0x60];
	v55 =	vbroadcast v1, $0x1;
	v4 =	vmul.f32 v4, v7  }
0xc2: {  	v54 =	vld [tilespmem:s19+$0x0];
	v7 =	vbroadcast v1, $0x3;
	v2 =	vmul.f32 v2, v53  }
0xc3: {  	v56 =	vld [tilespmem:s19+$0x40];
	v57 =	vbroadcast v1, $0x5;
	v3 =	vmul.f32 v3, v55;
	[tilespmem:s19+$0x70] =	vst v4  }
0xc4: {  	v4 =	vbroadcast v1, $0x6;
	[tilespmem:s19+$0x20] =	vst v2;
	v2 =	vmul.f32 v6, v7  }
0xc5: {  	[tilespmem:s19+$0x10] =	vst v3;
	v3 =	vmul.f32 v52, v57;
	v6 =	vbroadcast v1, $0x0  }
0xc6: {  	v1 =	vbroadcast v1, $0x4;
	[tilespmem:s19+$0x30] =	vst v2;
	v2 =	vmul.f32 v5, v4  }
0xc7: {  	[tilespmem:s19+$0x50] =	vst v3;
	v4 =	vmul.f32 v6, v54  }
0xc8: {  	v1 =	vmul.f32 v56, v1;
	[tilespmem:s19+$0x60] =	vst v2  }
0xc9: {  	[tilespmem:s19+$0x0] =	vst v4  }
0xca: {  	[tilespmem:s19+$0x40] =	vst v1  }
0xcb: {  	[spmem:s3] =	stream.indirect.scatter.add.f32 [tilespmem:s24], [sflag:$0x1], $0x80, s28, s23, $0xb8;
	[tilespmem:$0x1FEA0] =	vst v63  }
0xcc: {  	_ =	swait.ge [sflag:s16], $0x3200  }
0xcd: {  	[sflag:s16] =	ssyncset.done $0x0  }
0xce: {  	s19 =	simm.s32 $0x0;
	[sflag:s16] =	ssyncadd.s32 $0xFFFFCE00  }
0xcf: {  	v1 =	vld [tilespmem:s19+$0x7860]  }
0xd0: {  	v2 =	vld [tilespmem:s19+$0x6BE0];
	_ =	sdelay $0x2  }
0xd1: {  	s20 =	simm.s32 $0x3490  }
0xd2: {  	v3 =	vld [tilespmem:s20+$0xFFFFFF10]  }
0xd3: {  	v4 =	vld [tilespmem:s20+$0xFFFFFF20];
	v2 =	vmul.f32 v2, v1  }
0xd4: {  	v1 =	vld [tilespmem:s20+$0xFFFFFF30]  }
0xd5: {  	v6 =	vld [tilespmem:s20+$0xFFFFFF40];
	v5 =	vbroadcast v2, $0x0  }
0xd6: {  	v7 =	vld [tilespmem:s20+$0xFFFFFF70];
	v58 =	vbroadcast v2, $0x1  }
0xd7: {  	v59 =	vld [tilespmem:s20+$0xFFFFFF60];
	v60 =	vbroadcast v2, $0x2;
	v3 =	vmul.f32 v5, v3  }
0xd8: {  	v61 =	vld [tilespmem:s20+$0xFFFFFF80];
	v5 =	vbroadcast v2, $0x3;
	v4 =	vmul.f32 v4, v58  }
0xd9: {  	v62 =	vld [tilespmem:s20+$0xFFFFFF50];
	v1 =	vmul.f32 v1, v60;
	[tilespmem:s20+$0xFFFFFF10] =	vst v3;
	v3 =	vbroadcast v2, $0x6  }
0xda: {  	v63 =	vbroadcast v2, $0x5;
	[tilespmem:s20+$0xFFFFFF20] =	vst v4;
	v4 =	vmul.f32 v6, v5  }
0xdb: {  	v5 =	vbroadcast v2, $0x7;
	[tilespmem:s20+$0xFFFFFF30] =	vst v1;
	v3 =	vmul.f32 v7, v3  }
0xdc: {  	v2 =	vbroadcast v2, $0x4;
	[tilespmem:s20+$0xFFFFFF40] =	vst v4;
	v4 =	vmul.f32 v59, v63  }
0xdd: {  	v5 =	vmul.f32 v61, v5;
	[tilespmem:s20+$0xFFFFFF70] =	vst v3  }
0xde: {  	v2 =	vmul.f32 v62, v2;
	[tilespmem:s20+$0xFFFFFF60] =	vst v4  }
0xdf: {  	[tilespmem:s20+$0xFFFFFF80] =	vst v5  }
0xe0: {  	[tilespmem:s20+$0xFFFFFF50] =	vst v2  }
0xe1: {  	v3 =	vld [tilespmem:s19+$0x6BF0]  }
0xe2: {  	v5 =	vld [tilespmem:s19+$0x7870];
	_ =	sdelay $0x1  }
0xe3: {  	v1 =	vld [tilespmem:s20+$0xFFFFFFA0]  }
0xe4: {  	v2 =	vld [tilespmem:s20+$0xFFFFFFF0]  }
0xe5: {  	s10 =	simm.s32 $0x100;
	v4 =	vld [tilespmem:s20+$0x0]  }
0xe6: {  	s12 =	simm.s32 $0x3590;
	s9 =	simm.s32 $0x20;
	s19 =	simm.s32 $0x3590;
	v3 =	vmul.f32 v3, v5;
	v5 =	vld [tilespmem:s20+$0xFFFFFFB0]  }
.LBB2_7:
0xe7: {  	p0 =	sne.s32 s10, $0x1880  }
0xe8: {  	s12 =	sadd.s32 $0x100, s12;
	v6 =	vld [tilespmem:s20+$0xFFFFFFE0];
	s13 =	smov.u32 s10;
	s10 =	sadd.s32 $0x80, s10  }
0xe9: {  	v7 =	vbroadcast v3, $0x0;
	v8 =	vld [tilespmem:s20+$0xFFFFFFC0];
	v9 =	vbroadcast v3, $0x7  }
0xea: {  	v11 =	vbroadcast v3, $0x1;
	v12 =	vbroadcast v3, $0x2;
	v10 =	vld [tilespmem:s20+$0xFFFFFF90]  }
0xeb: {  	v13 =	vbroadcast v3, $0x3;
	v14 =	vld [tilespmem:s20+$0xFFFFFFD0];
	v4 =	vmul.f32 v4, v9  }
0xec: {  	v9 =	vbroadcast v3, $0x4;
	v5 =	vmul.f32 v5, v12  }
0xed: {  	v1 =	vmul.f32 v1, v11;
	v11 =	vbroadcast v3, $0x5;
	[tilespmem:s20+$0x0] =	vst v4  }
0xee: {  	v3 =	vbroadcast v3, $0x6;
	[tilespmem:s20+$0xFFFFFFB0] =	vst v5;
	v4 =	vmul.f32 v8, v13  }
0xef: {  	v5 =	vmul.f32 v7, v10;
	[tilespmem:s20+$0xFFFFFFA0] =	vst v1;
	v1 =	vmul.f32 v6, v11  }
0xf0: {  	v2 =	vmul.f32 v2, v3;
	[tilespmem:s20+$0xFFFFFFC0] =	vst v4;
	v4 =	vmul.f32 v14, v9  }
0xf1: {  	[tilespmem:s20+$0xFFFFFFE0] =	vst v1  }
0xf2: {  	[tilespmem:s20+$0xFFFFFFF0] =	vst v2  }
0xf3: {  	[tilespmem:s20+$0xFFFFFF90] =	vst v5  }
0xf4: {  	[tilespmem:s20+$0xFFFFFFD0] =	vst v4;
	s20 =	smov.u32 s19;
	s19 =	smov.u32 s12  }
0xf5: {  	v2 =	vld [tilespmem:s9+$0x7860]  }
0xf6: {  	v3 =	vld [tilespmem:s9+$0x6BE0]  }
0xf7: {  	v1 =	vld [tilespmem:s20+$0xFFFFFFA0]  }
0xf8: {  	s13 =	sshra.s32 s13, $0x2;
	v4 =	vld [tilespmem:s20+$0xFFFFFF60]  }
0xf9: {  	v5 =	vld [tilespmem:s20+$0xFFFFFF20]  }
0xfa: {  	v6 =	vld [tilespmem:s20+$0xFFFFFF10]  }
0xfb: {  	v2 =	vmul.f32 v3, v2;
	v3 =	vld [tilespmem:s20+$0xFFFFFF30]  }
0xfc: {  	v7 =	vld [tilespmem:s20+$0xFFFFFF70]  }
0xfd: {  	v8 =	vbroadcast v2, $0x0;
	v9 =	vld [tilespmem:s20+$0xFFFFFF40];
	v10 =	vbroadcast v2, $0x5  }
0xfe: {  	v11 =	vbroadcast v2, $0x1;
	v12 =	vbroadcast v2, $0x2;
	v13 =	vld [tilespmem:s20+$0xFFFFFF50]  }
0xff: {  	v6 =	vmul.f32 v8, v6;
	v8 =	vbroadcast v2, $0x3;
	v14 =	vld [tilespmem:s20+$0xFFFFFF80]  }
0x100: {  	v5 =	vmul.f32 v5, v11;
	v3 =	vmul.f32 v3, v12  }
0x101: {  	v11 =	vbroadcast v2, $0x6;
	[tilespmem:s20+$0xFFFFFF10] =	vst v6;
	v6 =	vbroadcast v2, $0x4  }
0x102: {  	v2 =	vbroadcast v2, $0x7;
	[tilespmem:s20+$0xFFFFFF20] =	vst v5;
	v5 =	vmul.f32 v9, v8  }
0x103: {  	[tilespmem:s20+$0xFFFFFF30] =	vst v3;
	v3 =	vmul.f32 v13, v6;
	v6 =	vmul.f32 v7, v11  }
0x104: {  	v4 =	vmul.f32 v4, v10;
	[tilespmem:s20+$0xFFFFFF40] =	vst v5;
	v2 =	vmul.f32 v14, v2  }
0x105: {  	[tilespmem:s20+$0xFFFFFF70] =	vst v6  }
0x106: {  	[tilespmem:s20+$0xFFFFFF60] =	vst v4  }
0x107: {  	[tilespmem:s20+$0xFFFFFF80] =	vst v2  }
0x108: {  	[tilespmem:s20+$0xFFFFFF50] =	vst v3  }
0x109: {  	v3 =	vld [tilespmem:s9+$0x6BF0]  }
0x10a: {  	v5 =	vld [tilespmem:s9+$0x7870];
	s9 =	smov.u32 s13  }
.Ltmp2:
0x10b: {  	(pc) =	sbr.rel @p0 .LBB2_7-.Ltmp2, $4  }
0x10c: {  	_ = 	snop  }
0x10d: {  	v2 =	vld [tilespmem:s20+$0xFFFFFFF0]  }
0x10e: {  	v4 =	vld [tilespmem:s20+$0x0]  }
0x10f: {  	v3 =	vmul.f32 v3, v5;
	v5 =	vld [tilespmem:s20+$0xFFFFFFB0]  }
0x110: {  	_ = 	snop  }
0x111: {  	v7 =	vbroadcast v3, $0x7  }
0x112: {  	v6 =	vld [tilespmem:s20+$0xFFFFFFC0];
	v11 =	vbroadcast v3, $0x1  }
0x113: {  	v8 =	vld [tilespmem:s20+$0xFFFFFFE0];
	v33 =	vbroadcast v3, $0x6;
	v4 =	vmul.f32 v4, v7  }
0x114: {  	v10 =	vld [tilespmem:s20+$0xFFFFFF90];
	v9 =	vbroadcast v3, $0x2;
	v1 =	vmul.f32 v1, v11  }
0x115: {  	v12 =	vld [tilespmem:s20+$0xFFFFFFD0];
	v30 =	vbroadcast v3, $0x3;
	v2 =	vmul.f32 v2, v33;
	[tilespmem:s20+$0x0] =	vst v4  }
0x116: {  	v31 =	vbroadcast v3, $0x5;
	v5 =	vmul.f32 v5, v9;
	[tilespmem:s20+$0xFFFFFFA0] =	vst v1  }
0x117: {  	v34 =	vbroadcast v3, $0x0;
	v32 =	vmul.f32 v6, v30;
	[tilespmem:s20+$0xFFFFFFF0] =	vst v2  }
0x118: {  	v3 =	vbroadcast v3, $0x4;
	v1 =	vmul.f32 v8, v31;
	[tilespmem:s20+$0xFFFFFFB0] =	vst v5  }
0x119: {  	v35 =	vmul.f32 v34, v10;
	[tilespmem:s20+$0xFFFFFFC0] =	vst v32  }
0x11a: {  	[tilespmem:s20+$0xFFFFFFE0] =	vst v1;
	v1 =	vmul.f32 v12, v3  }
0x11b: {  	[tilespmem:s20+$0xFFFFFF90] =	vst v35  }
0x11c: {  	[tilespmem:s20+$0xFFFFFFD0] =	vst v1  }
0x11d: {  	v1 =	vld [tilespmem:s9+$0x7860]  }
0x11e: {  	v2 =	vld [tilespmem:s9+$0x6BE0];
	_ =	sdelay $0x3  }
0x11f: {  	v3 =	vld [tilespmem:s19+$0xFFFFFF10]  }
0x120: {  	v36 =	vld [tilespmem:s19+$0xFFFFFF20];
	v1 =	vmul.f32 v2, v1  }
0x121: {  	v38 =	vld [tilespmem:s19+$0xFFFFFF40]  }
0x122: {  	v41 =	vld [tilespmem:s19+$0xFFFFFF60];
	v37 =	vbroadcast v1, $0x0  }
0x123: {  	v2 =	vld [tilespmem:s19+$0xFFFFFF30];
	v40 =	vbroadcast v1, $0x1  }
0x124: {  	v44 =	vld [tilespmem:s19+$0xFFFFFF80];
	v43 =	vbroadcast v1, $0x3;
	v3 =	vmul.f32 v37, v3  }
0x125: {  	v39 =	vld [tilespmem:s19+$0xFFFFFF70];
	v46 =	vbroadcast v1, $0x5;
	v4 =	vmul.f32 v36, v40  }
0x126: {  	v45 =	vld [tilespmem:s19+$0xFFFFFF50];
	v42 =	vbroadcast v1, $0x2;
	v47 =	vmul.f32 v38, v43;
	[tilespmem:s19+$0xFFFFFF10] =	vst v3  }
0x127: {  	v48 =	vbroadcast v1, $0x7;
	v49 =	vmul.f32 v41, v46;
	[tilespmem:s19+$0xFFFFFF20] =	vst v4  }
0x128: {  	v2 =	vmul.f32 v2, v42;
	v3 =	vbroadcast v1, $0x6;
	[tilespmem:s19+$0xFFFFFF40] =	vst v47  }
0x129: {  	v5 =	vmul.f32 v44, v48;
	v1 =	vbroadcast v1, $0x4;
	[tilespmem:s19+$0xFFFFFF60] =	vst v49  }
0x12a: {  	[tilespmem:s19+$0xFFFFFF30] =	vst v2;
	v2 =	vmul.f32 v39, v3  }
0x12b: {  	[tilespmem:s19+$0xFFFFFF80] =	vst v5;
	v1 =	vmul.f32 v45, v1  }
0x12c: {  	[tilespmem:s19+$0xFFFFFF70] =	vst v2  }
0x12d: {  	[tilespmem:s19+$0xFFFFFF50] =	vst v1  }
0x12e: {  	v1 =	vld [tilespmem:s9+$0x6BF0]  }
0x12f: {  	v2 =	vld [tilespmem:s9+$0x7870];
	_ =	sdelay $0x4  }
0x130: {  	v50 =	vld [tilespmem:s19+$0x0];
	v1 =	vmul.f32 v1, v2  }
0x131: {  	v3 =	vld [tilespmem:s19+$0xFFFFFFA0]  }
0x132: {  	v56 =	vld [tilespmem:s19+$0xFFFFFF90];
	v53 =	vbroadcast v1, $0x7  }
0x133: {  	v2 =	vld [tilespmem:s19+$0xFFFFFFB0];
	v55 =	vbroadcast v1, $0x2;
	v57 =	vbroadcast v1, $0x1  }
0x134: {  	v59 =	vld [tilespmem:s19+$0xFFFFFFD0];
	v58 =	vbroadcast v1, $0x3;
	v60 =	vbroadcast v1, $0x5  }
0x135: {  	v52 =	vld [tilespmem:s19+$0xFFFFFFC0];
	v62 =	vbroadcast v1, $0x0;
	v4 =	vmul.f32 v50, v53  }
0x136: {  	v54 =	vld [tilespmem:s19+$0xFFFFFFE0];
	v61 =	vbroadcast v1, $0x6;
	v3 =	vmul.f32 v3, v57  }
0x137: {  	v51 =	vld [tilespmem:s19+$0xFFFFFFF0];
	v1 =	vbroadcast v1, $0x4;
	v63 =	vmul.f32 v62, v56;
	[tilespmem:s19+$0x0] =	vst v4  }
0x138: {  	v2 =	vmul.f32 v2, v55;
	[tilespmem:s19+$0xFFFFFFA0] =	vst v3  }
0x139: {  	v1 =	vmul.f32 v59, v1;
	[tilespmem:s19+$0xFFFFFF90] =	vst v63  }
0x13a: {  	[tilespmem:s19+$0xFFFFFFB0] =	vst v2;
	v2 =	vmul.f32 v52, v58  }
0x13b: {  	v3 =	vmul.f32 v54, v60;
	[tilespmem:s19+$0xFFFFFFD0] =	vst v1  }
0x13c: {  	[tilespmem:s19+$0xFFFFFFC0] =	vst v2;
	v2 =	vmul.f32 v51, v61  }
0x13d: {  	[tilespmem:s19+$0xFFFFFFE0] =	vst v3  }
0x13e: {  	s18 =	sadd.s32 $0x1, s18;
	[tilespmem:s19+$0xFFFFFFF0] =	vst v2  }
0x13f: {  	[spmem:s3] =	stream.indirect.scatter.add.f32 [tilespmem:s26], [sflag:$0x2], $0x80, s30, s23, $0xb8;
	[tilespmem:$0x1FEA0] =	vst v63  }
0x140: {  	p0 =	sne.s32 s18, $0x32;
	_ =	swait.ge [sflag:s16], $0x3200  }
.Ltmp3:
0x141: {  	[sflag:s16] =	ssyncset.done $0x0;
	(pc) =	sbr.rel @p0 .LBB2_4-.Ltmp3, $4  }
0x142: {  	[sflag:s16] =	ssyncadd.s32 $0xFFFFCE00  }
0x143: {  	_ =	swait.ge [sflag:s0], $0x3200  }
0x144: {  	[sflag:s0] =	ssyncset.done $0x0  }
0x145: {  	[sflag:s0] =	ssyncadd.s32 $0xFFFFCE00  }
0x146: {  	s9 =	stileid.u32  }
0x147: {  	[bflag:$0x0] =	sbarrier.arrive $0xFFFF;
	s9 =	sshll.u32 s9, $0x6  }
0x148: {  	s10 =	sshrl.u32 s8, $0x3;
	s20 =	rddreg [dreg:$0x8];
	s9 =	sor.u32 $0x1C04, s9  }
0x149: {  	[hbm:s20], [sflag:s9] =	dma.local [spmem:s10], $0x800  }
0x14a: {  	_ =	swait.ge [sflag:s22], $0x800  }
0x14b: {  	s13 =	smov.u32 s8;
	[sflag:s22] =	ssyncset.done $0x0;
	s12 =	rddreg [dreg:$0x4]  }
0x14c: {  	s18 =	rddreg [dreg:$0x9];
	[sflag:s22] =	ssyncadd.s32 $0xFFFFF800;
	s8 =	sshrl.u32 s12, $0x3  }
0x14d: {  	[hbm:s18], [sflag:s9] =	dma.local [spmem:s8], $0x800  }
0x14e: {  	_ =	swait.ge [sflag:s22], $0x800  }
0x14f: {  	[sflag:s22] =	ssyncset.done $0x0;
	s18 =	rddreg [dreg:$0x5]  }
0x150: {  	s20 =	rddreg [dreg:$0xa];
	[sflag:s22] =	ssyncadd.s32 $0xFFFFF800;
	s19 =	sshrl.u32 s18, $0x3  }
0x151: {  	[hbm:s20], [sflag:s9] =	dma.local [spmem:s19], $0x800  }
0x152: {  	_ =	swait.ge [sflag:s22], $0x800  }
0x153: {  	[sflag:s22] =	ssyncset.done $0x0;
	s19 =	rddreg [dreg:$0x6]  }
0x154: {  	s20 =	rddreg [dreg:$0xb];
	[sflag:s22] =	ssyncadd.s32 $0xFFFFF800;
	s8 =	sshrl.u32 s19, $0x3  }
0x155: {  	[hbm:s20], [sflag:s9] =	dma.local [spmem:s8], $0x800  }
0x156: {  	_ =	swait.ge [sflag:s22], $0x800  }
0x157: {  	[sflag:s22] =	ssyncset.done $0x0;
	s20 =	rddreg [dreg:$0x7]  }
0x158: {  	s8 =	rddreg [dreg:$0xc];
	[sflag:s22] =	ssyncadd.s32 $0xFFFFF800;
	s10 =	sshrl.u32 s20, $0x3  }
0x159: {  	[hbm:s8], [sflag:s9] =	dma.local [spmem:s10], $0x800  }
0x15a: {  	_ =	swait.ge [sflag:s22], $0x800  }
0x15b: {  	s17 =	sadd.s32 $0x1, s17;
	s10 =	rddreg [dreg:$0xd]  }
0x15c: {  	p0 =	sne.s32 s17, s10  }
.Ltmp4:
0x15d: {  	_ = 	snop;
	(pc) =	sbr.rel @p0 .LBB2_1-.Ltmp4, $3  }
0x15e: {  	_ =	sdelay $0x1  }
0x15f: {  	[sflag:s22] =	ssyncset.done $0x0  }
0x160: {  	[sflag:s22] =	ssyncadd.s32 $0xFFFFF800  }
0x161: {  	_ =	sfence.sel $0x180000  }
0x162: {  	[bflag:$0x0] =	sbarrier.arrive $0xFFFF  }
0x163: {  	_ =	strace $0x9000004A  }
0x164: {  	s0 =	stileid.u32;
	[bflag:$0x2] =	sbarrier.arrive $0xFFFF  }
0x165: {  	p0 =	sne.s32 s0, $0x0;
	s0 =	rddreg [dreg:$0x3]  }
0x166: {  	s0 =	sadd.s32 @!p0 $0x100000, s0  }
0x167: {  	[sflag:s0] =	ssyncadd.tile.s32 @!p0 $0x1;
	_ =	shalt  }
.Lfunc_end2:
_tile_overlayer_lowered:
.L_overlay_start_2:
0x168: {  	(tag) =	ssettag $0x2  }
0x169: {  	s0 =	rddreg [dreg:$0x0];
	s2 =	stileid.u32  }
0x16a: {  	s1 =	rddreg [dreg:$0x1];
	p0 =	sne.s32 s2, $0x0  }
0x16b: {  	s3 =	rddreg [dreg:$0x2];
	[bflag:$0x3] =	sbarrier.arrive $0xFFFF;
	s2 =	simm.s32 @!p0 $0x1C04  }
0x16c: {  	[timem:s3], [sflag:s2] =	dma.local @!p0 [hbm:s0], s1  }
0x16d: {  	s0 =	simm.s32 @!p0 $0x4  }
0x16e: {  	_ =	swait.ge @!p0 [sflag:s0], s1  }
0x16f: {  	s1 =	ssub.s32 @!p0 $0x0, s1;
	[sflag:s0] =	ssyncset.done @!p0 $0x0  }
0x170: {  	[sflag:s0] =	ssyncadd.s32 @!p0 s1  }
0x171: {  	[bflag:$0x3] =	sbarrier.arrive $0xFFFF  }
0x172: {  	_ =	shalt  }

// kernel: kernel.7.cloned.1.call-start
scs
__scs_entry_jumppad:
0x0: {  	(pc) =	sbr.rel $0x88, $3  }
0x1: {  	(tag) =	ssettag $0x0;
	lr =	simm.s32 $0x1  }
0x2: {  	[smem:$0x3F9A] =	sst lr;
	_ =	strace $0xD0000000  }
0x3: {  	_ = 	snop  }
0x4: {  	_ = 	snop  }
0x5: {  	_ = 	snop  }
0x6: {  	_ = 	snop  }
0x7: {  	_ = 	snop  }
__scs_overlays_trampoline_lowered:
0x8: {  	[smem:$0x3FA9] =	sst s0  }
0x9: {  	[smem:$0x3FAA] =	sst s1  }
0xa: {  	[smem:$0x3FAB] =	sst s2  }
0xb: {  	[smem:$0x3FAC] =	sst s3  }
0xc: {  	[smem:$0x3FAD] =	sst s4  }
0xd: {  	[smem:$0x3FAE] =	sst s5  }
0xe: {  	[smem:$0x3FAF] =	sst s6  }
0xf: {  	[smem:$0x3FB0] =	sst s7  }
0x10: {  	[smem:$0x3FB1] =	sst s8  }
0x11: {  	[smem:$0x3FB2] =	sst s9;
	s0 =	simm.s32 @!p0 $0x0  }
0x12: {  	s1 =	sld [smem:$0x3F98];
	s0 =	simm.s32 @p0 $0x1  }
0x13: {  	[smem:$0x3FB3] =	sst s0;
	s0 =	simm.s32 @!p1 $0x0  }
0x14: {  	s2 =	sld [smem:$0x3F97];
	s0 =	simm.s32 @p1 $0x1  }
0x15: {  	[smem:$0x3FB4] =	sst s0;
	s0 =	simm.s32 @!p2 $0x0  }
0x16: {  	s3 =	sld [smem:$0x3FDB];
	s0 =	simm.s32 @p2 $0x1  }
0x17: {  	s4 =	simm.s32 $0x1BF5;
	[smem:$0x3FB6] =	sst s0  }
0x18: {  	s0 =	sld [smem:$0x3F99];
	_ =	swait.ge [sflag:s4], $0x0  }
0x19: {  	s7 =	sld [smem:$0x3F9A]  }
0x1a: {  	s8 =	sadd.s32 $0xFFFFE003, lr  }
0x1b: {  	s9 =	sadd.s32 $0xFFFFFEF7, lr;
	s5 =	simm.s32 $0xFFFFFFFF;
	p2 =	slt.u32 s8, $0xFFFFF086  }
0x1c: {  	p1 =	slt.u32 s9, $0xF7A;
	s5 =	simm.s32 @!p2 $0x0  }
0x1d: {  	s5 =	simm.s32 @p1 $0x1;
	p0 =	seq.s32 s7, s2  }
0x1e: {  	s7 =	smul.u32 @!p0 $0xF7A, s2;
	p2 =	seq.s32 @!p0 s5, $0x0  }
0x1f: {  	s9 =	smul.u32 $0xF7A, s1;
	s8 =	simm.s32 @!p0 $0x1BF5;
	p2 =	por !p2, p0  }
0x20: {  	[sflag:s8] =	ssyncset.s32 @!p0 $0xFFFFF086;
	s6 =	sadd.s32 @!p0 s3, s7;
	s7 =	simm.s32 @!p0 $0x108  }
0x21: {  	s3 =	sadd.s32 s3, s9;
	s6 =	sadd.s32 @!p0 $0x88, s6;
	s7 =	simm.s32 @p2 $0x1082  }
0x22: {  	[simem:s7], [sflag:s8] =	dma.local @!p0 [hbm:s6], $0xF7A  }
0x23: {  	s9 =	sor.u32 $0xD0000000, s2;
	s6 =	simm.s32 $0x108;
	_ =	swait.ge @!p0 [sflag:s8], $0x0  }
0x24: {  	s3 =	sadd.s32 $0x88, s3;
	s6 =	simm.s32 @!p1 $0x1082;
	[sflag:s4] =	ssyncset.s32 $0xFFFFF086  }
0x25: {  	[simem:s6], [sflag:s4] =	dma.local [hbm:s3], $0xF7A  }
0x26: {  	[smem:$0x3F9A] =	sst s1;
	(tag) =	ssettag s2;
	_ =	strace s9  }
0x27: {  	s1 =	sld [smem:$0x3FAA]  }
0x28: {  	s2 =	sld [smem:$0x3FAB]  }
0x29: {  	s4 =	sld [smem:$0x3FAD]  }
0x2a: {  	p0 =	seq.s32 s5, $0x0;
	s5 =	sld [smem:$0x3FAE]  }
0x2b: {  	s6 =	sld [smem:$0x3FAF]  }
0x2c: {  	s7 =	sld [smem:$0x3FB0]  }
0x2d: {  	s3 =	simm.s32 $0x108;
	s8 =	sld [smem:$0x3FB1]  }
0x2e: {  	s3 =	simm.s32 @!p0 $0x1082;
	s9 =	sld [smem:$0x3FB2]  }
0x2f: {  	lr =	sadd.s32 s0, s3;
	s0 =	sld [smem:$0x3FA9]  }
0x30: {  	s3 =	sld [smem:$0x3FAC]  }
0x31: {  	[smem:$0x3FB5] =	sst s10  }
0x32: {  	s10 =	sld [smem:$0x3FB3];
	_ =	sdelay $0x3  }
0x33: {  	p0 =	seq.s32 s10, $0x1;
	s10 =	sld [smem:$0x3FB5];
	_ =	sdelay $0x3  }
0x34: {  	[smem:$0x3FB5] =	sst s10  }
0x35: {  	s10 =	sld [smem:$0x3FB4];
	_ =	sdelay $0x3  }
0x36: {  	p1 =	seq.s32 s10, $0x1;
	s10 =	sld [smem:$0x3FB5];
	_ =	sdelay $0x3  }
0x37: {  	[smem:$0x3FB5] =	sst s10  }
0x38: {  	s10 =	sld [smem:$0x3FB6]  }
0x39: {  	_ = 	snop;
	(pc) =	sbr.ind lr, $3  }
0x3a: {  	_ = 	snop  }
0x3b: {  	_ = 	snop  }
0x3c: {  	p2 =	seq.s32 s10, $0x1;
	s10 =	sld [smem:$0x3FB5]  }
0x3d: {  	_ =	shalt  }
0x3e: {  	_ =	shalt  }
0x3f: {  	_ =	shalt  }
0x40: {  	_ =	shalt  }
0x41: {  	_ =	shalt  }
0x42: {  	_ =	shalt  }
0x43: {  	_ =	shalt  }
0x44: {  	_ =	shalt  }
0x45: {  	_ =	shalt  }
0x46: {  	_ =	shalt  }
0x47: {  	_ =	shalt  }
0x48: {  	_ =	shalt  }
0x49: {  	_ =	shalt  }
0x4a: {  	_ =	shalt  }
0x4b: {  	_ =	shalt  }
0x4c: {  	_ =	shalt  }
0x4d: {  	_ =	shalt  }
0x4e: {  	_ =	shalt  }
0x4f: {  	_ =	shalt  }
0x50: {  	_ =	shalt  }
0x51: {  	_ =	shalt  }
0x52: {  	_ =	shalt  }
0x53: {  	_ =	shalt  }
0x54: {  	_ =	shalt  }
0x55: {  	_ =	shalt  }
0x56: {  	_ =	shalt  }
0x57: {  	_ =	shalt  }
0x58: {  	_ =	shalt  }
0x59: {  	_ =	shalt  }
0x5a: {  	_ =	shalt  }
0x5b: {  	_ =	shalt  }
0x5c: {  	_ =	shalt  }
0x5d: {  	_ =	shalt  }
0x5e: {  	_ =	shalt  }
0x5f: {  	_ =	shalt  }
0x60: {  	_ =	shalt  }
0x61: {  	_ =	shalt  }
0x62: {  	_ =	shalt  }
0x63: {  	_ =	shalt  }
0x64: {  	_ =	shalt  }
0x65: {  	_ =	shalt  }
0x66: {  	_ =	shalt  }
0x67: {  	_ =	shalt  }
0x68: {  	_ =	shalt  }
0x69: {  	_ =	shalt  }
0x6a: {  	_ =	shalt  }
0x6b: {  	_ =	shalt  }
0x6c: {  	_ =	shalt  }
0x6d: {  	_ =	shalt  }
0x6e: {  	_ =	shalt  }
0x6f: {  	_ =	shalt  }
0x70: {  	_ =	shalt  }
0x71: {  	_ =	shalt  }
0x72: {  	_ =	shalt  }
0x73: {  	_ =	shalt  }
0x74: {  	_ =	shalt  }
0x75: {  	_ =	shalt  }
0x76: {  	_ =	shalt  }
0x77: {  	_ =	shalt  }
0x78: {  	_ =	shalt  }
0x79: {  	_ =	shalt  }
0x7a: {  	_ =	shalt  }
0x7b: {  	_ =	shalt  }
0x7c: {  	_ =	shalt  }
0x7d: {  	_ =	shalt  }
0x7e: {  	_ =	shalt  }
0x7f: {  	_ =	shalt  }
0x80: {  	_ =	shalt  }
0x81: {  	_ =	shalt  }
0x82: {  	_ =	shalt  }
0x83: {  	_ =	shalt  }
0x84: {  	_ =	shalt  }
0x85: {  	_ =	shalt  }
0x86: {  	_ =	shalt  }
0x87: {  	_ =	shalt  }
.Lfunc_end0:
.L_simem_size_0:
called_computation_lowered:
.L_overlay_start_0:
0x88: {  	s2 =	sld [smem:$0x3FD9]  }
0x89: {  	s3 =	sld [smem:$0x3FFE];
	_ =	sdelay $0x1  }
0x8a: {  	s1 =	srdreg.scid  }
0x8b: {  	s0 =	sand.u32 $0x1, s1  }
0x8c: {  	s16 =	sshll.u32 s0, $0xA;
	s2 =	sadd.s32 s3, s2  }
0x8d: {  	s2 =	sadd.s32 s2, s16  }
0x8e: {  	[smem:$0x3FC1] =	sst s2  }
0x8f: {  	_ = 	snop  }
0x90: {  	(tm) =	ssettm $0x1  }
0x91: {  	s17 =	sld [smem:$0x3FFB];
	_ =	sdelay $0x3  }
0x92: {  	_ =	strace s17  }
0x93: {  	s2 =	sld [smem:$0x3FFC];
	_ =	sdelay $0x3  }
0x94: {  	_ =	strace s2  }
0x95: {  	s2 =	sld [smem:$0x3FFD];
	_ =	sdelay $0x3  }
0x96: {  	_ =	strace s2  }
0x97: {  	_ =	strace $0x8FFFFFFF  }
0x98: {  	s18 =	sld [smem:$0x3FDB];
	_ =	sdelay $0x1  }
0x99: {  	s19 =	simm.s32 $_scs_section_size  }
0x9a: {  	s4 =	simm.s32 $_size__tile_overlayer_lowered;
	s5 =	simm.s32 $_tile_overlayer_lowered  }
0x9b: {  	s22 =	simm.s32 $0x1BFF;
	s21 =	sshll.u32 s5, $0x1;
	s2 =	sadd.s32 s19, s18  }
0x9c: {  	s6 =	simm.s32 $0x0;
	s20 =	sshll.u32 s4, $0x1;
	s4 =	sadd.s32 s21, s2  }
0x9d: {  	[timem:s6], [sflag:s22] =	dma.local [hbm:s4], s20  }
0x9e: {  	_ =	swait.ge [sflag:s22], s20  }
0x9f: {  	s3 =	ssub.s32 $0x0, s20;
	[sflag:s22] =	ssyncset.done $0x0  }
0xa0: {  	[sflag:s22] =	ssyncadd.s32 s3;
	_ =	sdelay $0x1  }
0xa1: {  	s23 =	simm.s32 $0x1B8B  }
0xa2: {  	_ =	swait.ge [sflag:s23], $0x1  }
0xa3: {  	[sflag:s23] =	ssyncset.done $0x0  }
0xa4: {  	s25 =	simm.s32 $0x1B8E;
	s24 =	sld [smem:$0x3FFE];
	[sflag:s23] =	ssyncadd.s32 $0xFFFFFFFF  }
0xa5: {  	s26 =	simm.s32 $execute0_lowered;
	[smem:$0x3FD2] =	sst s25  }
0xa6: {  	s4 =	sshll.u32 s26, $0x1;
	_ =	strace $0x80000046;
	[dreg:$0x1] =	wrdreg $0xFFFFFFFF  }
0xa7: {  	s28 =	simm.s32 $_size_execute0_lowered;
	s2 =	sadd.s32 s2, s4;
	[dreg:$0x0] =	wrdreg $0x0  }
0xa8: {  	s4 =	sshll.u32 s28, $0x1;
	[dreg:$0x2] =	wrdreg s2  }
0xa9: {  	[dreg:$0x3] =	wrdreg s4  }
0xaa: {  	[dreg:$0x4] =	wrdreg $0xC0  }
0xab: {  	_ =	task [dreg:s6], $0x5FFFF  }
0xac: {  	[dreg:$0x1] =	wrdreg $0xFFFFFFFF  }
0xad: {  	[dreg:$0x0] =	wrdreg $0x60  }
0xae: {  	[dreg:$0x2] =	wrdreg s24  }
0xaf: {  	[dreg:$0x3] =	wrdreg $0x9ED00  }
0xb0: {  	[dreg:$0x4] =	wrdreg $0x9  }
0xb1: {  	_ =	task.clear_ibuf [dreg:s6], $0x5FFFF;
	_ =	strace $0x90000046  }
0xb2: {  	s29 =	simm.s32 $0x9;
	_ =	strace $0x80000048  }
0xb3: {  	_ =	swait.ge [sflag:s29], $0x1  }
0xb4: {  	[sflag:s29] =	ssyncadd.s32 $0xFFFFFFFF  }
0xb5: {  	_ =	strace $0x90000048  }
0xb6: {  	_ =	sfence  }
0xb7: {  	s30 =	sld [smem:$0x0];
	_ =	sdelay $0x2  }
0xb8: {  	s31 =	sshll.u32 s1, $0xD;
	s1 =	sshrl.u32 s1, $0x2  }
0xb9: {  	s3 =	sand.u32 $0x4000, s31;
	s1 =	sadd.s32 s1, s30  }
0xba: {  	s0 =	sor.u32 s3, s0;
	s1 =	sshll.u32 s1, $0x11  }
0xbb: {  	s0 =	sor.u32 s1, s0  }
0xbc: {  	s0 =	sadd.s32 $0x8F2B, s0  }
0xbd: {  	[sflag:s0] =	ssyncadd.remote.s32 $0x1  }
0xbe: {  	_ =	sfence.sel $0xFFFF  }
0xbf: {  	[dreg:$0x0] =	wrdreg $0xFFFFFFFF;
	(pc) =	sbr.abs _section_cstart, $3  }
0xc0: {  	[dreg:$0x1] =	wrdreg $0xFFFFFFFF  }
0xc1: {  	_ =	task.clear_ibuf [dreg:s6], $0x2FFFF;
	_ =	strace $0x9FFFFFFF  }
0xc2: {  	(tm) =	ssettm $0x7FFFFFFF  }
0xc3: {  	_ =	shalt  }
tec
execute0_lowered:
.L_overlay_start_1:
0x0: {  	(tag) =	ssettag $0x1  }
0x1: {  	s0 =	srdreg.scid;
	s1 =	rddreg [dreg:$0x0]  }
0x2: {  	s2 =	rddreg [dreg:$0x1];
	s7 =	stileid.u32  }
0x3: {  	s3 =	simm.s32 $0x0;
	s14 =	simm.s32 $0x5;
	s16 =	simm.s32 $0x64  }
0x4: {  	s17 =	simm.s32 $0x5140;
	s18 =	simm.s32 $0x5780;
	s19 =	simm.s32 $0x5DC0  }
0x5: {  	s20 =	simm.s32 $0x6400;
	s21 =	simm.s32 $0x1;
	s22 =	simm.s32 $0x2  }
0x6: {  	s23 =	simm.s32 $0x6A40;
	s24 =	simm.s32 $0x7080;
	s25 =	simm.s32 $0x3  }
0x7: {  	s26 =	simm.s32 $0x4;
	s28 =	simm.s32 $0x0;
	s0 =	sand.u32 $0x1, s0  }
0x8: {  	[smem:$0x7FF] =	sst s3;
	s8 =	smul.u32 $0x500, s7;
	s5 =	sadd.s32 $0x1A600, s1  }
0x9: {  	s6 =	sadd.s32 $0x1F600, s1;
	s12 =	smul.u32 $0xA000, s7;
	s4 =	sshll.u32 s0, $0x4  }
0xa: {  	_ =	strace $0x80000047;
	s11 =	smul.u32 $0x5000, s0;
	s0 =	ssub.s32 $0x2, s0  }
0xb: {  	s9 =	sor.u32 s7, s4;
	s7 =	sadd.s32 $0x29800, s1;
	s30 =	sshrl.u32 s0, $0x1  }
0xc: {  	s31 =	sshrl.u32 s12, $0x2;
	s4 =	smul.u32 $0xA28, s9;
	s0 =	ssub.s32 s0, s30  }
0xd: {  	s8 =	sadd.s32 s8, s11;
	s9 =	smul.u32 $0x2710, s9;
	s12 =	smax.u32 s0, $0x1  }
0xe: {  	s10 =	sadd.s32 s4, s1;
	s4 =	sadd.s32 $0x15600, s1;
	s1 =	sadd.s32 s8, s1  }
0xf: {  	v0 =	vimm.f32 $0.0e+00;
	s8 =	sadd.s32 s31, s2;
	s10 =	sadd.s32 $0x1000, s10;
	s11 =	sadd.s32 $0x1F800, s1  }
.LBB2_1:
0x10: {  	s0 =	simm.s32 $0x40;
	s1 =	simm.s32 $0x0  }
.LBB2_2:
0x11: {  	p0 =	sne.s32 s0, $0x9FC0;
	[tilespmem:s1+$0x76D0] =	vst v0;
	s1 =	smov.u32 s0;
	s0 =	sadd.s32 $0x40, s0  }
.Ltmp0:
0x12: {  	(pc) =	sbr.rel @p0 .LBB2_2-.Ltmp0, $2  }
0x13: {  	_ =	sdelay $0x2  }
0x14: {  	s1 =	sshra.s32 s1, $0x2  }
0x15: {  	[tilespmem:s1+$0x76D0] =	vst v0;
	s0 =	simm.s32 $0x76D0  }
0x16: {  	[spmem:s8] =	stream.linear.scatter [tilespmem:s0], [sflag:$0x5], $0x2800, $0x38;
	[tilespmem:$0xC6D0] =	vst v63  }
0x17: {  	_ =	swait.ge [sflag:s14], $0x2800  }
0x18: {  	[sflag:s14] =	ssyncset.done $0x0  }
0x19: {  	[sflag:s14] =	ssyncadd.s32 $0xFFFFD800  }
0x1a: {  	s29 =	simm.s32 $0x0;
	s31 =	simm.s32 $0x76C0;
	[bflag:$0x0] =	sbarrier.arrive $0xFFFF  }
0x1b: {  	[tilespmem:s31], [sflag:$0x5] =	stream.linear.gather [hbm4b:s6+s29], $0x10, $0x38;
	[tilespmem:$0xC6D0] =	vst v63  }
0x1c: {  	_ =	swait.ge [sflag:s14], $0x10  }
0x1d: {  	[sflag:s14] =	ssyncset.done $0x0  }
0x1e: {  	[sflag:s14] =	ssyncadd.s32 $0xFFFFFFF0  }
0x1f: {  	v1 =	vld [tilespmem:$0x76C0];
	[tilespmem:s29], [sflag:$0x5] =	stream.linear.gather [hbm4b:s10+s29], $0x5140, $0x38  }
0x20: {  	_ =	swait.ge [sflag:s14], $0x5140  }
0x21: {  	[sflag:s14] =	ssyncset.done $0x0  }
0x22: {  	[sflag:s14] =	ssyncadd.s32 $0xFFFFAEC0  }
.LBB2_4:
0x23: {  	s0 =	smul.u32 $0x680, s29;
	_ =	sdelay $0x1  }
0x24: {  	s0 =	sshra.s32 s0, $0x2  }
0x25: {  	[tilespmem:s17], [sflag:$0x1] =	stream.indirect.gather [hbm4b:s4+s16], $0x10, s0, s16, $0xb8;
	[tilespmem:$0xC6D0] =	vst v63  }
0x26: {  	s1 =	sadd.s32 $0x68, s0  }
0x27: {  	[tilespmem:s18], [sflag:$0x1] =	stream.indirect.gather [hbm4b:s4+s16], $0x10, s1, s16, $0xb8;
	[tilespmem:$0xC6D0] =	vst v63  }
0x28: {  	s30 =	sadd.s32 $0xD0, s0  }
0x29: {  	[tilespmem:s19], [sflag:$0x2] =	stream.indirect.gather [hbm4b:s5+s16], $0x10, s30, s16, $0xb8;
	[tilespmem:$0xC6D0] =	vst v63  }
0x2a: {  	s31 =	sadd.s32 $0x138, s0  }
0x2b: {  	[tilespmem:s20], [sflag:$0x2] =	stream.indirect.gather [hbm4b:s5+s16], $0x10, s31, s16, $0xb8;
	[tilespmem:$0xC6D0] =	vst v63  }
0x2c: {  	_ =	swait.ge [sflag:s21], $0x640  }
0x2d: {  	[sflag:s21] =	ssyncset.done $0x0  }
0x2e: {  	[sflag:s21] =	ssyncadd.s32 $0xFFFFF9C0  }
0x2f: {  	_ =	swait.ge [sflag:s21], $0x640  }
0x30: {  	[sflag:s21] =	ssyncset.done $0x0  }
0x31: {  	[sflag:s21] =	ssyncadd.s32 $0xFFFFF9C0  }
0x32: {  	_ =	swait.ge [sflag:s22], $0x640  }
0x33: {  	[sflag:s22] =	ssyncset.done $0x0  }
0x34: {  	[sflag:s22] =	ssyncadd.s32 $0xFFFFF9C0  }
0x35: {  	_ =	swait.ge [sflag:s22], $0x640  }
0x36: {  	[sflag:s22] =	ssyncset.done $0x0  }
0x37: {  	s0 =	simm.s32 $0x0;
	[sflag:s22] =	ssyncadd.s32 $0xFFFFF9C0  }
0x38: {  	v2 =	vld [tilespmem:s0+$0x5E30]  }
0x39: {  	v3 =	vld [tilespmem:s0+$0x5DC0]  }
0x3a: {  	v4 =	vld [tilespmem:s0+$0x5DE0]  }
0x3b: {  	v5 =	vld [tilespmem:s0+$0x5E00]  }
0x3c: {  	v6 =	vld [tilespmem:s0+$0x5E20]  }
0x3d: {  	v7 =	vld [tilespmem:s0+$0x5DF0]  }
0x3e: {  	v8 =	vld [tilespmem:s0+$0x5DD0]  }
0x3f: {  	v9 =	vld [tilespmem:s0+$0x5150]  }
0x40: {  	v10 =	vld [tilespmem:s0+$0x5180]  }
0x41: {  	v11 =	vld [tilespmem:s0+$0x5140]  }
0x42: {  	v12 =	vld [tilespmem:s0+$0x51A0]  }
0x43: {  	v13 =	vld [tilespmem:s0+$0x5160]  }
0x44: {  	v14 =	vld [tilespmem:s0+$0x5170]  }
0x45: {  	v15 =	vld [tilespmem:s0+$0x51B0];
	_ =	sdelay $0x1  }
0x46: {  	v8 =	vadd.f32 v8, v9  }
0x47: {  	v6 =	vadd.f32 v6, v12;
	v4 =	vadd.f32 v4, v13  }
0x48: {  	s13 =	simm.s32 $0x80;
	v16 =	vld [tilespmem:s0+$0x5E10];
	v5 =	vadd.f32 v5, v10;
	v7 =	vadd.f32 v7, v14  }
0x49: {  	v17 =	vld [tilespmem:s13+$0x5E00];
	v13 =	vadd.f32 v2, v15;
	v3 =	vadd.f32 v3, v11;
	v12 =	vmul.f32 $9.999999770e-03, v8  }
0x4a: {  	v9 =	vld [tilespmem:s0+$0x5190];
	vm0 =	vgt.f32 v8, $0.0e+00;
	v10 =	vmul.f32 $9.999999770e-03, v6;
	v14 =	vmul.f32 $9.999999770e-03, v4  }
0x4b: {  	v18 =	vld [tilespmem:s13+$0x5E20];
	vm1 =	vgt.f32 v6, $0.0e+00;
	v11 =	vmul.f32 $9.999999770e-03, v5;
	v15 =	vmul.f32 $9.999999770e-03, v3  }
0x4c: {  	v19 =	vld [tilespmem:s13+$0x5DD0];
	vm2 =	vgt.f32 v4, $0.0e+00;
	vm3 =	vgt.f32 v3, $0.0e+00;
	v8 =	vsel vm0, v8, v12  }
0x4d: {  	v20 =	vld [tilespmem:s13+$0x5DF0];
	v6 =	vsel vm1, v6, v10;
	v10 =	vmul.f32 $9.999999770e-03, v13;
	vm0 =	vgt.f32 v7, $0.0e+00  }
0x4e: {  	v21 =	vld [tilespmem:s13+$0x51A0];
	v12 =	vmul.f32 $9.999999770e-03, v7;
	vm1 =	vgt.f32 v13, $0.0e+00;
	v3 =	vsel vm3, v3, v15  }
0x4f: {  	v22 =	vld [tilespmem:s13+$0x5160];
	v4 =	vsel vm2, v4, v14;
	v9 =	vadd.f32 v16, v9;
	v6 =	vsub.f32 v6, v1  }
0x50: {  	v2 =	vld [tilespmem:s13+$0x5E30];
	v8 =	vsub.f32 v8, v1;
	v7 =	vsel vm0, v7, v12;
	vm0 =	vgt.f32 v5, $0.0e+00  }
0x51: {  	v16 =	vld [tilespmem:s13+$0x5DE0];
	v3 =	vsub.f32 v3, v1;
	v10 =	vsel vm1, v13, v10;
	v5 =	vsel vm0, v5, v11  }
0x52: {  	v13 =	vld [tilespmem:s13+$0x5180];
	v12 =	vmul.f32 $9.999999770e-03, v9;
	v6 =	vmul.f32 $1.442695020e+00, v6;
	v5 =	vsub.f32 v5, v1  }
0x53: {  	vm0 =	vgt.f32 v9, $0.0e+00;
	v11 =	vld [tilespmem:s13+$0x5150];
	v8 =	vmul.f32 $1.442695020e+00, v8;
	v23 =	vmul.f32 $1.442695020e+00, v3  }
0x54: {  	v3 =	vld [tilespmem:s13+$0x5DC0];
	v9 =	vsel vm0, v9, v12;
	(erf) = vpow2.f32 v6;
	v5 =	vmul.f32 $1.442695020e+00, v5  }
0x55: {  	v10 =	vsub.f32 v10, v1;
	v12 =	vld [tilespmem:s13+$0x51B0];
	v9 =	vsub.f32 v9, v1;
	(erf) = vpow2.f32 v8  }
0x56: {  	v4 =	vsub.f32 v4, v1;
	v6 =	vsub.f32 v7, v1;
	v8 =	vld [tilespmem:s13+$0x5170];
	(erf) = vpow2.f32 v5  }
0x57: {  	v14 =	vmul.f32 $1.442695020e+00, v10;
	v10 =	vld [tilespmem:s13+$0x5E10];
	v5 =	vmul.f32 $1.442695020e+00, v9  }
0x58: {  	v15 =	vmul.f32 $1.442695020e+00, v4;
	v63 =	vmul.f32 $1.442695020e+00, v6;
	v6 =	vld [tilespmem:s13+$0x5140];
	v7 =	vadd.f32 v19, v11  }
0x59: {  	v4 =	vadd.f32 v16, v22;
	(erf) = vpow2.f32 v5;
	v5 =	vadd.f32 v17, v13;
	v13 =	vld [tilespmem:s13+$0x5190]  }
0x5a: {  	v11 =	vadd.f32 v18, v21;
	v9 =	vmul.f32 $9.999999770e-03, v7;
	(erf) = vpow2.f32 v63  }
0x5b: {  	s15 =	simm.s32 $0x400;
	vm0 =	vgt.f32 v7, $0.0e+00;
	v8 =	vadd.f32 v20, v8;
	(erf) = vpow2.f32 v23  }
.LBB2_5:
0x5c: {  	s1 =	sshra.s32 s15, $0x2;
	p0 =	sne.s32 s15, $0x3000;
	s15 =	sadd.s32 $0x200, s15;
	v18 =	vmul.f32 $9.999999770e-03, v11;
	v12 =	vadd.f32 v2, v12;
	(erf) = vpow2.f32 v15  }
0x5d: {  	vm1 =	vgt.f32 v11, $0.0e+00;
	v2 =	vld [tilespmem:s1+$0x5E30];
	v15 =	vmul.f32 $9.999999770e-03, v4;
	v17 =	vpop (erf);
	(erf) = vpow2.f32 v14  }
0x5e: {  	v6 =	vadd.f32 v3, v6;
	v7 =	vsel vm0, v7, v9;
	v3 =	vld [tilespmem:s1+$0x5DC0];
	v9 =	vadd.f32 v10, v13;
	[tilespmem:s0+$0x6AA0] =	vst v17;
	v10 =	vpop (erf)  }
0x5f: {  	v13 =	vmul.f32 $9.999999770e-03, v5;
	v11 =	vsel vm1, v11, v18;
	v14 =	vmul.f32 $9.999999770e-03, v12;
	v17 =	vld [tilespmem:s1+$0x5DE0];
	v16 =	vpop (erf)  }
0x60: {  	v22 =	vmul.f32 $9.999999770e-03, v8;
	vm1 =	vgt.f32 v8, $0.0e+00;
	vm2 =	vgt.f32 v12, $0.0e+00;
	v18 =	vld [tilespmem:s1+$0x5E00];
	[tilespmem:s0+$0x6A80] =	vst v16  }
0x61: {  	vm0 =	vgt.f32 v4, $0.0e+00;
	v20 =	vmul.f32 $9.999999770e-03, v6;
	v11 =	vsub.f32 v11, v1;
	v16 =	vld [tilespmem:s1+$0x5E20];
	[tilespmem:s0+$0x6A50] =	vst v10  }
0x62: {  	v8 =	vsel vm1, v8, v22;
	vm1 =	vgt.f32 v5, $0.0e+00;
	v10 =	vmul.f32 $9.999999770e-03, v9;
	v21 =	vld [tilespmem:s1+$0x5DF0];
	v19 =	vpop (erf)  }
0x63: {  	vm3 =	vgt.f32 v6, $0.0e+00;
	v5 =	vsel vm1, v5, v13;
	vm1 =	vgt.f32 v9, $0.0e+00;
	v22 =	vld [tilespmem:s1+$0x5DD0];
	[tilespmem:s0+$0x6A90] =	vst v19;
	v13 =	vpop (erf)  }
0x64: {  	v7 =	vsub.f32 v7, v1;
	v5 =	vsub.f32 v5, v1;
	v11 =	vmul.f32 $1.442695020e+00, v11;
	v19 =	vld [tilespmem:s1+$0x5150];
	[tilespmem:s0+$0x6A70] =	vst v13;
	v13 =	vpop (erf)  }
0x65: {  	v20 =	vsel vm3, v6, v20;
	v9 =	vsel vm1, v9, v10;
	v10 =	vsel vm2, v12, v14;
	v23 =	vld [tilespmem:s1+$0x5180];
	[tilespmem:s0+$0x6A40] =	vst v13;
	v12 =	vpop (erf)  }
0x66: {  	v7 =	vmul.f32 $1.442695020e+00, v7;
	v5 =	vmul.f32 $1.442695020e+00, v5;
	v13 =	vsub.f32 v20, v1;
	v6 =	vld [tilespmem:s1+$0x5140];
	[tilespmem:s0+$0x6A60] =	vst v12;
	v12 =	vpop (erf)  }
0x67: {  	v4 =	vsel vm0, v4, v15;
	v9 =	vsub.f32 v9, v1;
	v20 =	vld [tilespmem:s1+$0x51A0];
	(erf) = vpow2.f32 v11;
	[tilespmem:s0+$0x6AB0] =	vst v12;
	s0 =	smov.u32 s13;
	s13 =	smov.u32 s1  }
0x68: {  	v8 =	vsub.f32 v8, v1;
	v25 =	vmul.f32 $1.442695020e+00, v13;
	v24 =	vld [tilespmem:s13+$0x5160];
	(erf) = vpow2.f32 v7  }
0x69: {  	v4 =	vsub.f32 v4, v1;
	v7 =	vadd.f32 v22, v19;
	v19 =	vld [tilespmem:s13+$0x5170];
	(erf) = vpow2.f32 v5  }
.Ltmp1:
0x6a: {  	v8 =	vmul.f32 $1.442695020e+00, v8;
	v11 =	vsub.f32 v10, v1;
	v5 =	vmul.f32 $1.442695020e+00, v9;
	v12 =	vld [tilespmem:s13+$0x51B0];
	(pc) =	sbr.rel @p0 .LBB2_5-.Ltmp1, $4  }
0x6b: {  	v15 =	vmul.f32 $1.442695020e+00, v4;
	v9 =	vmul.f32 $9.999999770e-03, v7;
	v10 =	vld [tilespmem:s13+$0x5E10]  }
0x6c: {  	v14 =	vmul.f32 $1.442695020e+00, v11;
	vm0 =	vgt.f32 v7, $0.0e+00;
	v13 =	vld [tilespmem:s13+$0x5190];
	(erf) = vpow2.f32 v5  }
0x6d: {  	v5 =	vadd.f32 v18, v23;
	v11 =	vadd.f32 v16, v20;
	(erf) = vpow2.f32 v8  }
0x6e: {  	v4 =	vadd.f32 v17, v24;
	v8 =	vadd.f32 v21, v19;
	(erf) = vpow2.f32 v25  }
0x6f: {  	v16 =	vmul.f32 $9.999999770e-03, v11;
	v2 =	vadd.f32 v2, v12;
	(erf) = vpow2.f32 v15  }
0x70: {  	vm1 =	vgt.f32 v11, $0.0e+00;
	v3 =	vadd.f32 v3, v6;
	v47 =	vsel vm0, v7, v9  }
0x71: {  	v49 =	vmul.f32 $9.999999770e-03, v5;
	vm14 =	vgt.f32 v5, $0.0e+00;
	v46 =	vmul.f32 $9.999999770e-03, v4  }
0x72: {  	(erf) = vpow2.f32 v14;
	vm12 =	vgt.f32 v8, $0.0e+00;
	v52 =	vmul.f32 $9.999999770e-03, v8  }
0x73: {  	vm2 =	vgt.f32 v4, $0.0e+00;
	v6 =	vsub.f32 v47, v1;
	v48 =	vadd.f32 v10, v13  }
0x74: {  	v50 =	vsel vm1, v11, v16;
	v51 =	vmul.f32 $9.999999770e-03, v2;
	vm13 =	vgt.f32 v2, $0.0e+00  }
0x75: {  	v53 =	vmul.f32 $9.999999770e-03, v3;
	vm3 =	vgt.f32 v3, $0.0e+00;
	v5 =	vsel vm14, v5, v49  }
0x76: {  	v10 =	vsub.f32 v50, v1;
	v8 =	vsel vm12, v8, v52;
	v54 =	vmul.f32 $9.999999770e-03, v48  }
0x77: {  	v5 =	vsub.f32 v5, v1;
	v6 =	vmul.f32 $1.442695020e+00, v6;
	vm15 =	vgt.f32 v48, $0.0e+00  }
0x78: {  	v4 =	vsel vm2, v4, v46;
	v55 =	vmul.f32 $1.442695020e+00, v10;
	v7 =	vsel vm15, v48, v54  }
0x79: {  	v3 =	vsel vm3, v3, v53;
	v8 =	vsub.f32 v8, v1;
	v7 =	vsub.f32 v7, v1  }
0x7a: {  	v56 =	vpop (erf);
	v2 =	vsel vm13, v2, v51;
	v5 =	vmul.f32 $1.442695020e+00, v5;
	(erf) = vpow2.f32 v55  }
0x7b: {  	v57 =	vpop (erf);
	v3 =	vsub.f32 v3, v1;
	(erf) = vpow2.f32 v6;
	v58 =	vmul.f32 $1.442695020e+00, v7  }
0x7c: {  	[tilespmem:s0+$0x6AA0] =	vst v56;
	v59 =	vpop (erf);
	v4 =	vsub.f32 v4, v1;
	v8 =	vmul.f32 $1.442695020e+00, v8;
	(erf) = vpow2.f32 v5  }
0x7d: {  	[tilespmem:s0+$0x6A50] =	vst v57;
	v2 =	vsub.f32 v2, v1;
	v60 =	vpop (erf);
	v3 =	vmul.f32 $1.442695020e+00, v3;
	(erf) = vpow2.f32 v58  }
0x7e: {  	[tilespmem:s0+$0x6A80] =	vst v59;
	v4 =	vmul.f32 $1.442695020e+00, v4;
	v61 =	vpop (erf);
	(erf) = vpow2.f32 v8  }
0x7f: {  	[tilespmem:s0+$0x6A90] =	vst v60;
	v2 =	vmul.f32 $1.442695020e+00, v2;
	v62 =	vpop (erf);
	(erf) = vpow2.f32 v3  }
0x80: {  	[tilespmem:s0+$0x6A70] =	vst v61;
	(erf) = vpow2.f32 v4  }
0x81: {  	[tilespmem:s0+$0x6A40] =	vst v62;
	v3 =	vpop (erf);
	(erf) = vpow2.f32 v2  }
0x82: {  	v63 =	vpop (erf);
	[tilespmem:s0+$0x6A60] =	vst v3  }
0x83: {  	[tilespmem:s0+$0x6AB0] =	vst v63;
	v2 =	vpop (erf)  }
0x84: {  	v3 =	vpop (erf);
	[tilespmem:s13+$0x6AA0] =	vst v2  }
0x85: {  	v2 =	vpop (erf);
	[tilespmem:s13+$0x6A50] =	vst v3  }
0x86: {  	[tilespmem:s13+$0x6A80] =	vst v2;
	v2 =	vpop (erf)  }
0x87: {  	s15 =	smul.u32 $0xC8, s29;
	[tilespmem:s13+$0x6A90] =	vst v2;
	v2 =	vpop (erf)  }
0x88: {  	[tilespmem:s13+$0x6A70] =	vst v2;
	v2 =	vpop (erf)  }
0x89: {  	s0 =	sadd.s32 s9, s15;
	[tilespmem:s13+$0x6A40] =	vst v2;
	v2 =	vpop (erf)  }
0x8a: {  	s0 =	sshll.u32 s0, $0x1;
	[tilespmem:s13+$0x6A60] =	vst v2;
	v2 =	vpop (erf)  }
0x8b: {  	s0 =	sadd.s32 s7, s0;
	[tilespmem:s13+$0x6AB0] =	vst v2  }
0x8c: {  	[hbm4b:s0+s3] =	stream.linear.scatter [tilespmem:s23], [sflag:$0x3], $0xC80, $0x38;
	[tilespmem:$0xC6D0] =	vst v63  }
0x8d: {  	_ = 	snop  }
0x8e: {  	[spmem:s2] =	stream.indirect.scatter.add.f32 [tilespmem:s23], [sflag:$0x4], $0x10, s30, s16, $0xb8;
	[tilespmem:$0xC6D0] =	vst v63  }
0x8f: {  	_ = 	snop  }
0x90: {  	[spmem:s2] =	stream.indirect.scatter.add.f32 [tilespmem:s24], [sflag:$0x4], $0x10, s31, s16, $0xb8;
	[tilespmem:$0xC6D0] =	vst v63  }
0x91: {  	_ =	swait.ge [sflag:s25], $0xC80  }
0x92: {  	[sflag:s25] =	ssyncset.done $0x0  }
0x93: {  	s29 =	sadd.s32 $0x1, s29;
	[sflag:s25] =	ssyncadd.s32 $0xFFFFF380  }
0x94: {  	p0 =	sne.s32 s29, $0x32;
	_ =	swait.ge [sflag:s26], $0x640  }
.Ltmp2:
0x95: {  	[sflag:s26] =	ssyncset.done $0x0;
	(pc) =	sbr.rel @p0 .LBB2_4-.Ltmp2, $4  }
0x96: {  	[sflag:s26] =	ssyncadd.s32 $0xFFFFF9C0  }
0x97: {  	_ =	swait.ge [sflag:s26], $0x640  }
0x98: {  	[sflag:s26] =	ssyncset.done $0x0  }
0x99: {  	[sflag:s26] =	ssyncadd.s32 $0xFFFFF9C0  }
0x9a: {  	s0 =	stileid.u32;
	s28 =	sadd.s32 $0x1, s28  }
0x9b: {  	[bflag:$0x0] =	sbarrier.arrive $0xFFFF;
	s0 =	sshll.u32 s0, $0x6;
	p0 =	sne.s32 s28, s12  }
.Ltmp3:
0x9c: {  	s1 =	sshrl.u32 s8, $0x3;
	s0 =	sor.u32 $0x1C05, s0;
	(pc) =	sbr.rel @p0 .LBB2_1-.Ltmp3, $4  }
0x9d: {  	[hbm:s11], [sflag:s0] =	dma.local [spmem:s1], $0x500  }
0x9e: {  	_ =	swait.ge [sflag:s14], $0x500  }
0x9f: {  	[sflag:s14] =	ssyncset.done $0x0  }
0xa0: {  	[sflag:s14] =	ssyncadd.s32 $0xFFFFFB00  }
0xa1: {  	_ =	sfence.sel $0x180000  }
0xa2: {  	[bflag:$0x0] =	sbarrier.arrive $0xFFFF  }
0xa3: {  	_ =	strace $0x90000047  }
0xa4: {  	s0 =	stileid.u32;
	[bflag:$0x2] =	sbarrier.arrive $0xFFFF  }
0xa5: {  	p0 =	sne.s32 s0, $0x0;
	s0 =	rddreg [dreg:$0x2]  }
0xa6: {  	s0 =	sadd.s32 @!p0 $0x100000, s0  }
0xa7: {  	[sflag:s0] =	ssyncadd.tile.s32 @!p0 $0x1;
	_ =	shalt  }
.Lfunc_end2:
_tile_overlayer_lowered:
.L_overlay_start_2:
0xa8: {  	(tag) =	ssettag $0x2  }
0xa9: {  	s0 =	rddreg [dreg:$0x0];
	s2 =	stileid.u32  }
0xaa: {  	s1 =	rddreg [dreg:$0x1];
	p0 =	sne.s32 s2, $0x0  }
0xab: {  	s3 =	rddreg [dreg:$0x2];
	[bflag:$0x3] =	sbarrier.arrive $0xFFFF;
	s2 =	simm.s32 @!p0 $0x1C05  }
0xac: {  	[timem:s3], [sflag:s2] =	dma.local @!p0 [hbm:s0], s1  }
0xad: {  	s0 =	simm.s32 @!p0 $0x5  }
0xae: {  	_ =	swait.ge @!p0 [sflag:s0], s1  }
0xaf: {  	s1 =	ssub.s32 @!p0 $0x0, s1;
	[sflag:s0] =	ssyncset.done @!p0 $0x0  }
0xb0: {  	[sflag:s0] =	ssyncadd.s32 @!p0 s1  }
0xb1: {  	[bflag:$0x3] =	sbarrier.arrive $0xFFFF  }
0xb2: {  	_ =	shalt  }

</sc_bundles>
